<compile_context>
chip_gen: v7x
topology: tpu7x:2x2x1
jax: 0.10.2.dev20260603
libtpu: 0.0.44.dev20260713+nightly
codegen_flags: <defaults>
</compile_context>

<pallas_src>
import functools

import jax
import jax.numpy as jnp
import numpy as np
from jax import lax
from jax.experimental import pallas as pl
from jax.experimental.pallas import tpu as pltpu
from jax.experimental.pallas import tpu_sc as plsc

D = 128
NS_SUBJ = 16
NS_REL = 9
NS_OBJ = 16
N_COMBO = NS_SUBJ * NS_REL * NS_OBJ
STACK = NS_SUBJ + NS_REL + NS_OBJ
STACK_PAD = 48

SC_CORES = 2
SC_SUBCORES = 16
SC_LANES = 16
NW = SC_CORES * SC_SUBCORES


def _build_selectors():
    v = np.arange(N_COMBO)
    es = np.zeros((N_COMBO, NS_SUBJ), np.float32)
    er = np.zeros((N_COMBO, NS_REL), np.float32)
    eo = np.zeros((N_COMBO, NS_OBJ), np.float32)
    es[v, v // (NS_REL * NS_OBJ)] = 1.0
    er[v, (v // NS_OBJ) % NS_REL] = 1.0
    eo[v, v % NS_OBJ] = 1.0
    return es, er, eo


_ES, _ER, _EO = _build_selectors()


def _fold_body(subj_ref, rel_ref, obj_ref, w_ref, b_ref, c_ref):
    dn_t = (((1,), (1,)), ((), ()))
    ps = lax.dot_general(subj_ref[...], w_ref[:, 0:D], dn_t,
                         preferred_element_type=jnp.float32)
    pr = lax.dot_general(rel_ref[...], w_ref[:, D:2 * D], dn_t,
                         preferred_element_type=jnp.float32)
    po = lax.dot_general(obj_ref[...], w_ref[:, 2 * D:3 * D], dn_t,
                         preferred_element_type=jnp.float32)
    po = po + b_ref[...]
    c = (jnp.reshape(ps, (NS_SUBJ, 1, 1, D))
         + jnp.reshape(pr, (1, NS_REL, 1, D))
         + jnp.reshape(po, (1, 1, NS_OBJ, D)))
    c_ref[...] = jnp.reshape(
        jnp.broadcast_to(c, (NS_SUBJ, NS_REL, NS_OBJ, D)), (N_COMBO, D))


def _build_combined_table(subj_table, rel_table, obj_table, W, b):
    return pl.pallas_call(
        _fold_body,
        out_shape=jax.ShapeDtypeStruct((N_COMBO, D), jnp.float32),
    )(subj_table, rel_table, obj_table, W, b.reshape(1, D))


def _gather_kernel_fn(B, b_per_w, n_chunks, G):
    mesh = plsc.VectorSubcoreMesh(core_axis_name="c", subcore_axis_name="s")

    @functools.partial(
        pl.kernel,
        mesh=mesh,
        out_type=jax.ShapeDtypeStruct((B, D), jnp.float32),
        scratch_types=[
            pltpu.VMEM((b_per_w,), jnp.int32),
            pltpu.VMEM((b_per_w,), jnp.int32),
            pltpu.VMEM((b_per_w,), jnp.int32),
            pltpu.VMEM((n_chunks, G), jnp.int32),
            pltpu.VMEM((n_chunks, G, D), jnp.float32),
            pltpu.VMEM_SHARED((N_COMBO, D), jnp.float32),
            pltpu.SemaphoreType.DMA((n_chunks,)),
            pltpu.SemaphoreType.DMA,
            pltpu.SemaphoreType.DMA,
        ],
    )
    def k(s_hbm, r_hbm, o_hbm, table_hbm, out_hbm,
          s_v, r_v, o_v, j_v, rows_v, shared_tbl, gsems, osem, tsem):
        sid = lax.axis_index("s")
        wid = sid * SC_CORES + lax.axis_index("c")
        base = wid * b_per_w
        rows_per_sub = N_COMBO // SC_SUBCORES
        tcp = pltpu.async_copy(table_hbm.at[pl.ds(sid * rows_per_sub,
                                                  rows_per_sub)],
                               shared_tbl.at[pl.ds(sid * rows_per_sub,
                                                   rows_per_sub)], tsem)
        scp = pltpu.async_copy(s_hbm.at[pl.ds(base, b_per_w)], s_v, gsems.at[0])
        rcp = pltpu.async_copy(r_hbm.at[pl.ds(base, b_per_w)], r_v, gsems.at[1])
        ocp = pltpu.async_copy(o_hbm.at[pl.ds(base, b_per_w)], o_v, gsems.at[2])
        scp.wait()
        rcp.wait()
        ocp.wait()

        for c in range(n_chunks):
            @pl.loop(0, G, step=SC_LANES)
            def _(i, c=c):
                src = pl.ds(c * G + i, SC_LANES)
                j_v[c, pl.ds(i, SC_LANES)] = (
                    s_v[src] * (NS_REL * NS_OBJ)
                    + r_v[src] * NS_OBJ
                    + o_v[src])

        n_hbm = 4
        gathers = [
            pltpu.async_copy(table_hbm.at[j_v.at[c]], rows_v.at[c],
                             gsems.at[c])
            for c in range(n_hbm)
        ]
        tcp.wait()
        plsc.subcore_barrier()
        gathers += [
            pltpu.async_copy(shared_tbl.at[j_v.at[c]], rows_v.at[c],
                             gsems.at[c])
            for c in range(n_hbm, n_chunks)
        ]
        writes = []
        for c in range(n_chunks):
            gathers[c].wait()
            writes.append(pltpu.async_copy(
                rows_v.at[c], out_hbm.at[pl.ds(base + c * G, G)], osem))
        for w in writes:
            w.wait()

    return k


def kernel(s, r, o, subj_table, rel_table, obj_table, W, b):
    B = s.shape[0]
    b_per_w = B // NW
    G = 32
    n_chunks = b_per_w // G

    table = _build_combined_table(subj_table, rel_table, obj_table, W, b)
    gk = _gather_kernel_fn(B, b_per_w, n_chunks, G)
    return gk(s.astype(jnp.int32), r.astype(jnp.int32), o.astype(jnp.int32),
              table)

# --- scband reference (transcript-rebuilt; emitter-appended) ---
"""Pipeline reference for scband-claim-embedder-78881369358556 (READ-ONLY COPY).

The authoritative reference and input builder live on the scoring server;
editing this copy changes nothing except your own understanding.
"""

import jax, jax.numpy as jnp
import numpy as np

EMBED_DIM = 128
N_SUBJ = 16
N_REL = 9
N_OBJ = 16
BATCH = 16384

def setup_inputs(seed: int = 0) -> dict:
    key = jax.random.key(seed)
    ks = jax.random.split(key, 8)
    s = jax.random.randint(ks[0], (BATCH,), 0, N_SUBJ, dtype=jnp.int64 if jax.config.jax_enable_x64 else jnp.int32)
    r = jax.random.randint(ks[1], (BATCH,), 0, N_REL, dtype=jnp.int64 if jax.config.jax_enable_x64 else jnp.int32)
    o = jax.random.randint(ks[2], (BATCH,), 0, N_OBJ, dtype=jnp.int64 if jax.config.jax_enable_x64 else jnp.int32)
    subj_table = jax.random.normal(ks[3], (N_SUBJ, EMBED_DIM), dtype=jnp.float32)
    rel_table = jax.random.normal(ks[4], (N_REL, EMBED_DIM), dtype=jnp.float32)
    obj_table = jax.random.normal(ks[5], (N_OBJ, EMBED_DIM), dtype=jnp.float32)
    W = jax.random.normal(ks[6], (EMBED_DIM, 3 * EMBED_DIM), dtype=jnp.float32) * (1.0 / np.sqrt(3 * EMBED_DIM))
    b = jax.random.normal(ks[7], (EMBED_DIM,), dtype=jnp.float32) * 0.01
    return {"s": s, "r": r, "o": o, "subj_table": subj_table, "rel_table": rel_table, "obj_table": obj_table, "W": W, "b": b}

def reference(s, r, o, subj_table, rel_table, obj_table, W, b):
    # Embedding lookups (gather), matching nn.Embedding
    se = jnp.take(subj_table, s, axis=0)
    re_ = jnp.take(rel_table, r, axis=0)
    oe = jnp.take(obj_table, o, axis=0)
    combined = jnp.concatenate([se, re_, oe], axis=-1)  # [B, 3*D]
    # nn.Linear: y = x @ W.T + b
    out = combined @ W.T + b
    return out

if __name__ == "__main__":
    import jax
    _d = setup_inputs()
    print(jax.jit(kernel)(*tuple(_d.values())))

</pallas_src>

<mosaic_0001>
#map = affine_map<(d0, d1) -> (0)>
#map1 = affine_map<(d0, d1) -> (0, 0)>
module attributes {stable_mosaic.version = 14 : i64} {
  func.func @k(%arg0: i32, %arg1: i32, %arg2: memref<16384xi32, #tpu.memory_space<hbm>>, %arg3: memref<16384xi32, #tpu.memory_space<hbm>>, %arg4: memref<16384xi32, #tpu.memory_space<hbm>>, %arg5: memref<2304x128xf32, #tpu.memory_space<hbm>>, %arg6: memref<16384x128xf32, #tpu.memory_space<hbm>>, %arg7: memref<512xi32, #tpu.memory_space<vmem>>, %arg8: memref<512xi32, #tpu.memory_space<vmem>>, %arg9: memref<512xi32, #tpu.memory_space<vmem>>, %arg10: memref<16x32xi32, #tpu.memory_space<vmem>>, %arg11: memref<16x32x128xf32, #tpu.memory_space<vmem>>, %arg12: memref<2304x128xf32, #tpu.memory_space<vmem_shared>>, %arg13: memref<16x!tpu.dma_semaphore, #tpu.memory_space<semaphore_mem>>, %arg14: memref<!tpu.dma_semaphore, #tpu.memory_space<semaphore_mem>>, %arg15: memref<!tpu.dma_semaphore, #tpu.memory_space<semaphore_mem>>) attributes {dimension_semantics = [#tpu.dimension_semantics<core_parallel>, #tpu.dimension_semantics<subcore_parallel>], iteration_bounds = array<i64: 2, 16>, scalar_prefetch = 0 : i64, scratch_operands = 9 : i64, tpu.core_type = #tpu.core_type<sc_vector_subcore>, window_params = [{transform_indices = #map}, {transform_indices = #map}, {transform_indices = #map}, {transform_indices = #map1}, {transform_indices = #map1}]} {
    %mul3A = arith.constant 2 : i32
    %mul3A_0 = arith.muli %arg1, %mul3A : i32
    %add3A = arith.addi %mul3A_0, %arg0 : i32
    %mul3A_1 = arith.constant 512 : i32
    %mul3A_2 = arith.muli %add3A, %mul3A_1 : i32
    %mul3A_3 = arith.constant 144 : i32
    %mul3A_4 = arith.muli %arg1, %mul3A_3 : i32
    %mul3A_5 = arith.constant 144 : i32
    %mul3A_6 = arith.muli %arg1, %mul3A_5 : i32
    %dma_start3A = arith.constant 0 : i32
    %dma_start3A_7 = tpu.memref_slice %arg12[%mul3A_6, %dma_start3A] : memref<2304x128xf32, #tpu.memory_space<vmem_shared>> -> memref<144x128xf32, #tpu.memory_space<vmem_shared>>
    %dma_start3A_8 = arith.constant 0 : i32
    %dma_start3A_9 = tpu.memref_slice %arg5[%mul3A_4, %dma_start3A_8] : memref<2304x128xf32, #tpu.memory_space<hbm>> -> memref<144x128xf32, #tpu.memory_space<hbm>>
    tpu.enqueue_dma source(%dma_start3A_9 : memref<144x128xf32, #tpu.memory_space<hbm>>) target(%dma_start3A_7 : memref<144x128xf32, #tpu.memory_space<vmem_shared>>) target_semaphore(%arg15 : memref<!tpu.dma_semaphore, #tpu.memory_space<semaphore_mem>>)
    %dma_start3A_10 = arith.constant 0 : i32
    %dma_start3A_11 = tpu.memref_slice %arg2[%mul3A_2] : memref<16384xi32, #tpu.memory_space<hbm>> -> memref<512xi32, #tpu.memory_space<hbm>>
    %dma_start3A_12 = tpu.memref_slice %arg13[%dma_start3A_10] : memref<16x!tpu.dma_semaphore, #tpu.memory_space<semaphore_mem>> -> memref<1x!tpu.dma_semaphore, #tpu.memory_space<semaphore_mem>>
    %dma_start3A_13 = tpu.memref_squeeze %dma_start3A_12 : memref<1x!tpu.dma_semaphore, #tpu.memory_space<semaphore_mem>> -> memref<!tpu.dma_semaphore, #tpu.memory_space<semaphore_mem>>
    %dma_start3A_14 = tpu.memref_slice %arg2[%mul3A_2] : memref<16384xi32, #tpu.memory_space<hbm>> -> memref<512xi32, #tpu.memory_space<hbm>>
    tpu.enqueue_dma source(%dma_start3A_14 : memref<512xi32, #tpu.memory_space<hbm>>) target(%arg7 : memref<512xi32, #tpu.memory_space<vmem>>) target_semaphore(%dma_start3A_13 : memref<!tpu.dma_semaphore, #tpu.memory_space<semaphore_mem>>)
    %dma_start3A_15 = arith.constant 1 : i32
    %dma_start3A_16 = tpu.memref_slice %arg3[%mul3A_2] : memref<16384xi32, #tpu.memory_space<hbm>> -> memref<512xi32, #tpu.memory_space<hbm>>
    %dma_start3A_17 = tpu.memref_slice %arg13[%dma_start3A_15] : memref<16x!tpu.dma_semaphore, #tpu.memory_space<semaphore_mem>> -> memref<1x!tpu.dma_semaphore, #tpu.memory_space<semaphore_mem>>
    %dma_start3A_18 = tpu.memref_squeeze %dma_start3A_17 : memref<1x!tpu.dma_semaphore, #tpu.memory_space<semaphore_mem>> -> memref<!tpu.dma_semaphore, #tpu.memory_space<semaphore_mem>>
    %dma_start3A_19 = tpu.memref_slice %arg3[%mul3A_2] : memref<16384xi32, #tpu.memory_space<hbm>> -> memref<512xi32, #tpu.memory_space<hbm>>
    tpu.enqueue_dma source(%dma_start3A_19 : memref<512xi32, #tpu.memory_space<hbm>>) target(%arg8 : memref<512xi32, #tpu.memory_space<vmem>>) target_semaphore(%dma_start3A_18 : memref<!tpu.dma_semaphore, #tpu.memory_space<semaphore_mem>>)
    %dma_start3A_20 = arith.constant 2 : i32
    %dma_start3A_21 = tpu.memref_slice %arg4[%mul3A_2] : memref<16384xi32, #tpu.memory_space<hbm>> -> memref<512xi32, #tpu.memory_space<hbm>>
    %dma_start3A_22 = tpu.memref_slice %arg13[%dma_start3A_20] : memref<16x!tpu.dma_semaphore, #tpu.memory_space<semaphore_mem>> -> memref<1x!tpu.dma_semaphore, #tpu.memory_space<semaphore_mem>>
    %dma_start3A_23 = tpu.memref_squeeze %dma_start3A_22 : memref<1x!tpu.dma_semaphore, #tpu.memory_space<semaphore_mem>> -> memref<!tpu.dma_semaphore, #tpu.memory_space<semaphore_mem>>
    %dma_start3A_24 = tpu.memref_slice %arg4[%mul3A_2] : memref<16384xi32, #tpu.memory_space<hbm>> -> memref<512xi32, #tpu.memory_space<hbm>>
    tpu.enqueue_dma source(%dma_start3A_24 : memref<512xi32, #tpu.memory_space<hbm>>) target(%arg9 : memref<512xi32, #tpu.memory_space<vmem>>) target_semaphore(%dma_start3A_23 : memref<!tpu.dma_semaphore, #tpu.memory_space<semaphore_mem>>)
    %dma_wait3A = arith.constant 0 : i32
    %dma_wait3A_25 = tpu.memref_slice %arg2[%mul3A_2] : memref<16384xi32, #tpu.memory_space<hbm>> -> memref<512xi32, #tpu.memory_space<hbm>>
    %dma_wait3A_26 = tpu.memref_slice %arg13[%dma_wait3A] : memref<16x!tpu.dma_semaphore, #tpu.memory_space<semaphore_mem>> -> memref<1x!tpu.dma_semaphore, #tpu.memory_space<semaphore_mem>>
    %dma_wait3A_27 = tpu.memref_squeeze %dma_wait3A_26 : memref<1x!tpu.dma_semaphore, #tpu.memory_space<semaphore_mem>> -> memref<!tpu.dma_semaphore, #tpu.memory_space<semaphore_mem>>
    %dma_wait3A_28 = tpu.memref_slice %arg2[%mul3A_2] : memref<16384xi32, #tpu.memory_space<hbm>> -> memref<512xi32, #tpu.memory_space<hbm>>
    tpu.wait_dma2 semaphore(%dma_wait3A_27 : memref<!tpu.dma_semaphore, #tpu.memory_space<semaphore_mem>>) src(%dma_wait3A_28 : memref<512xi32, #tpu.memory_space<hbm>>) dst(%arg7 : memref<512xi32, #tpu.memory_space<vmem>>)
    %dma_wait3A_29 = arith.constant 1 : i32
    %dma_wait3A_30 = tpu.memref_slice %arg3[%mul3A_2] : memref<16384xi32, #tpu.memory_space<hbm>> -> memref<512xi32, #tpu.memory_space<hbm>>
    %dma_wait3A_31 = tpu.memref_slice %arg13[%dma_wait3A_29] : memref<16x!tpu.dma_semaphore, #tpu.memory_space<semaphore_mem>> -> memref<1x!tpu.dma_semaphore, #tpu.memory_space<semaphore_mem>>
    %dma_wait3A_32 = tpu.memref_squeeze %dma_wait3A_31 : memref<1x!tpu.dma_semaphore, #tpu.memory_space<semaphore_mem>> -> memref<!tpu.dma_semaphore, #tpu.memory_space<semaphore_mem>>
    %dma_wait3A_33 = tpu.memref_slice %arg3[%mul3A_2] : memref<16384xi32, #tpu.memory_space<hbm>> -> memref<512xi32, #tpu.memory_space<hbm>>
    tpu.wait_dma2 semaphore(%dma_wait3A_32 : memref<!tpu.dma_semaphore, #tpu.memory_space<semaphore_mem>>) src(%dma_wait3A_33 : memref<512xi32, #tpu.memory_space<hbm>>) dst(%arg8 : memref<512xi32, #tpu.memory_space<vmem>>)
    %dma_wait3A_34 = arith.constant 2 : i32
    %dma_wait3A_35 = tpu.memref_slice %arg4[%mul3A_2] : memref<16384xi32, #tpu.memory_space<hbm>> -> memref<512xi32, #tpu.memory_space<hbm>>
    %dma_wait3A_36 = tpu.memref_slice %arg13[%dma_wait3A_34] : memref<16x!tpu.dma_semaphore, #tpu.memory_space<semaphore_mem>> -> memref<1x!tpu.dma_semaphore, #tpu.memory_space<semaphore_mem>>
    %dma_wait3A_37 = tpu.memref_squeeze %dma_wait3A_36 : memref<1x!tpu.dma_semaphore, #tpu.memory_space<semaphore_mem>> -> memref<!tpu.dma_semaphore, #tpu.memory_space<semaphore_mem>>
    %dma_wait3A_38 = tpu.memref_slice %arg4[%mul3A_2] : memref<16384xi32, #tpu.memory_space<hbm>> -> memref<512xi32, #tpu.memory_space<hbm>>
    tpu.wait_dma2 semaphore(%dma_wait3A_37 : memref<!tpu.dma_semaphore, #tpu.memory_space<semaphore_mem>>) src(%dma_wait3A_38 : memref<512xi32, #tpu.memory_space<hbm>>) dst(%arg9 : memref<512xi32, #tpu.memory_space<vmem>>)
    %scan3A = arith.constant 0 : i32
    %scan3A_39 = arith.constant 2 : i32
    %scan3A_40 = arith.addi %scan3A, %scan3A_39 : i32
    %scan3A_41 = arith.constant 1 : i32
    scf.for %scan3A_1050 = %scan3A to %scan3A_40 step %scan3A_41  : i32 {
      %mul3A_1051 = arith.constant 16 : i32
      %mul3A_1052 = arith.muli %scan3A_1050, %mul3A_1051 : i32
      %add3A_1053 = arith.constant 0 : i32
      %add3A_1054 = arith.addi %add3A_1053, %mul3A_1052 : i32
      %add3A_1055 = arith.constant 0 : i32
      %add3A_1056 = arith.addi %add3A_1055, %add3A_1054 : i32
      %get3A = arith.index_cast %add3A_1056 : i32 to index
      %get3A_1057 = tpu.vector_load %arg7[%get3A] {strides = array<i32>} : memref<512xi32, #tpu.memory_space<vmem>>, vector<16xi32>,
      %get3A_1058 = vector.shape_cast %get3A_1057 : vector<16xi32> to vector<16xi32>
      %mul3A_1059 = arith.constant 144 : i32
      %mul3A_1060 = vector.broadcast %mul3A_1059 : i32 to vector<16xi32>
      %mul3A_1061 = arith.muli %get3A_1058, %mul3A_1060 : vector<16xi32>
      %get3A_1062 = arith.index_cast %add3A_1056 : i32 to index
      %get3A_1063 = tpu.vector_load %arg8[%get3A_1062] {strides = array<i32>} : memref<512xi32, #tpu.memory_space<vmem>>, vector<16xi32>,
      %get3A_1064 = vector.shape_cast %get3A_1063 : vector<16xi32> to vector<16xi32>
      %mul3A_1065 = arith.constant 16 : i32
      %mul3A_1066 = vector.broadcast %mul3A_1065 : i32 to vector<16xi32>
      %mul3A_1067 = arith.muli %get3A_1064, %mul3A_1066 : vector<16xi32>
      %add3A_1068 = arith.addi %mul3A_1061, %mul3A_1067 : vector<16xi32>
      %get3A_1069 = arith.index_cast %add3A_1056 : i32 to index
      %get3A_1070 = tpu.vector_load %arg9[%get3A_1069] {strides = array<i32>} : memref<512xi32, #tpu.memory_space<vmem>>, vector<16xi32>,
      %get3A_1071 = vector.shape_cast %get3A_1070 : vector<16xi32> to vector<16xi32>
      %add3A_1072 = arith.addi %add3A_1068, %get3A_1071 : vector<16xi32>
      %swap3A = arith.constant 0 : i32
      %swap3A_1073 = arith.index_cast %swap3A : i32 to index
      %swap3A_1074 = arith.index_cast %add3A_1054 : i32 to index
      %swap3A_1075 = tpu.vector_load %arg10[%swap3A_1073, %swap3A_1074] {strides = array<i32>} : memref<16x32xi32, #tpu.memory_space<vmem>>, vector<1x16xi32>,
      %swap3A_1076 = vector.shape_cast %swap3A_1075 : vector<1x16xi32> to vector<16xi32>
      %swap3A_1077 = vector.shape_cast %add3A_1072 : vector<16xi32> to vector<1x16xi32>
      tpu.vector_store %arg10[%swap3A_1073, %swap3A_1074], %swap3A_1077 {strides = array<i32>} : memref<16x32xi32, #tpu.memory_space<vmem>>, vector<1x16xi32>,
    }
    %scan3A_42 = arith.constant 2 : i32
    %scan3A_43 = arith.constant 0 : i32
    %scan3A_44 = arith.constant 2 : i32
    %scan3A_45 = arith.addi %scan3A_43, %scan3A_44 : i32
    %scan3A_46 = arith.constant 1 : i32
    scf.for %scan3A_1050 = %scan3A_43 to %scan3A_45 step %scan3A_46  : i32 {
      %mul3A_1051 = arith.constant 16 : i32
      %mul3A_1052 = arith.muli %scan3A_1050, %mul3A_1051 : i32
      %add3A_1053 = arith.constant 0 : i32
      %add3A_1054 = arith.addi %add3A_1053, %mul3A_1052 : i32
      %add3A_1055 = arith.constant 32 : i32
      %add3A_1056 = arith.addi %add3A_1055, %add3A_1054 : i32
      %get3A = arith.index_cast %add3A_1056 : i32 to index
      %get3A_1057 = tpu.vector_load %arg7[%get3A] {strides = array<i32>} : memref<512xi32, #tpu.memory_space<vmem>>, vector<16xi32>,
      %get3A_1058 = vector.shape_cast %get3A_1057 : vector<16xi32> to vector<16xi32>
      %mul3A_1059 = arith.constant 144 : i32
      %mul3A_1060 = vector.broadcast %mul3A_1059 : i32 to vector<16xi32>
      %mul3A_1061 = arith.muli %get3A_1058, %mul3A_1060 : vector<16xi32>
      %get3A_1062 = arith.index_cast %add3A_1056 : i32 to index
      %get3A_1063 = tpu.vector_load %arg8[%get3A_1062] {strides = array<i32>} : memref<512xi32, #tpu.memory_space<vmem>>, vector<16xi32>,
      %get3A_1064 = vector.shape_cast %get3A_1063 : vector<16xi32> to vector<16xi32>
      %mul3A_1065 = arith.constant 16 : i32
      %mul3A_1066 = vector.broadcast %mul3A_1065 : i32 to vector<16xi32>
      %mul3A_1067 = arith.muli %get3A_1064, %mul3A_1066 : vector<16xi32>
      %add3A_1068 = arith.addi %mul3A_1061, %mul3A_1067 : vector<16xi32>
      %get3A_1069 = arith.index_cast %add3A_1056 : i32 to index
      %get3A_1070 = tpu.vector_load %arg9[%get3A_1069] {strides = array<i32>} : memref<512xi32, #tpu.memory_space<vmem>>, vector<16xi32>,
      %get3A_1071 = vector.shape_cast %get3A_1070 : vector<16xi32> to vector<16xi32>
      %add3A_1072 = arith.addi %add3A_1068, %get3A_1071 : vector<16xi32>
      %swap3A = arith.constant 1 : i32
      %swap3A_1073 = arith.index_cast %swap3A : i32 to index
      %swap3A_1074 = arith.index_cast %add3A_1054 : i32 to index
      %swap3A_1075 = tpu.vector_load %arg10[%swap3A_1073, %swap3A_1074] {strides = array<i32>} : memref<16x32xi32, #tpu.memory_space<vmem>>, vector<1x16xi32>,
      %swap3A_1076 = vector.shape_cast %swap3A_1075 : vector<1x16xi32> to vector<16xi32>
      %swap3A_1077 = vector.shape_cast %add3A_1072 : vector<16xi32> to vector<1x16xi32>
      tpu.vector_store %arg10[%swap3A_1073, %swap3A_1074], %swap3A_1077 {strides = array<i32>} : memref<16x32xi32, #tpu.memory_space<vmem>>, vector<1x16xi32>,
    }
    %scan3A_47 = arith.constant 2 : i32
    %scan3A_48 = arith.constant 0 : i32
    %scan3A_49 = arith.constant 2 : i32
    %scan3A_50 = arith.addi %scan3A_48, %scan3A_49 : i32
    %scan3A_51 = arith.constant 1 : i32
    scf.for %scan3A_1050 = %scan3A_48 to %scan3A_50 step %scan3A_51  : i32 {
      %mul3A_1051 = arith.constant 16 : i32
      %mul3A_1052 = arith.muli %scan3A_1050, %mul3A_1051 : i32
      %add3A_1053 = arith.constant 0 : i32
      %add3A_1054 = arith.addi %add3A_1053, %mul3A_1052 : i32
      %add3A_1055 = arith.constant 64 : i32
      %add3A_1056 = arith.addi %add3A_1055, %add3A_1054 : i32
      %get3A = arith.index_cast %add3A_1056 : i32 to index
      %get3A_1057 = tpu.vector_load %arg7[%get3A] {strides = array<i32>} : memref<512xi32, #tpu.memory_space<vmem>>, vector<16xi32>,
      %get3A_1058 = vector.shape_cast %get3A_1057 : vector<16xi32> to vector<16xi32>
      %mul3A_1059 = arith.constant 144 : i32
      %mul3A_1060 = vector.broadcast %mul3A_1059 : i32 to vector<16xi32>
      %mul3A_1061 = arith.muli %get3A_1058, %mul3A_1060 : vector<16xi32>
      %get3A_1062 = arith.index_cast %add3A_1056 : i32 to index
      %get3A_1063 = tpu.vector_load %arg8[%get3A_1062] {strides = array<i32>} : memref<512xi32, #tpu.memory_space<vmem>>, vector<16xi32>,
      %get3A_1064 = vector.shape_cast %get3A_1063 : vector<16xi32> to vector<16xi32>
      %mul3A_1065 = arith.constant 16 : i32
      %mul3A_1066 = vector.broadcast %mul3A_1065 : i32 to vector<16xi32>
      %mul3A_1067 = arith.muli %get3A_1064, %mul3A_1066 : vector<16xi32>
      %add3A_1068 = arith.addi %mul3A_1061, %mul3A_1067 : vector<16xi32>
      %get3A_1069 = arith.index_cast %add3A_1056 : i32 to index
      %get3A_1070 = tpu.vector_load %arg9[%get3A_1069] {strides = array<i32>} : memref<512xi32, #tpu.memory_space<vmem>>, vector<16xi32>,
      %get3A_1071 = vector.shape_cast %get3A_1070 : vector<16xi32> to vector<16xi32>
      %add3A_1072 = arith.addi %add3A_1068, %get3A_1071 : vector<16xi32>
      %swap3A = arith.constant 2 : i32
      %swap3A_1073 = arith.index_cast %swap3A : i32 to index
      %swap3A_1074 = arith.index_cast %add3A_1054 : i32 to index
      %swap3A_1075 = tpu.vector_load %arg10[%swap3A_1073, %swap3A_1074] {strides = array<i32>} : memref<16x32xi32, #tpu.memory_space<vmem>>, vector<1x16xi32>,
      %swap3A_1076 = vector.shape_cast %swap3A_1075 : vector<1x16xi32> to vector<16xi32>
      %swap3A_1077 = vector.shape_cast %add3A_1072 : vector<16xi32> to vector<1x16xi32>
      tpu.vector_store %arg10[%swap3A_1073, %swap3A_1074], %swap3A_1077 {strides = array<i32>} : memref<16x32xi32, #tpu.memory_space<vmem>>, vector<1x16xi32>,
    }
    %scan3A_52 = arith.constant 2 : i32
    %scan3A_53 = arith.constant 0 : i32
    %scan3A_54 = arith.constant 2 : i32
    %scan3A_55 = arith.addi %scan3A_53, %scan3A_54 : i32
    %scan3A_56 = arith.constant 1 : i32
    scf.for %scan3A_1050 = %scan3A_53 to %scan3A_55 step %scan3A_56  : i32 {
      %mul3A_1051 = arith.constant 16 : i32
      %mul3A_1052 = arith.muli %scan3A_1050, %mul3A_1051 : i32
      %add3A_1053 = arith.constant 0 : i32
      %add3A_1054 = arith.addi %add3A_1053, %mul3A_1052 : i32
      %add3A_1055 = arith.constant 96 : i32
      %add3A_1056 = arith.addi %add3A_1055, %add3A_1054 : i32
      %get3A = arith.index_cast %add3A_1056 : i32 to index
      %get3A_1057 = tpu.vector_load %arg7[%get3A] {strides = array<i32>} : memref<512xi32, #tpu.memory_space<vmem>>, vector<16xi32>,
      %get3A_1058 = vector.shape_cast %get3A_1057 : vector<16xi32> to vector<16xi32>
      %mul3A_1059 = arith.constant 144 : i32
      %mul3A_1060 = vector.broadcast %mul3A_1059 : i32 to vector<16xi32>
      %mul3A_1061 = arith.muli %get3A_1058, %mul3A_1060 : vector<16xi32>
      %get3A_1062 = arith.index_cast %add3A_1056 : i32 to index
      %get3A_1063 = tpu.vector_load %arg8[%get3A_1062] {strides = array<i32>} : memref<512xi32, #tpu.memory_space<vmem>>, vector<16xi32>,
      %get3A_1064 = vector.shape_cast %get3A_1063 : vector<16xi32> to vector<16xi32>
      %mul3A_1065 = arith.constant 16 : i32
      %mul3A_1066 = vector.broadcast %mul3A_1065 : i32 to vector<16xi32>
      %mul3A_1067 = arith.muli %get3A_1064, %mul3A_1066 : vector<16xi32>
      %add3A_1068 = arith.addi %mul3A_1061, %mul3A_1067 : vector<16xi32>
      %get3A_1069 = arith.index_cast %add3A_1056 : i32 to index
      %get3A_1070 = tpu.vector_load %arg9[%get3A_1069] {strides = array<i32>} : memref<512xi32, #tpu.memory_space<vmem>>, vector<16xi32>,
      %get3A_1071 = vector.shape_cast %get3A_1070 : vector<16xi32> to vector<16xi32>
      %add3A_1072 = arith.addi %add3A_1068, %get3A_1071 : vector<16xi32>
      %swap3A = arith.constant 3 : i32
      %swap3A_1073 = arith.index_cast %swap3A : i32 to index
      %swap3A_1074 = arith.index_cast %add3A_1054 : i32 to index
      %swap3A_1075 = tpu.vector_load %arg10[%swap3A_1073, %swap3A_1074] {strides = array<i32>} : memref<16x32xi32, #tpu.memory_space<vmem>>, vector<1x16xi32>,
      %swap3A_1076 = vector.shape_cast %swap3A_1075 : vector<1x16xi32> to vector<16xi32>
      %swap3A_1077 = vector.shape_cast %add3A_1072 : vector<16xi32> to vector<1x16xi32>
      tpu.vector_store %arg10[%swap3A_1073, %swap3A_1074], %swap3A_1077 {strides = array<i32>} : memref<16x32xi32, #tpu.memory_space<vmem>>, vector<1x16xi32>,
    }
    %scan3A_57 = arith.constant 2 : i32
    %scan3A_58 = arith.constant 0 : i32
    %scan3A_59 = arith.constant 2 : i32
    %scan3A_60 = arith.addi %scan3A_58, %scan3A_59 : i32
    %scan3A_61 = arith.constant 1 : i32
    scf.for %scan3A_1050 = %scan3A_58 to %scan3A_60 step %scan3A_61  : i32 {
      %mul3A_1051 = arith.constant 16 : i32
      %mul3A_1052 = arith.muli %scan3A_1050, %mul3A_1051 : i32
      %add3A_1053 = arith.constant 0 : i32
      %add3A_1054 = arith.addi %add3A_1053, %mul3A_1052 : i32
      %add3A_1055 = arith.constant 128 : i32
      %add3A_1056 = arith.addi %add3A_1055, %add3A_1054 : i32
      %get3A = arith.index_cast %add3A_1056 : i32 to index
      %get3A_1057 = tpu.vector_load %arg7[%get3A] {strides = array<i32>} : memref<512xi32, #tpu.memory_space<vmem>>, vector<16xi32>,
      %get3A_1058 = vector.shape_cast %get3A_1057 : vector<16xi32> to vector<16xi32>
      %mul3A_1059 = arith.constant 144 : i32
      %mul3A_1060 = vector.broadcast %mul3A_1059 : i32 to vector<16xi32>
      %mul3A_1061 = arith.muli %get3A_1058, %mul3A_1060 : vector<16xi32>
      %get3A_1062 = arith.index_cast %add3A_1056 : i32 to index
      %get3A_1063 = tpu.vector_load %arg8[%get3A_1062] {strides = array<i32>} : memref<512xi32, #tpu.memory_space<vmem>>, vector<16xi32>,
      %get3A_1064 = vector.shape_cast %get3A_1063 : vector<16xi32> to vector<16xi32>
      %mul3A_1065 = arith.constant 16 : i32
      %mul3A_1066 = vector.broadcast %mul3A_1065 : i32 to vector<16xi32>
      %mul3A_1067 = arith.muli %get3A_1064, %mul3A_1066 : vector<16xi32>
      %add3A_1068 = arith.addi %mul3A_1061, %mul3A_1067 : vector<16xi32>
      %get3A_1069 = arith.index_cast %add3A_1056 : i32 to index
      %get3A_1070 = tpu.vector_load %arg9[%get3A_1069] {strides = array<i32>} : memref<512xi32, #tpu.memory_space<vmem>>, vector<16xi32>,
      %get3A_1071 = vector.shape_cast %get3A_1070 : vector<16xi32> to vector<16xi32>
      %add3A_1072 = arith.addi %add3A_1068, %get3A_1071 : vector<16xi32>
      %swap3A = arith.constant 4 : i32
      %swap3A_1073 = arith.index_cast %swap3A : i32 to index
      %swap3A_1074 = arith.index_cast %add3A_1054 : i32 to index
      %swap3A_1075 = tpu.vector_load %arg10[%swap3A_1073, %swap3A_1074] {strides = array<i32>} : memref<16x32xi32, #tpu.memory_space<vmem>>, vector<1x16xi32>,
      %swap3A_1076 = vector.shape_cast %swap3A_1075 : vector<1x16xi32> to vector<16xi32>
      %swap3A_1077 = vector.shape_cast %add3A_1072 : vector<16xi32> to vector<1x16xi32>
      tpu.vector_store %arg10[%swap3A_1073, %swap3A_1074], %swap3A_1077 {strides = array<i32>} : memref<16x32xi32, #tpu.memory_space<vmem>>, vector<1x16xi32>,
    }
    %scan3A_62 = arith.constant 2 : i32
    %scan3A_63 = arith.constant 0 : i32
    %scan3A_64 = arith.constant 2 : i32
    %scan3A_65 = arith.addi %scan3A_63, %scan3A_64 : i32
    %scan3A_66 = arith.constant 1 : i32
    scf.for %scan3A_1050 = %scan3A_63 to %scan3A_65 step %scan3A_66  : i32 {
      %mul3A_1051 = arith.constant 16 : i32
      %mul3A_1052 = arith.muli %scan3A_1050, %mul3A_1051 : i32
      %add3A_1053 = arith.constant 0 : i32
      %add3A_1054 = arith.addi %add3A_1053, %mul3A_1052 : i32
      %add3A_1055 = arith.constant 160 : i32
      %add3A_1056 = arith.addi %add3A_1055, %add3A_1054 : i32
      %get3A = arith.index_cast %add3A_1056 : i32 to index
      %get3A_1057 = tpu.vector_load %arg7[%get3A] {strides = array<i32>} : memref<512xi32, #tpu.memory_space<vmem>>, vector<16xi32>,
      %get3A_1058 = vector.shape_cast %get3A_1057 : vector<16xi32> to vector<16xi32>
      %mul3A_1059 = arith.constant 144 : i32
      %mul3A_1060 = vector.broadcast %mul3A_1059 : i32 to vector<16xi32>
      %mul3A_1061 = arith.muli %get3A_1058, %mul3A_1060 : vector<16xi32>
      %get3A_1062 = arith.index_cast %add3A_1056 : i32 to index
      %get3A_1063 = tpu.vector_load %arg8[%get3A_1062] {strides = array<i32>} : memref<512xi32, #tpu.memory_space<vmem>>, vector<16xi32>,
      %get3A_1064 = vector.shape_cast %get3A_1063 : vector<16xi32> to vector<16xi32>
      %mul3A_1065 = arith.constant 16 : i32
      %mul3A_1066 = vector.broadcast %mul3A_1065 : i32 to vector<16xi32>
      %mul3A_1067 = arith.muli %get3A_1064, %mul3A_1066 : vector<16xi32>
      %add3A_1068 = arith.addi %mul3A_1061, %mul3A_1067 : vector<16xi32>
      %get3A_1069 = arith.index_cast %add3A_1056 : i32 to index
      %get3A_1070 = tpu.vector_load %arg9[%get3A_1069] {strides = array<i32>} : memref<512xi32, #tpu.memory_space<vmem>>, vector<16xi32>,
      %get3A_1071 = vector.shape_cast %get3A_1070 : vector<16xi32> to vector<16xi32>
      %add3A_1072 = arith.addi %add3A_1068, %get3A_1071 : vector<16xi32>
      %swap3A = arith.constant 5 : i32
      %swap3A_1073 = arith.index_cast %swap3A : i32 to index
      %swap3A_1074 = arith.index_cast %add3A_1054 : i32 to index
      %swap3A_1075 = tpu.vector_load %arg10[%swap3A_1073, %swap3A_1074] {strides = array<i32>} : memref<16x32xi32, #tpu.memory_space<vmem>>, vector<1x16xi32>,
      %swap3A_1076 = vector.shape_cast %swap3A_1075 : vector<1x16xi32> to vector<16xi32>
      %swap3A_1077 = vector.shape_cast %add3A_1072 : vector<16xi32> to vector<1x16xi32>
      tpu.vector_store %arg10[%swap3A_1073, %swap3A_1074], %swap3A_1077 {strides = array<i32>} : memref<16x32xi32, #tpu.memory_space<vmem>>, vector<1x16xi32>,
    }
    %scan3A_67 = arith.constant 2 : i32
    %scan3A_68 = arith.constant 0 : i32
    %scan3A_69 = arith.constant 2 : i32
    %scan3A_70 = arith.addi %scan3A_68, %scan3A_69 : i32
    %scan3A_71 = arith.constant 1 : i32
    scf.for %scan3A_1050 = %scan3A_68 to %scan3A_70 step %scan3A_71  : i32 {
      %mul3A_1051 = arith.constant 16 : i32
      %mul3A_1052 = arith.muli %scan3A_1050, %mul3A_1051 : i32
      %add3A_1053 = arith.constant 0 : i32
      %add3A_1054 = arith.addi %add3A_1053, %mul3A_1052 : i32
      %add3A_1055 = arith.constant 192 : i32
      %add3A_1056 = arith.addi %add3A_1055, %add3A_1054 : i32
      %get3A = arith.index_cast %add3A_1056 : i32 to index
      %get3A_1057 = tpu.vector_load %arg7[%get3A] {strides = array<i32>} : memref<512xi32, #tpu.memory_space<vmem>>, vector<16xi32>,
      %get3A_1058 = vector.shape_cast %get3A_1057 : vector<16xi32> to vector<16xi32>
      %mul3A_1059 = arith.constant 144 : i32
      %mul3A_1060 = vector.broadcast %mul3A_1059 : i32 to vector<16xi32>
      %mul3A_1061 = arith.muli %get3A_1058, %mul3A_1060 : vector<16xi32>
      %get3A_1062 = arith.index_cast %add3A_1056 : i32 to index
      %get3A_1063 = tpu.vector_load %arg8[%get3A_1062] {strides = array<i32>} : memref<512xi32, #tpu.memory_space<vmem>>, vector<16xi32>,
      %get3A_1064 = vector.shape_cast %get3A_1063 : vector<16xi32> to vector<16xi32>
      %mul3A_1065 = arith.constant 16 : i32
      %mul3A_1066 = vector.broadcast %mul3A_1065 : i32 to vector<16xi32>
      %mul3A_1067 = arith.muli %get3A_1064, %mul3A_1066 : vector<16xi32>
      %add3A_1068 = arith.addi %mul3A_1061, %mul3A_1067 : vector<16xi32>
      %get3A_1069 = arith.index_cast %add3A_1056 : i32 to index
      %get3A_1070 = tpu.vector_load %arg9[%get3A_1069] {strides = array<i32>} : memref<512xi32, #tpu.memory_space<vmem>>, vector<16xi32>,
      %get3A_1071 = vector.shape_cast %get3A_1070 : vector<16xi32> to vector<16xi32>
      %add3A_1072 = arith.addi %add3A_1068, %get3A_1071 : vector<16xi32>
      %swap3A = arith.constant 6 : i32
      %swap3A_1073 = arith.index_cast %swap3A : i32 to index
      %swap3A_1074 = arith.index_cast %add3A_1054 : i32 to index
      %swap3A_1075 = tpu.vector_load %arg10[%swap3A_1073, %swap3A_1074] {strides = array<i32>} : memref<16x32xi32, #tpu.memory_space<vmem>>, vector<1x16xi32>,
      %swap3A_1076 = vector.shape_cast %swap3A_1075 : vector<1x16xi32> to vector<16xi32>
      %swap3A_1077 = vector.shape_cast %add3A_1072 : vector<16xi32> to vector<1x16xi32>
      tpu.vector_store %arg10[%swap3A_1073, %swap3A_1074], %swap3A_1077 {strides = array<i32>} : memref<16x32xi32, #tpu.memory_space<vmem>>, vector<1x16xi32>,
    }
    %scan3A_72 = arith.constant 2 : i32
    %scan3A_73 = arith.constant 0 : i32
    %scan3A_74 = arith.constant 2 : i32
    %scan3A_75 = arith.addi %scan3A_73, %scan3A_74 : i32
    %scan3A_76 = arith.constant 1 : i32
    scf.for %scan3A_1050 = %scan3A_73 to %scan3A_75 step %scan3A_76  : i32 {
      %mul3A_1051 = arith.constant 16 : i32
      %mul3A_1052 = arith.muli %scan3A_1050, %mul3A_1051 : i32
      %add3A_1053 = arith.constant 0 : i32
      %add3A_1054 = arith.addi %add3A_1053, %mul3A_1052 : i32
      %add3A_1055 = arith.constant 224 : i32
      %add3A_1056 = arith.addi %add3A_1055, %add3A_1054 : i32
      %get3A = arith.index_cast %add3A_1056 : i32 to index
      %get3A_1057 = tpu.vector_load %arg7[%get3A] {strides = array<i32>} : memref<512xi32, #tpu.memory_space<vmem>>, vector<16xi32>,
      %get3A_1058 = vector.shape_cast %get3A_1057 : vector<16xi32> to vector<16xi32>
      %mul3A_1059 = arith.constant 144 : i32
      %mul3A_1060 = vector.broadcast %mul3A_1059 : i32 to vector<16xi32>
      %mul3A_1061 = arith.muli %get3A_1058, %mul3A_1060 : vector<16xi32>
      %get3A_1062 = arith.index_cast %add3A_1056 : i32 to index
      %get3A_1063 = tpu.vector_load %arg8[%get3A_1062] {strides = array<i32>} : memref<512xi32, #tpu.memory_space<vmem>>, vector<16xi32>,
      %get3A_1064 = vector.shape_cast %get3A_1063 : vector<16xi32> to vector<16xi32>
      %mul3A_1065 = arith.constant 16 : i32
      %mul3A_1066 = vector.broadcast %mul3A_1065 : i32 to vector<16xi32>
      %mul3A_1067 = arith.muli %get3A_1064, %mul3A_1066 : vector<16xi32>
      %add3A_1068 = arith.addi %mul3A_1061, %mul3A_1067 : vector<16xi32>
      %get3A_1069 = arith.index_cast %add3A_1056 : i32 to index
      %get3A_1070 = tpu.vector_load %arg9[%get3A_1069] {strides = array<i32>} : memref<512xi32, #tpu.memory_space<vmem>>, vector<16xi32>,
      %get3A_1071 = vector.shape_cast %get3A_1070 : vector<16xi32> to vector<16xi32>
      %add3A_1072 = arith.addi %add3A_1068, %get3A_1071 : vector<16xi32>
      %swap3A = arith.constant 7 : i32
      %swap3A_1073 = arith.index_cast %swap3A : i32 to index
      %swap3A_1074 = arith.index_cast %add3A_1054 : i32 to index
      %swap3A_1075 = tpu.vector_load %arg10[%swap3A_1073, %swap3A_1074] {strides = array<i32>} : memref<16x32xi32, #tpu.memory_space<vmem>>, vector<1x16xi32>,
      %swap3A_1076 = vector.shape_cast %swap3A_1075 : vector<1x16xi32> to vector<16xi32>
      %swap3A_1077 = vector.shape_cast %add3A_1072 : vector<16xi32> to vector<1x16xi32>
      tpu.vector_store %arg10[%swap3A_1073, %swap3A_1074], %swap3A_1077 {strides = array<i32>} : memref<16x32xi32, #tpu.memory_space<vmem>>, vector<1x16xi32>,
    }
    %scan3A_77 = arith.constant 2 : i32
    %scan3A_78 = arith.constant 0 : i32
    %scan3A_79 = arith.constant 2 : i32
    %scan3A_80 = arith.addi %scan3A_78, %scan3A_79 : i32
    %scan3A_81 = arith.constant 1 : i32
    scf.for %scan3A_1050 = %scan3A_78 to %scan3A_80 step %scan3A_81  : i32 {
      %mul3A_1051 = arith.constant 16 : i32
      %mul3A_1052 = arith.muli %scan3A_1050, %mul3A_1051 : i32
      %add3A_1053 = arith.constant 0 : i32
      %add3A_1054 = arith.addi %add3A_1053, %mul3A_1052 : i32
      %add3A_1055 = arith.constant 256 : i32
      %add3A_1056 = arith.addi %add3A_1055, %add3A_1054 : i32
      %get3A = arith.index_cast %add3A_1056 : i32 to index
      %get3A_1057 = tpu.vector_load %arg7[%get3A] {strides = array<i32>} : memref<512xi32, #tpu.memory_space<vmem>>, vector<16xi32>,
      %get3A_1058 = vector.shape_cast %get3A_1057 : vector<16xi32> to vector<16xi32>
      %mul3A_1059 = arith.constant 144 : i32
      %mul3A_1060 = vector.broadcast %mul3A_1059 : i32 to vector<16xi32>
      %mul3A_1061 = arith.muli %get3A_1058, %mul3A_1060 : vector<16xi32>
      %get3A_1062 = arith.index_cast %add3A_1056 : i32 to index
      %get3A_1063 = tpu.vector_load %arg8[%get3A_1062] {strides = array<i32>} : memref<512xi32, #tpu.memory_space<vmem>>, vector<16xi32>,
      %get3A_1064 = vector.shape_cast %get3A_1063 : vector<16xi32> to vector<16xi32>
      %mul3A_1065 = arith.constant 16 : i32
      %mul3A_1066 = vector.broadcast %mul3A_1065 : i32 to vector<16xi32>
      %mul3A_1067 = arith.muli %get3A_1064, %mul3A_1066 : vector<16xi32>
      %add3A_1068 = arith.addi %mul3A_1061, %mul3A_1067 : vector<16xi32>
      %get3A_1069 = arith.index_cast %add3A_1056 : i32 to index
      %get3A_1070 = tpu.vector_load %arg9[%get3A_1069] {strides = array<i32>} : memref<512xi32, #tpu.memory_space<vmem>>, vector<16xi32>,
      %get3A_1071 = vector.shape_cast %get3A_1070 : vector<16xi32> to vector<16xi32>
      %add3A_1072 = arith.addi %add3A_1068, %get3A_1071 : vector<16xi32>
      %swap3A = arith.constant 8 : i32
      %swap3A_1073 = arith.index_cast %swap3A : i32 to index
      %swap3A_1074 = arith.index_cast %add3A_1054 : i32 to index
      %swap3A_1075 = tpu.vector_load %arg10[%swap3A_1073, %swap3A_1074] {strides = array<i32>} : memref<16x32xi32, #tpu.memory_space<vmem>>, vector<1x16xi32>,
      %swap3A_1076 = vector.shape_cast %swap3A_1075 : vector<1x16xi32> to vector<16xi32>
      %swap3A_1077 = vector.shape_cast %add3A_1072 : vector<16xi32> to vector<1x16xi32>
      tpu.vector_store %arg10[%swap3A_1073, %swap3A_1074], %swap3A_1077 {strides = array<i32>} : memref<16x32xi32, #tpu.memory_space<vmem>>, vector<1x16xi32>,
    }
    %scan3A_82 = arith.constant 2 : i32
    %scan3A_83 = arith.constant 0 : i32
    %scan3A_84 = arith.constant 2 : i32
    %scan3A_85 = arith.addi %scan3A_83, %scan3A_84 : i32
    %scan3A_86 = arith.constant 1 : i32
    scf.for %scan3A_1050 = %scan3A_83 to %scan3A_85 step %scan3A_86  : i32 {
      %mul3A_1051 = arith.constant 16 : i32
      %mul3A_1052 = arith.muli %scan3A_1050, %mul3A_1051 : i32
      %add3A_1053 = arith.constant 0 : i32
      %add3A_1054 = arith.addi %add3A_1053, %mul3A_1052 : i32
      %add3A_1055 = arith.constant 288 : i32
      %add3A_1056 = arith.addi %add3A_1055, %add3A_1054 : i32
      %get3A = arith.index_cast %add3A_1056 : i32 to index
      %get3A_1057 = tpu.vector_load %arg7[%get3A] {strides = array<i32>} : memref<512xi32, #tpu.memory_space<vmem>>, vector<16xi32>,
      %get3A_1058 = vector.shape_cast %get3A_1057 : vector<16xi32> to vector<16xi32>
      %mul3A_1059 = arith.constant 144 : i32
      %mul3A_1060 = vector.broadcast %mul3A_1059 : i32 to vector<16xi32>
      %mul3A_1061 = arith.muli %get3A_1058, %mul3A_1060 : vector<16xi32>
      %get3A_1062 = arith.index_cast %add3A_1056 : i32 to index
      %get3A_1063 = tpu.vector_load %arg8[%get3A_1062] {strides = array<i32>} : memref<512xi32, #tpu.memory_space<vmem>>, vector<16xi32>,
      %get3A_1064 = vector.shape_cast %get3A_1063 : vector<16xi32> to vector<16xi32>
      %mul3A_1065 = arith.constant 16 : i32
      %mul3A_1066 = vector.broadcast %mul3A_1065 : i32 to vector<16xi32>
      %mul3A_1067 = arith.muli %get3A_1064, %mul3A_1066 : vector<16xi32>
      %add3A_1068 = arith.addi %mul3A_1061, %mul3A_1067 : vector<16xi32>
      %get3A_1069 = arith.index_cast %add3A_1056 : i32 to index
      %get3A_1070 = tpu.vector_load %arg9[%get3A_1069] {strides = array<i32>} : memref<512xi32, #tpu.memory_space<vmem>>, vector<16xi32>,
      %get3A_1071 = vector.shape_cast %get3A_1070 : vector<16xi32> to vector<16xi32>
      %add3A_1072 = arith.addi %add3A_1068, %get3A_1071 : vector<16xi32>
      %swap3A = arith.constant 9 : i32
      %swap3A_1073 = arith.index_cast %swap3A : i32 to index
      %swap3A_1074 = arith.index_cast %add3A_1054 : i32 to index
      %swap3A_1075 = tpu.vector_load %arg10[%swap3A_1073, %swap3A_1074] {strides = array<i32>} : memref<16x32xi32, #tpu.memory_space<vmem>>, vector<1x16xi32>,
      %swap3A_1076 = vector.shape_cast %swap3A_1075 : vector<1x16xi32> to vector<16xi32>
      %swap3A_1077 = vector.shape_cast %add3A_1072 : vector<16xi32> to vector<1x16xi32>
      tpu.vector_store %arg10[%swap3A_1073, %swap3A_1074], %swap3A_1077 {strides = array<i32>} : memref<16x32xi32, #tpu.memory_space<vmem>>, vector<1x16xi32>,
    }
    %scan3A_87 = arith.constant 2 : i32
    %scan3A_88 = arith.constant 0 : i32
    %scan3A_89 = arith.constant 2 : i32
    %scan3A_90 = arith.addi %scan3A_88, %scan3A_89 : i32
    %scan3A_91 = arith.constant 1 : i32
    scf.for %scan3A_1050 = %scan3A_88 to %scan3A_90 step %scan3A_91  : i32 {
      %mul3A_1051 = arith.constant 16 : i32
      %mul3A_1052 = arith.muli %scan3A_1050, %mul3A_1051 : i32
      %add3A_1053 = arith.constant 0 : i32
      %add3A_1054 = arith.addi %add3A_1053, %mul3A_1052 : i32
      %add3A_1055 = arith.constant 320 : i32
      %add3A_1056 = arith.addi %add3A_1055, %add3A_1054 : i32
      %get3A = arith.index_cast %add3A_1056 : i32 to index
      %get3A_1057 = tpu.vector_load %arg7[%get3A] {strides = array<i32>} : memref<512xi32, #tpu.memory_space<vmem>>, vector<16xi32>,
      %get3A_1058 = vector.shape_cast %get3A_1057 : vector<16xi32> to vector<16xi32>
      %mul3A_1059 = arith.constant 144 : i32
      %mul3A_1060 = vector.broadcast %mul3A_1059 : i32 to vector<16xi32>
      %mul3A_1061 = arith.muli %get3A_1058, %mul3A_1060 : vector<16xi32>
      %get3A_1062 = arith.index_cast %add3A_1056 : i32 to index
      %get3A_1063 = tpu.vector_load %arg8[%get3A_1062] {strides = array<i32>} : memref<512xi32, #tpu.memory_space<vmem>>, vector<16xi32>,
      %get3A_1064 = vector.shape_cast %get3A_1063 : vector<16xi32> to vector<16xi32>
      %mul3A_1065 = arith.constant 16 : i32
      %mul3A_1066 = vector.broadcast %mul3A_1065 : i32 to vector<16xi32>
      %mul3A_1067 = arith.muli %get3A_1064, %mul3A_1066 : vector<16xi32>
      %add3A_1068 = arith.addi %mul3A_1061, %mul3A_1067 : vector<16xi32>
      %get3A_1069 = arith.index_cast %add3A_1056 : i32 to index
      %get3A_1070 = tpu.vector_load %arg9[%get3A_1069] {strides = array<i32>} : memref<512xi32, #tpu.memory_space<vmem>>, vector<16xi32>,
      %get3A_1071 = vector.shape_cast %get3A_1070 : vector<16xi32> to vector<16xi32>
      %add3A_1072 = arith.addi %add3A_1068, %get3A_1071 : vector<16xi32>
      %swap3A = arith.constant 10 : i32
      %swap3A_1073 = arith.index_cast %swap3A : i32 to index
      %swap3A_1074 = arith.index_cast %add3A_1054 : i32 to index
      %swap3A_1075 = tpu.vector_load %arg10[%swap3A_1073, %swap3A_1074] {strides = array<i32>} : memref<16x32xi32, #tpu.memory_space<vmem>>, vector<1x16xi32>,
      %swap3A_1076 = vector.shape_cast %swap3A_1075 : vector<1x16xi32> to vector<16xi32>
      %swap3A_1077 = vector.shape_cast %add3A_1072 : vector<16xi32> to vector<1x16xi32>
      tpu.vector_store %arg10[%swap3A_1073, %swap3A_1074], %swap3A_1077 {strides = array<i32>} : memref<16x32xi32, #tpu.memory_space<vmem>>, vector<1x16xi32>,
    }
    %scan3A_92 = arith.constant 2 : i32
    %scan3A_93 = arith.constant 0 : i32
    %scan3A_94 = arith.constant 2 : i32
    %scan3A_95 = arith.addi %scan3A_93, %scan3A_94 : i32
    %scan3A_96 = arith.constant 1 : i32
    scf.for %scan3A_1050 = %scan3A_93 to %scan3A_95 step %scan3A_96  : i32 {
      %mul3A_1051 = arith.constant 16 : i32
      %mul3A_1052 = arith.muli %scan3A_1050, %mul3A_1051 : i32
      %add3A_1053 = arith.constant 0 : i32
      %add3A_1054 = arith.addi %add3A_1053, %mul3A_1052 : i32
      %add3A_1055 = arith.constant 352 : i32
      %add3A_1056 = arith.addi %add3A_1055, %add3A_1054 : i32
      %get3A = arith.index_cast %add3A_1056 : i32 to index
      %get3A_1057 = tpu.vector_load %arg7[%get3A] {strides = array<i32>} : memref<512xi32, #tpu.memory_space<vmem>>, vector<16xi32>,
      %get3A_1058 = vector.shape_cast %get3A_1057 : vector<16xi32> to vector<16xi32>
      %mul3A_1059 = arith.constant 144 : i32
      %mul3A_1060 = vector.broadcast %mul3A_1059 : i32 to vector<16xi32>
      %mul3A_1061 = arith.muli %get3A_1058, %mul3A_1060 : vector<16xi32>
      %get3A_1062 = arith.index_cast %add3A_1056 : i32 to index
      %get3A_1063 = tpu.vector_load %arg8[%get3A_1062] {strides = array<i32>} : memref<512xi32, #tpu.memory_space<vmem>>, vector<16xi32>,
      %get3A_1064 = vector.shape_cast %get3A_1063 : vector<16xi32> to vector<16xi32>
      %mul3A_1065 = arith.constant 16 : i32
      %mul3A_1066 = vector.broadcast %mul3A_1065 : i32 to vector<16xi32>
      %mul3A_1067 = arith.muli %get3A_1064, %mul3A_1066 : vector<16xi32>
      %add3A_1068 = arith.addi %mul3A_1061, %mul3A_1067 : vector<16xi32>
      %get3A_1069 = arith.index_cast %add3A_1056 : i32 to index
      %get3A_1070 = tpu.vector_load %arg9[%get3A_1069] {strides = array<i32>} : memref<512xi32, #tpu.memory_space<vmem>>, vector<16xi32>,
      %get3A_1071 = vector.shape_cast %get3A_1070 : vector<16xi32> to vector<16xi32>
      %add3A_1072 = arith.addi %add3A_1068, %get3A_1071 : vector<16xi32>
      %swap3A = arith.constant 11 : i32
      %swap3A_1073 = arith.index_cast %swap3A : i32 to index
      %swap3A_1074 = arith.index_cast %add3A_1054 : i32 to index
      %swap3A_1075 = tpu.vector_load %arg10[%swap3A_1073, %swap3A_1074] {strides = array<i32>} : memref<16x32xi32, #tpu.memory_space<vmem>>, vector<1x16xi32>,
      %swap3A_1076 = vector.shape_cast %swap3A_1075 : vector<1x16xi32> to vector<16xi32>
      %swap3A_1077 = vector.shape_cast %add3A_1072 : vector<16xi32> to vector<1x16xi32>
      tpu.vector_store %arg10[%swap3A_1073, %swap3A_1074], %swap3A_1077 {strides = array<i32>} : memref<16x32xi32, #tpu.memory_space<vmem>>, vector<1x16xi32>,
    }
    %scan3A_97 = arith.constant 2 : i32
    %scan3A_98 = arith.constant 0 : i32
    %scan3A_99 = arith.constant 2 : i32
    %scan3A_100 = arith.addi %scan3A_98, %scan3A_99 : i32
    %scan3A_101 = arith.constant 1 : i32
    scf.for %scan3A_1050 = %scan3A_98 to %scan3A_100 step %scan3A_101  : i32 {
      %mul3A_1051 = arith.constant 16 : i32
      %mul3A_1052 = arith.muli %scan3A_1050, %mul3A_1051 : i32
      %add3A_1053 = arith.constant 0 : i32
      %add3A_1054 = arith.addi %add3A_1053, %mul3A_1052 : i32
      %add3A_1055 = arith.constant 384 : i32
      %add3A_1056 = arith.addi %add3A_1055, %add3A_1054 : i32
      %get3A = arith.index_cast %add3A_1056 : i32 to index
      %get3A_1057 = tpu.vector_load %arg7[%get3A] {strides = array<i32>} : memref<512xi32, #tpu.memory_space<vmem>>, vector<16xi32>,
      %get3A_1058 = vector.shape_cast %get3A_1057 : vector<16xi32> to vector<16xi32>
      %mul3A_1059 = arith.constant 144 : i32
      %mul3A_1060 = vector.broadcast %mul3A_1059 : i32 to vector<16xi32>
      %mul3A_1061 = arith.muli %get3A_1058, %mul3A_1060 : vector<16xi32>
      %get3A_1062 = arith.index_cast %add3A_1056 : i32 to index
      %get3A_1063 = tpu.vector_load %arg8[%get3A_1062] {strides = array<i32>} : memref<512xi32, #tpu.memory_space<vmem>>, vector<16xi32>,
      %get3A_1064 = vector.shape_cast %get3A_1063 : vector<16xi32> to vector<16xi32>
      %mul3A_1065 = arith.constant 16 : i32
      %mul3A_1066 = vector.broadcast %mul3A_1065 : i32 to vector<16xi32>
      %mul3A_1067 = arith.muli %get3A_1064, %mul3A_1066 : vector<16xi32>
      %add3A_1068 = arith.addi %mul3A_1061, %mul3A_1067 : vector<16xi32>
      %get3A_1069 = arith.index_cast %add3A_1056 : i32 to index
      %get3A_1070 = tpu.vector_load %arg9[%get3A_1069] {strides = array<i32>} : memref<512xi32, #tpu.memory_space<vmem>>, vector<16xi32>,
      %get3A_1071 = vector.shape_cast %get3A_1070 : vector<16xi32> to vector<16xi32>
      %add3A_1072 = arith.addi %add3A_1068, %get3A_1071 : vector<16xi32>
      %swap3A = arith.constant 12 : i32
      %swap3A_1073 = arith.index_cast %swap3A : i32 to index
      %swap3A_1074 = arith.index_cast %add3A_1054 : i32 to index
      %swap3A_1075 = tpu.vector_load %arg10[%swap3A_1073, %swap3A_1074] {strides = array<i32>} : memref<16x32xi32, #tpu.memory_space<vmem>>, vector<1x16xi32>,
      %swap3A_1076 = vector.shape_cast %swap3A_1075 : vector<1x16xi32> to vector<16xi32>
      %swap3A_1077 = vector.shape_cast %add3A_1072 : vector<16xi32> to vector<1x16xi32>
      tpu.vector_store %arg10[%swap3A_1073, %swap3A_1074], %swap3A_1077 {strides = array<i32>} : memref<16x32xi32, #tpu.memory_space<vmem>>, vector<1x16xi32>,
    }
    %scan3A_102 = arith.constant 2 : i32
    %scan3A_103 = arith.constant 0 : i32
    %scan3A_104 = arith.constant 2 : i32
    %scan3A_105 = arith.addi %scan3A_103, %scan3A_104 : i32
    %scan3A_106 = arith.constant 1 : i32
    scf.for %scan3A_1050 = %scan3A_103 to %scan3A_105 step %scan3A_106  : i32 {
      %mul3A_1051 = arith.constant 16 : i32
      %mul3A_1052 = arith.muli %scan3A_1050, %mul3A_1051 : i32
      %add3A_1053 = arith.constant 0 : i32
      %add3A_1054 = arith.addi %add3A_1053, %mul3A_1052 : i32
      %add3A_1055 = arith.constant 416 : i32
      %add3A_1056 = arith.addi %add3A_1055, %add3A_1054 : i32
      %get3A = arith.index_cast %add3A_1056 : i32 to index
      %get3A_1057 = tpu.vector_load %arg7[%get3A] {strides = array<i32>} : memref<512xi32, #tpu.memory_space<vmem>>, vector<16xi32>,
      %get3A_1058 = vector.shape_cast %get3A_1057 : vector<16xi32> to vector<16xi32>
      %mul3A_1059 = arith.constant 144 : i32
      %mul3A_1060 = vector.broadcast %mul3A_1059 : i32 to vector<16xi32>
      %mul3A_1061 = arith.muli %get3A_1058, %mul3A_1060 : vector<16xi32>
      %get3A_1062 = arith.index_cast %add3A_1056 : i32 to index
      %get3A_1063 = tpu.vector_load %arg8[%get3A_1062] {strides = array<i32>} : memref<512xi32, #tpu.memory_space<vmem>>, vector<16xi32>,
      %get3A_1064 = vector.shape_cast %get3A_1063 : vector<16xi32> to vector<16xi32>
      %mul3A_1065 = arith.constant 16 : i32
      %mul3A_1066 = vector.broadcast %mul3A_1065 : i32 to vector<16xi32>
      %mul3A_1067 = arith.muli %get3A_1064, %mul3A_1066 : vector<16xi32>
      %add3A_1068 = arith.addi %mul3A_1061, %mul3A_1067 : vector<16xi32>
      %get3A_1069 = arith.index_cast %add3A_1056 : i32 to index
      %get3A_1070 = tpu.vector_load %arg9[%get3A_1069] {strides = array<i32>} : memref<512xi32, #tpu.memory_space<vmem>>, vector<16xi32>,
      %get3A_1071 = vector.shape_cast %get3A_1070 : vector<16xi32> to vector<16xi32>
      %add3A_1072 = arith.addi %add3A_1068, %get3A_1071 : vector<16xi32>
      %swap3A = arith.constant 13 : i32
      %swap3A_1073 = arith.index_cast %swap3A : i32 to index
      %swap3A_1074 = arith.index_cast %add3A_1054 : i32 to index
      %swap3A_1075 = tpu.vector_load %arg10[%swap3A_1073, %swap3A_1074] {strides = array<i32>} : memref<16x32xi32, #tpu.memory_space<vmem>>, vector<1x16xi32>,
      %swap3A_1076 = vector.shape_cast %swap3A_1075 : vector<1x16xi32> to vector<16xi32>
      %swap3A_1077 = vector.shape_cast %add3A_1072 : vector<16xi32> to vector<1x16xi32>
      tpu.vector_store %arg10[%swap3A_1073, %swap3A_1074], %swap3A_1077 {strides = array<i32>} : memref<16x32xi32, #tpu.memory_space<vmem>>, vector<1x16xi32>,
    }
    %scan3A_107 = arith.constant 2 : i32
    %scan3A_108 = arith.constant 0 : i32
    %scan3A_109 = arith.constant 2 : i32
    %scan3A_110 = arith.addi %scan3A_108, %scan3A_109 : i32
    %scan3A_111 = arith.constant 1 : i32
    scf.for %scan3A_1050 = %scan3A_108 to %scan3A_110 step %scan3A_111  : i32 {
      %mul3A_1051 = arith.constant 16 : i32
      %mul3A_1052 = arith.muli %scan3A_1050, %mul3A_1051 : i32
      %add3A_1053 = arith.constant 0 : i32
      %add3A_1054 = arith.addi %add3A_1053, %mul3A_1052 : i32
      %add3A_1055 = arith.constant 448 : i32
      %add3A_1056 = arith.addi %add3A_1055, %add3A_1054 : i32
      %get3A = arith.index_cast %add3A_1056 : i32 to index
      %get3A_1057 = tpu.vector_load %arg7[%get3A] {strides = array<i32>} : memref<512xi32, #tpu.memory_space<vmem>>, vector<16xi32>,
      %get3A_1058 = vector.shape_cast %get3A_1057 : vector<16xi32> to vector<16xi32>
      %mul3A_1059 = arith.constant 144 : i32
      %mul3A_1060 = vector.broadcast %mul3A_1059 : i32 to vector<16xi32>
      %mul3A_1061 = arith.muli %get3A_1058, %mul3A_1060 : vector<16xi32>
      %get3A_1062 = arith.index_cast %add3A_1056 : i32 to index
      %get3A_1063 = tpu.vector_load %arg8[%get3A_1062] {strides = array<i32>} : memref<512xi32, #tpu.memory_space<vmem>>, vector<16xi32>,
      %get3A_1064 = vector.shape_cast %get3A_1063 : vector<16xi32> to vector<16xi32>
      %mul3A_1065 = arith.constant 16 : i32
      %mul3A_1066 = vector.broadcast %mul3A_1065 : i32 to vector<16xi32>
      %mul3A_1067 = arith.muli %get3A_1064, %mul3A_1066 : vector<16xi32>
      %add3A_1068 = arith.addi %mul3A_1061, %mul3A_1067 : vector<16xi32>
      %get3A_1069 = arith.index_cast %add3A_1056 : i32 to index
      %get3A_1070 = tpu.vector_load %arg9[%get3A_1069] {strides = array<i32>} : memref<512xi32, #tpu.memory_space<vmem>>, vector<16xi32>,
      %get3A_1071 = vector.shape_cast %get3A_1070 : vector<16xi32> to vector<16xi32>
      %add3A_1072 = arith.addi %add3A_1068, %get3A_1071 : vector<16xi32>
      %swap3A = arith.constant 14 : i32
      %swap3A_1073 = arith.index_cast %swap3A : i32 to index
      %swap3A_1074 = arith.index_cast %add3A_1054 : i32 to index
      %swap3A_1075 = tpu.vector_load %arg10[%swap3A_1073, %swap3A_1074] {strides = array<i32>} : memref<16x32xi32, #tpu.memory_space<vmem>>, vector<1x16xi32>,
      %swap3A_1076 = vector.shape_cast %swap3A_1075 : vector<1x16xi32> to vector<16xi32>
      %swap3A_1077 = vector.shape_cast %add3A_1072 : vector<16xi32> to vector<1x16xi32>
      tpu.vector_store %arg10[%swap3A_1073, %swap3A_1074], %swap3A_1077 {strides = array<i32>} : memref<16x32xi32, #tpu.memory_space<vmem>>, vector<1x16xi32>,
    }
    %scan3A_112 = arith.constant 2 : i32
    %scan3A_113 = arith.constant 0 : i32
    %scan3A_114 = arith.constant 2 : i32
    %scan3A_115 = arith.addi %scan3A_113, %scan3A_114 : i32
    %scan3A_116 = arith.constant 1 : i32
    scf.for %scan3A_1050 = %scan3A_113 to %scan3A_115 step %scan3A_116  : i32 {
      %mul3A_1051 = arith.constant 16 : i32
      %mul3A_1052 = arith.muli %scan3A_1050, %mul3A_1051 : i32
      %add3A_1053 = arith.constant 0 : i32
      %add3A_1054 = arith.addi %add3A_1053, %mul3A_1052 : i32
      %add3A_1055 = arith.constant 480 : i32
      %add3A_1056 = arith.addi %add3A_1055, %add3A_1054 : i32
      %get3A = arith.index_cast %add3A_1056 : i32 to index
      %get3A_1057 = tpu.vector_load %arg7[%get3A] {strides = array<i32>} : memref<512xi32, #tpu.memory_space<vmem>>, vector<16xi32>,
      %get3A_1058 = vector.shape_cast %get3A_1057 : vector<16xi32> to vector<16xi32>
      %mul3A_1059 = arith.constant 144 : i32
      %mul3A_1060 = vector.broadcast %mul3A_1059 : i32 to vector<16xi32>
      %mul3A_1061 = arith.muli %get3A_1058, %mul3A_1060 : vector<16xi32>
      %get3A_1062 = arith.index_cast %add3A_1056 : i32 to index
      %get3A_1063 = tpu.vector_load %arg8[%get3A_1062] {strides = array<i32>} : memref<512xi32, #tpu.memory_space<vmem>>, vector<16xi32>,
      %get3A_1064 = vector.shape_cast %get3A_1063 : vector<16xi32> to vector<16xi32>
      %mul3A_1065 = arith.constant 16 : i32
      %mul3A_1066 = vector.broadcast %mul3A_1065 : i32 to vector<16xi32>
      %mul3A_1067 = arith.muli %get3A_1064, %mul3A_1066 : vector<16xi32>
      %add3A_1068 = arith.addi %mul3A_1061, %mul3A_1067 : vector<16xi32>
      %get3A_1069 = arith.index_cast %add3A_1056 : i32 to index
      %get3A_1070 = tpu.vector_load %arg9[%get3A_1069] {strides = array<i32>} : memref<512xi32, #tpu.memory_space<vmem>>, vector<16xi32>,
      %get3A_1071 = vector.shape_cast %get3A_1070 : vector<16xi32> to vector<16xi32>
      %add3A_1072 = arith.addi %add3A_1068, %get3A_1071 : vector<16xi32>
      %swap3A = arith.constant 15 : i32
      %swap3A_1073 = arith.index_cast %swap3A : i32 to index
      %swap3A_1074 = arith.index_cast %add3A_1054 : i32 to index
      %swap3A_1075 = tpu.vector_load %arg10[%swap3A_1073, %swap3A_1074] {strides = array<i32>} : memref<16x32xi32, #tpu.memory_space<vmem>>, vector<1x16xi32>,
      %swap3A_1076 = vector.shape_cast %swap3A_1075 : vector<1x16xi32> to vector<16xi32>
      %swap3A_1077 = vector.shape_cast %add3A_1072 : vector<16xi32> to vector<1x16xi32>
      tpu.vector_store %arg10[%swap3A_1073, %swap3A_1074], %swap3A_1077 {strides = array<i32>} : memref<16x32xi32, #tpu.memory_space<vmem>>, vector<1x16xi32>,
    }
    %scan3A_117 = arith.constant 2 : i32
    %dma_start3A_118 = arith.constant 0 : i32
    %dma_start3A_119 = arith.constant 0 : i32
    %dma_start3A_120 = arith.constant 0 : i32
    %dma_start3A_121 = arith.constant 0 : i32
    %dma_start3A_122 = arith.constant 0 : i32
    %dma_start3A_123 = tpu.memref_slice %arg11[%dma_start3A_119, %dma_start3A_121, %dma_start3A_122] : memref<16x32x128xf32, #tpu.memory_space<vmem>> -> memref<1x32x128xf32, #tpu.memory_space<vmem>>
    %dma_start3A_124 = tpu.memref_squeeze %dma_start3A_123 : memref<1x32x128xf32, #tpu.memory_space<vmem>> -> memref<32x128xf32, #tpu.memory_space<vmem>>
    %dma_start3A_125 = arith.constant 0 : i32
    %dma_start3A_126 = tpu.memref_slice %arg10[%dma_start3A_118, %dma_start3A_125] : memref<16x32xi32, #tpu.memory_space<vmem>> -> memref<1x32xi32, #tpu.memory_space<vmem>>
    %dma_start3A_127 = tpu.memref_squeeze %dma_start3A_126 : memref<1x32xi32, #tpu.memory_space<vmem>> -> memref<32xi32, #tpu.memory_space<vmem>>
    %dma_start3A_128 = arith.constant 0 : i32
    %dma_start3A_129 = arith.constant 0 : i32
    %dma_start3A_130 = tpu.memref_slice %arg5[%dma_start3A_128, %dma_start3A_129] : memref<2304x128xf32, #tpu.memory_space<hbm>> -> memref<2304x128xf32, #tpu.memory_space<hbm>>
    %dma_start3A_131 = tpu.memref_slice %arg13[%dma_start3A_120] : memref<16x!tpu.dma_semaphore, #tpu.memory_space<semaphore_mem>> -> memref<1x!tpu.dma_semaphore, #tpu.memory_space<semaphore_mem>>
    %dma_start3A_132 = tpu.memref_squeeze %dma_start3A_131 : memref<1x!tpu.dma_semaphore, #tpu.memory_space<semaphore_mem>> -> memref<!tpu.dma_semaphore, #tpu.memory_space<semaphore_mem>>
    tpu.enqueue_indirect_dma source(%dma_start3A_130 : memref<2304x128xf32, #tpu.memory_space<hbm>>) target(%dma_start3A_124 : memref<32x128xf32, #tpu.memory_space<vmem>>) offsets(%dma_start3A_127 : memref<32xi32, #tpu.memory_space<vmem>>) semaphore(%dma_start3A_132 : memref<!tpu.dma_semaphore, #tpu.memory_space<semaphore_mem>>)
    %dma_start3A_133 = arith.constant 1 : i32
    %dma_start3A_134 = arith.constant 1 : i32
    %dma_start3A_135 = arith.constant 1 : i32
    %dma_start3A_136 = arith.constant 0 : i32
    %dma_start3A_137 = arith.constant 0 : i32
    %dma_start3A_138 = tpu.memref_slice %arg11[%dma_start3A_134, %dma_start3A_136, %dma_start3A_137] : memref<16x32x128xf32, #tpu.memory_space<vmem>> -> memref<1x32x128xf32, #tpu.memory_space<vmem>>
    %dma_start3A_139 = tpu.memref_squeeze %dma_start3A_138 : memref<1x32x128xf32, #tpu.memory_space<vmem>> -> memref<32x128xf32, #tpu.memory_space<vmem>>
    %dma_start3A_140 = arith.constant 0 : i32
    %dma_start3A_141 = tpu.memref_slice %arg10[%dma_start3A_133, %dma_start3A_140] : memref<16x32xi32, #tpu.memory_space<vmem>> -> memref<1x32xi32, #tpu.memory_space<vmem>>
    %dma_start3A_142 = tpu.memref_squeeze %dma_start3A_141 : memref<1x32xi32, #tpu.memory_space<vmem>> -> memref<32xi32, #tpu.memory_space<vmem>>
    %dma_start3A_143 = arith.constant 0 : i32
    %dma_start3A_144 = arith.constant 0 : i32
    %dma_start3A_145 = tpu.memref_slice %arg5[%dma_start3A_143, %dma_start3A_144] : memref<2304x128xf32, #tpu.memory_space<hbm>> -> memref<2304x128xf32, #tpu.memory_space<hbm>>
    %dma_start3A_146 = tpu.memref_slice %arg13[%dma_start3A_135] : memref<16x!tpu.dma_semaphore, #tpu.memory_space<semaphore_mem>> -> memref<1x!tpu.dma_semaphore, #tpu.memory_space<semaphore_mem>>
    %dma_start3A_147 = tpu.memref_squeeze %dma_start3A_146 : memref<1x!tpu.dma_semaphore, #tpu.memory_space<semaphore_mem>> -> memref<!tpu.dma_semaphore, #tpu.memory_space<semaphore_mem>>
    tpu.enqueue_indirect_dma source(%dma_start3A_145 : memref<2304x128xf32, #tpu.memory_space<hbm>>) target(%dma_start3A_139 : memref<32x128xf32, #tpu.memory_space<vmem>>) offsets(%dma_start3A_142 : memref<32xi32, #tpu.memory_space<vmem>>) semaphore(%dma_start3A_147 : memref<!tpu.dma_semaphore, #tpu.memory_space<semaphore_mem>>)
    %dma_start3A_148 = arith.constant 2 : i32
    %dma_start3A_149 = arith.constant 2 : i32
    %dma_start3A_150 = arith.constant 2 : i32
    %dma_start3A_151 = arith.constant 0 : i32
    %dma_start3A_152 = arith.constant 0 : i32
    %dma_start3A_153 = tpu.memref_slice %arg11[%dma_start3A_149, %dma_start3A_151, %dma_start3A_152] : memref<16x32x128xf32, #tpu.memory_space<vmem>> -> memref<1x32x128xf32, #tpu.memory_space<vmem>>
    %dma_start3A_154 = tpu.memref_squeeze %dma_start3A_153 : memref<1x32x128xf32, #tpu.memory_space<vmem>> -> memref<32x128xf32, #tpu.memory_space<vmem>>
    %dma_start3A_155 = arith.constant 0 : i32
    %dma_start3A_156 = tpu.memref_slice %arg10[%dma_start3A_148, %dma_start3A_155] : memref<16x32xi32, #tpu.memory_space<vmem>> -> memref<1x32xi32, #tpu.memory_space<vmem>>
    %dma_start3A_157 = tpu.memref_squeeze %dma_start3A_156 : memref<1x32xi32, #tpu.memory_space<vmem>> -> memref<32xi32, #tpu.memory_space<vmem>>
    %dma_start3A_158 = arith.constant 0 : i32
    %dma_start3A_159 = arith.constant 0 : i32
    %dma_start3A_160 = tpu.memref_slice %arg5[%dma_start3A_158, %dma_start3A_159] : memref<2304x128xf32, #tpu.memory_space<hbm>> -> memref<2304x128xf32, #tpu.memory_space<hbm>>
    %dma_start3A_161 = tpu.memref_slice %arg13[%dma_start3A_150] : memref<16x!tpu.dma_semaphore, #tpu.memory_space<semaphore_mem>> -> memref<1x!tpu.dma_semaphore, #tpu.memory_space<semaphore_mem>>
    %dma_start3A_162 = tpu.memref_squeeze %dma_start3A_161 : memref<1x!tpu.dma_semaphore, #tpu.memory_space<semaphore_mem>> -> memref<!tpu.dma_semaphore, #tpu.memory_space<semaphore_mem>>
    tpu.enqueue_indirect_dma source(%dma_start3A_160 : memref<2304x128xf32, #tpu.memory_space<hbm>>) target(%dma_start3A_154 : memref<32x128xf32, #tpu.memory_space<vmem>>) offsets(%dma_start3A_157 : memref<32xi32, #tpu.memory_space<vmem>>) semaphore(%dma_start3A_162 : memref<!tpu.dma_semaphore, #tpu.memory_space<semaphore_mem>>)
    %dma_start3A_163 = arith.constant 3 : i32
    %dma_start3A_164 = arith.constant 3 : i32
    %dma_start3A_165 = arith.constant 3 : i32
    %dma_start3A_166 = arith.constant 0 : i32
    %dma_start3A_167 = arith.constant 0 : i32
    %dma_start3A_168 = tpu.memref_slice %arg11[%dma_start3A_164, %dma_start3A_166, %dma_start3A_167] : memref<16x32x128xf32, #tpu.memory_space<vmem>> -> memref<1x32x128xf32, #tpu.memory_space<vmem>>
    %dma_start3A_169 = tpu.memref_squeeze %dma_start3A_168 : memref<1x32x128xf32, #tpu.memory_space<vmem>> -> memref<32x128xf32, #tpu.memory_space<vmem>>
    %dma_start3A_170 = arith.constant 0 : i32
    %dma_start3A_171 = tpu.memref_slice %arg10[%dma_start3A_163, %dma_start3A_170] : memref<16x32xi32, #tpu.memory_space<vmem>> -> memref<1x32xi32, #tpu.memory_space<vmem>>
    %dma_start3A_172 = tpu.memref_squeeze %dma_start3A_171 : memref<1x32xi32, #tpu.memory_space<vmem>> -> memref<32xi32, #tpu.memory_space<vmem>>
    %dma_start3A_173 = arith.constant 0 : i32
    %dma_start3A_174 = arith.constant 0 : i32
    %dma_start3A_175 = tpu.memref_slice %arg5[%dma_start3A_173, %dma_start3A_174] : memref<2304x128xf32, #tpu.memory_space<hbm>> -> memref<2304x128xf32, #tpu.memory_space<hbm>>
    %dma_start3A_176 = tpu.memref_slice %arg13[%dma_start3A_165] : memref<16x!tpu.dma_semaphore, #tpu.memory_space<semaphore_mem>> -> memref<1x!tpu.dma_semaphore, #tpu.memory_space<semaphore_mem>>
    %dma_start3A_177 = tpu.memref_squeeze %dma_start3A_176 : memref<1x!tpu.dma_semaphore, #tpu.memory_space<semaphore_mem>> -> memref<!tpu.dma_semaphore, #tpu.memory_space<semaphore_mem>>
    tpu.enqueue_indirect_dma source(%dma_start3A_175 : memref<2304x128xf32, #tpu.memory_space<hbm>>) target(%dma_start3A_169 : memref<32x128xf32, #tpu.memory_space<vmem>>) offsets(%dma_start3A_172 : memref<32xi32, #tpu.memory_space<vmem>>) semaphore(%dma_start3A_177 : memref<!tpu.dma_semaphore, #tpu.memory_space<semaphore_mem>>)
    %dma_wait3A_178 = arith.constant 0 : i32
    %dma_wait3A_179 = tpu.memref_slice %arg12[%mul3A_6, %dma_wait3A_178] : memref<2304x128xf32, #tpu.memory_space<vmem_shared>> -> memref<144x128xf32, #tpu.memory_space<vmem_shared>>
    %dma_wait3A_180 = arith.constant 0 : i32
    %dma_wait3A_181 = tpu.memref_slice %arg5[%mul3A_4, %dma_wait3A_180] : memref<2304x128xf32, #tpu.memory_space<hbm>> -> memref<144x128xf32, #tpu.memory_space<hbm>>
    tpu.wait_dma2 semaphore(%arg15 : memref<!tpu.dma_semaphore, #tpu.memory_space<semaphore_mem>>) src(%dma_wait3A_181 : memref<144x128xf32, #tpu.memory_space<hbm>>) dst(%dma_wait3A_179 : memref<144x128xf32, #tpu.memory_space<vmem_shared>>)
    %barrier3A = arith.constant 0 : index
    tpu.barrier barrier_id(%barrier3A)
    %dma_start3A_182 = arith.constant 4 : i32
    %dma_start3A_183 = arith.constant 4 : i32
    %dma_start3A_184 = arith.constant 4 : i32
    %dma_start3A_185 = arith.constant 0 : i32
    %dma_start3A_186 = arith.constant 0 : i32
    %dma_start3A_187 = tpu.memref_slice %arg11[%dma_start3A_183, %dma_start3A_185, %dma_start3A_186] : memref<16x32x128xf32, #tpu.memory_space<vmem>> -> memref<1x32x128xf32, #tpu.memory_space<vmem>>
    %dma_start3A_188 = tpu.memref_squeeze %dma_start3A_187 : memref<1x32x128xf32, #tpu.memory_space<vmem>> -> memref<32x128xf32, #tpu.memory_space<vmem>>
    %dma_start3A_189 = arith.constant 0 : i32
    %dma_start3A_190 = tpu.memref_slice %arg10[%dma_start3A_182, %dma_start3A_189] : memref<16x32xi32, #tpu.memory_space<vmem>> -> memref<1x32xi32, #tpu.memory_space<vmem>>
    %dma_start3A_191 = tpu.memref_squeeze %dma_start3A_190 : memref<1x32xi32, #tpu.memory_space<vmem>> -> memref<32xi32, #tpu.memory_space<vmem>>
    %dma_start3A_192 = arith.constant 0 : i32
    %dma_start3A_193 = arith.constant 0 : i32
    %dma_start3A_194 = tpu.memref_slice %arg12[%dma_start3A_192, %dma_start3A_193] : memref<2304x128xf32, #tpu.memory_space<vmem_shared>> -> memref<2304x128xf32, #tpu.memory_space<vmem_shared>>
    %dma_start3A_195 = tpu.memref_slice %arg13[%dma_start3A_184] : memref<16x!tpu.dma_semaphore, #tpu.memory_space<semaphore_mem>> -> memref<1x!tpu.dma_semaphore, #tpu.memory_space<semaphore_mem>>
    %dma_start3A_196 = tpu.memref_squeeze %dma_start3A_195 : memref<1x!tpu.dma_semaphore, #tpu.memory_space<semaphore_mem>> -> memref<!tpu.dma_semaphore, #tpu.memory_space<semaphore_mem>>
    tpu.enqueue_indirect_dma source(%dma_start3A_194 : memref<2304x128xf32, #tpu.memory_space<vmem_shared>>) target(%dma_start3A_188 : memref<32x128xf32, #tpu.memory_space<vmem>>) offsets(%dma_start3A_191 : memref<32xi32, #tpu.memory_space<vmem>>) semaphore(%dma_start3A_196 : memref<!tpu.dma_semaphore, #tpu.memory_space<semaphore_mem>>)
    %dma_start3A_197 = arith.constant 5 : i32
    %dma_start3A_198 = arith.constant 5 : i32
    %dma_start3A_199 = arith.constant 5 : i32
    %dma_start3A_200 = arith.constant 0 : i32
    %dma_start3A_201 = arith.constant 0 : i32
    %dma_start3A_202 = tpu.memref_slice %arg11[%dma_start3A_198, %dma_start3A_200, %dma_start3A_201] : memref<16x32x128xf32, #tpu.memory_space<vmem>> -> memref<1x32x128xf32, #tpu.memory_space<vmem>>
    %dma_start3A_203 = tpu.memref_squeeze %dma_start3A_202 : memref<1x32x128xf32, #tpu.memory_space<vmem>> -> memref<32x128xf32, #tpu.memory_space<vmem>>
    %dma_start3A_204 = arith.constant 0 : i32
    %dma_start3A_205 = tpu.memref_slice %arg10[%dma_start3A_197, %dma_start3A_204] : memref<16x32xi32, #tpu.memory_space<vmem>> -> memref<1x32xi32, #tpu.memory_space<vmem>>
    %dma_start3A_206 = tpu.memref_squeeze %dma_start3A_205 : memref<1x32xi32, #tpu.memory_space<vmem>> -> memref<32xi32, #tpu.memory_space<vmem>>
    %dma_start3A_207 = arith.constant 0 : i32
    %dma_start3A_208 = arith.constant 0 : i32
    %dma_start3A_209 = tpu.memref_slice %arg12[%dma_start3A_207, %dma_start3A_208] : memref<2304x128xf32, #tpu.memory_space<vmem_shared>> -> memref<2304x128xf32, #tpu.memory_space<vmem_shared>>
    %dma_start3A_210 = tpu.memref_slice %arg13[%dma_start3A_199] : memref<16x!tpu.dma_semaphore, #tpu.memory_space<semaphore_mem>> -> memref<1x!tpu.dma_semaphore, #tpu.memory_space<semaphore_mem>>
    %dma_start3A_211 = tpu.memref_squeeze %dma_start3A_210 : memref<1x!tpu.dma_semaphore, #tpu.memory_space<semaphore_mem>> -> memref<!tpu.dma_semaphore, #tpu.memory_space<semaphore_mem>>
    tpu.enqueue_indirect_dma source(%dma_start3A_209 : memref<2304x128xf32, #tpu.memory_space<vmem_shared>>) target(%dma_start3A_203 : memref<32x128xf32, #tpu.memory_space<vmem>>) offsets(%dma_start3A_206 : memref<32xi32, #tpu.memory_space<vmem>>) semaphore(%dma_start3A_211 : memref<!tpu.dma_semaphore, #tpu.memory_space<semaphore_mem>>)
    %dma_start3A_212 = arith.constant 6 : i32
    %dma_start3A_213 = arith.constant 6 : i32
    %dma_start3A_214 = arith.constant 6 : i32
    %dma_start3A_215 = arith.constant 0 : i32
    %dma_start3A_216 = arith.constant 0 : i32
    %dma_start3A_217 = tpu.memref_slice %arg11[%dma_start3A_213, %dma_start3A_215, %dma_start3A_216] : memref<16x32x128xf32, #tpu.memory_space<vmem>> -> memref<1x32x128xf32, #tpu.memory_space<vmem>>
    %dma_start3A_218 = tpu.memref_squeeze %dma_start3A_217 : memref<1x32x128xf32, #tpu.memory_space<vmem>> -> memref<32x128xf32, #tpu.memory_space<vmem>>
    %dma_start3A_219 = arith.constant 0 : i32
    %dma_start3A_220 = tpu.memref_slice %arg10[%dma_start3A_212, %dma_start3A_219] : memref<16x32xi32, #tpu.memory_space<vmem>> -> memref<1x32xi32, #tpu.memory_space<vmem>>
    %dma_start3A_221 = tpu.memref_squeeze %dma_start3A_220 : memref<1x32xi32, #tpu.memory_space<vmem>> -> memref<32xi32, #tpu.memory_space<vmem>>
    %dma_start3A_222 = arith.constant 0 : i32
    %dma_start3A_223 = arith.constant 0 : i32
    %dma_start3A_224 = tpu.memref_slice %arg12[%dma_start3A_222, %dma_start3A_223] : memref<2304x128xf32, #tpu.memory_space<vmem_shared>> -> memref<2304x128xf32, #tpu.memory_space<vmem_shared>>
    %dma_start3A_225 = tpu.memref_slice %arg13[%dma_start3A_214] : memref<16x!tpu.dma_semaphore, #tpu.memory_space<semaphore_mem>> -> memref<1x!tpu.dma_semaphore, #tpu.memory_space<semaphore_mem>>
    %dma_start3A_226 = tpu.memref_squeeze %dma_start3A_225 : memref<1x!tpu.dma_semaphore, #tpu.memory_space<semaphore_mem>> -> memref<!tpu.dma_semaphore, #tpu.memory_space<semaphore_mem>>
    tpu.enqueue_indirect_dma source(%dma_start3A_224 : memref<2304x128xf32, #tpu.memory_space<vmem_shared>>) target(%dma_start3A_218 : memref<32x128xf32, #tpu.memory_space<vmem>>) offsets(%dma_start3A_221 : memref<32xi32, #tpu.memory_space<vmem>>) semaphore(%dma_start3A_226 : memref<!tpu.dma_semaphore, #tpu.memory_space<semaphore_mem>>)
    %dma_start3A_227 = arith.constant 7 : i32
    %dma_start3A_228 = arith.constant 7 : i32
    %dma_start3A_229 = arith.constant 7 : i32
    %dma_start3A_230 = arith.constant 0 : i32
    %dma_start3A_231 = arith.constant 0 : i32
    %dma_start3A_232 = tpu.memref_slice %arg11[%dma_start3A_228, %dma_start3A_230, %dma_start3A_231] : memref<16x32x128xf32, #tpu.memory_space<vmem>> -> memref<1x32x128xf32, #tpu.memory_space<vmem>>
    %dma_start3A_233 = tpu.memref_squeeze %dma_start3A_232 : memref<1x32x128xf32, #tpu.memory_space<vmem>> -> memref<32x128xf32, #tpu.memory_space<vmem>>
    %dma_start3A_234 = arith.constant 0 : i32
    %dma_start3A_235 = tpu.memref_slice %arg10[%dma_start3A_227, %dma_start3A_234] : memref<16x32xi32, #tpu.memory_space<vmem>> -> memref<1x32xi32, #tpu.memory_space<vmem>>
    %dma_start3A_236 = tpu.memref_squeeze %dma_start3A_235 : memref<1x32xi32, #tpu.memory_space<vmem>> -> memref<32xi32, #tpu.memory_space<vmem>>
    %dma_start3A_237 = arith.constant 0 : i32
    %dma_start3A_238 = arith.constant 0 : i32
    %dma_start3A_239 = tpu.memref_slice %arg12[%dma_start3A_237, %dma_start3A_238] : memref<2304x128xf32, #tpu.memory_space<vmem_shared>> -> memref<2304x128xf32, #tpu.memory_space<vmem_shared>>
    %dma_start3A_240 = tpu.memref_slice %arg13[%dma_start3A_229] : memref<16x!tpu.dma_semaphore, #tpu.memory_space<semaphore_mem>> -> memref<1x!tpu.dma_semaphore, #tpu.memory_space<semaphore_mem>>
    %dma_start3A_241 = tpu.memref_squeeze %dma_start3A_240 : memref<1x!tpu.dma_semaphore, #tpu.memory_space<semaphore_mem>> -> memref<!tpu.dma_semaphore, #tpu.memory_space<semaphore_mem>>
    tpu.enqueue_indirect_dma source(%dma_start3A_239 : memref<2304x128xf32, #tpu.memory_space<vmem_shared>>) target(%dma_start3A_233 : memref<32x128xf32, #tpu.memory_space<vmem>>) offsets(%dma_start3A_236 : memref<32xi32, #tpu.memory_space<vmem>>) semaphore(%dma_start3A_241 : memref<!tpu.dma_semaphore, #tpu.memory_space<semaphore_mem>>)
    %dma_start3A_242 = arith.constant 8 : i32
    %dma_start3A_243 = arith.constant 8 : i32
    %dma_start3A_244 = arith.constant 8 : i32
    %dma_start3A_245 = arith.constant 0 : i32
    %dma_start3A_246 = arith.constant 0 : i32
    %dma_start3A_247 = tpu.memref_slice %arg11[%dma_start3A_243, %dma_start3A_245, %dma_start3A_246] : memref<16x32x128xf32, #tpu.memory_space<vmem>> -> memref<1x32x128xf32, #tpu.memory_space<vmem>>
    %dma_start3A_248 = tpu.memref_squeeze %dma_start3A_247 : memref<1x32x128xf32, #tpu.memory_space<vmem>> -> memref<32x128xf32, #tpu.memory_space<vmem>>
    %dma_start3A_249 = arith.constant 0 : i32
    %dma_start3A_250 = tpu.memref_slice %arg10[%dma_start3A_242, %dma_start3A_249] : memref<16x32xi32, #tpu.memory_space<vmem>> -> memref<1x32xi32, #tpu.memory_space<vmem>>
    %dma_start3A_251 = tpu.memref_squeeze %dma_start3A_250 : memref<1x32xi32, #tpu.memory_space<vmem>> -> memref<32xi32, #tpu.memory_space<vmem>>
    %dma_start3A_252 = arith.constant 0 : i32
    %dma_start3A_253 = arith.constant 0 : i32
    %dma_start3A_254 = tpu.memref_slice %arg12[%dma_start3A_252, %dma_start3A_253] : memref<2304x128xf32, #tpu.memory_space<vmem_shared>> -> memref<2304x128xf32, #tpu.memory_space<vmem_shared>>
    %dma_start3A_255 = tpu.memref_slice %arg13[%dma_start3A_244] : memref<16x!tpu.dma_semaphore, #tpu.memory_space<semaphore_mem>> -> memref<1x!tpu.dma_semaphore, #tpu.memory_space<semaphore_mem>>
    %dma_start3A_256 = tpu.memref_squeeze %dma_start3A_255 : memref<1x!tpu.dma_semaphore, #tpu.memory_space<semaphore_mem>> -> memref<!tpu.dma_semaphore, #tpu.memory_space<semaphore_mem>>
    tpu.enqueue_indirect_dma source(%dma_start3A_254 : memref<2304x128xf32, #tpu.memory_space<vmem_shared>>) target(%dma_start3A_248 : memref<32x128xf32, #tpu.memory_space<vmem>>) offsets(%dma_start3A_251 : memref<32xi32, #tpu.memory_space<vmem>>) semaphore(%dma_start3A_256 : memref<!tpu.dma_semaphore, #tpu.memory_space<semaphore_mem>>)
    %dma_start3A_257 = arith.constant 9 : i32
    %dma_start3A_258 = arith.constant 9 : i32
    %dma_start3A_259 = arith.constant 9 : i32
    %dma_start3A_260 = arith.constant 0 : i32
    %dma_start3A_261 = arith.constant 0 : i32
    %dma_start3A_262 = tpu.memref_slice %arg11[%dma_start3A_258, %dma_start3A_260, %dma_start3A_261] : memref<16x32x128xf32, #tpu.memory_space<vmem>> -> memref<1x32x128xf32, #tpu.memory_space<vmem>>
    %dma_start3A_263 = tpu.memref_squeeze %dma_start3A_262 : memref<1x32x128xf32, #tpu.memory_space<vmem>> -> memref<32x128xf32, #tpu.memory_space<vmem>>
    %dma_start3A_264 = arith.constant 0 : i32
    %dma_start3A_265 = tpu.memref_slice %arg10[%dma_start3A_257, %dma_start3A_264] : memref<16x32xi32, #tpu.memory_space<vmem>> -> memref<1x32xi32, #tpu.memory_space<vmem>>
    %dma_start3A_266 = tpu.memref_squeeze %dma_start3A_265 : memref<1x32xi32, #tpu.memory_space<vmem>> -> memref<32xi32, #tpu.memory_space<vmem>>
    %dma_start3A_267 = arith.constant 0 : i32
    %dma_start3A_268 = arith.constant 0 : i32
    %dma_start3A_269 = tpu.memref_slice %arg12[%dma_start3A_267, %dma_start3A_268] : memref<2304x128xf32, #tpu.memory_space<vmem_shared>> -> memref<2304x128xf32, #tpu.memory_space<vmem_shared>>
    %dma_start3A_270 = tpu.memref_slice %arg13[%dma_start3A_259] : memref<16x!tpu.dma_semaphore, #tpu.memory_space<semaphore_mem>> -> memref<1x!tpu.dma_semaphore, #tpu.memory_space<semaphore_mem>>
    %dma_start3A_271 = tpu.memref_squeeze %dma_start3A_270 : memref<1x!tpu.dma_semaphore, #tpu.memory_space<semaphore_mem>> -> memref<!tpu.dma_semaphore, #tpu.memory_space<semaphore_mem>>
    tpu.enqueue_indirect_dma source(%dma_start3A_269 : memref<2304x128xf32, #tpu.memory_space<vmem_shared>>) target(%dma_start3A_263 : memref<32x128xf32, #tpu.memory_space<vmem>>) offsets(%dma_start3A_266 : memref<32xi32, #tpu.memory_space<vmem>>) semaphore(%dma_start3A_271 : memref<!tpu.dma_semaphore, #tpu.memory_space<semaphore_mem>>)
    %dma_start3A_272 = arith.constant 10 : i32
    %dma_start3A_273 = arith.constant 10 : i32
    %dma_start3A_274 = arith.constant 10 : i32
    %dma_start3A_275 = arith.constant 0 : i32
    %dma_start3A_276 = arith.constant 0 : i32
    %dma_start3A_277 = tpu.memref_slice %arg11[%dma_start3A_273, %dma_start3A_275, %dma_start3A_276] : memref<16x32x128xf32, #tpu.memory_space<vmem>> -> memref<1x32x128xf32, #tpu.memory_space<vmem>>
    %dma_start3A_278 = tpu.memref_squeeze %dma_start3A_277 : memref<1x32x128xf32, #tpu.memory_space<vmem>> -> memref<32x128xf32, #tpu.memory_space<vmem>>
    %dma_start3A_279 = arith.constant 0 : i32
    %dma_start3A_280 = tpu.memref_slice %arg10[%dma_start3A_272, %dma_start3A_279] : memref<16x32xi32, #tpu.memory_space<vmem>> -> memref<1x32xi32, #tpu.memory_space<vmem>>
    %dma_start3A_281 = tpu.memref_squeeze %dma_start3A_280 : memref<1x32xi32, #tpu.memory_space<vmem>> -> memref<32xi32, #tpu.memory_space<vmem>>
    %dma_start3A_282 = arith.constant 0 : i32
    %dma_start3A_283 = arith.constant 0 : i32
    %dma_start3A_284 = tpu.memref_slice %arg12[%dma_start3A_282, %dma_start3A_283] : memref<2304x128xf32, #tpu.memory_space<vmem_shared>> -> memref<2304x128xf32, #tpu.memory_space<vmem_shared>>
    %dma_start3A_285 = tpu.memref_slice %arg13[%dma_start3A_274] : memref<16x!tpu.dma_semaphore, #tpu.memory_space<semaphore_mem>> -> memref<1x!tpu.dma_semaphore, #tpu.memory_space<semaphore_mem>>
    %dma_start3A_286 = tpu.memref_squeeze %dma_start3A_285 : memref<1x!tpu.dma_semaphore, #tpu.memory_space<semaphore_mem>> -> memref<!tpu.dma_semaphore, #tpu.memory_space<semaphore_mem>>
    tpu.enqueue_indirect_dma source(%dma_start3A_284 : memref<2304x128xf32, #tpu.memory_space<vmem_shared>>) target(%dma_start3A_278 : memref<32x128xf32, #tpu.memory_space<vmem>>) offsets(%dma_start3A_281 : memref<32xi32, #tpu.memory_space<vmem>>) semaphore(%dma_start3A_286 : memref<!tpu.dma_semaphore, #tpu.memory_space<semaphore_mem>>)
    %dma_start3A_287 = arith.constant 11 : i32
    %dma_start3A_288 = arith.constant 11 : i32
    %dma_start3A_289 = arith.constant 11 : i32
    %dma_start3A_290 = arith.constant 0 : i32
    %dma_start3A_291 = arith.constant 0 : i32
    %dma_start3A_292 = tpu.memref_slice %arg11[%dma_start3A_288, %dma_start3A_290, %dma_start3A_291] : memref<16x32x128xf32, #tpu.memory_space<vmem>> -> memref<1x32x128xf32, #tpu.memory_space<vmem>>
    %dma_start3A_293 = tpu.memref_squeeze %dma_start3A_292 : memref<1x32x128xf32, #tpu.memory_space<vmem>> -> memref<32x128xf32, #tpu.memory_space<vmem>>
    %dma_start3A_294 = arith.constant 0 : i32
    %dma_start3A_295 = tpu.memref_slice %arg10[%dma_start3A_287, %dma_start3A_294] : memref<16x32xi32, #tpu.memory_space<vmem>> -> memref<1x32xi32, #tpu.memory_space<vmem>>
    %dma_start3A_296 = tpu.memref_squeeze %dma_start3A_295 : memref<1x32xi32, #tpu.memory_space<vmem>> -> memref<32xi32, #tpu.memory_space<vmem>>
    %dma_start3A_297 = arith.constant 0 : i32
    %dma_start3A_298 = arith.constant 0 : i32
    %dma_start3A_299 = tpu.memref_slice %arg12[%dma_start3A_297, %dma_start3A_298] : memref<2304x128xf32, #tpu.memory_space<vmem_shared>> -> memref<2304x128xf32, #tpu.memory_space<vmem_shared>>
    %dma_start3A_300 = tpu.memref_slice %arg13[%dma_start3A_289] : memref<16x!tpu.dma_semaphore, #tpu.memory_space<semaphore_mem>> -> memref<1x!tpu.dma_semaphore, #tpu.memory_space<semaphore_mem>>
    %dma_start3A_301 = tpu.memref_squeeze %dma_start3A_300 : memref<1x!tpu.dma_semaphore, #tpu.memory_space<semaphore_mem>> -> memref<!tpu.dma_semaphore, #tpu.memory_space<semaphore_mem>>
    tpu.enqueue_indirect_dma source(%dma_start3A_299 : memref<2304x128xf32, #tpu.memory_space<vmem_shared>>) target(%dma_start3A_293 : memref<32x128xf32, #tpu.memory_space<vmem>>) offsets(%dma_start3A_296 : memref<32xi32, #tpu.memory_space<vmem>>) semaphore(%dma_start3A_301 : memref<!tpu.dma_semaphore, #tpu.memory_space<semaphore_mem>>)
    %dma_start3A_302 = arith.constant 12 : i32
    %dma_start3A_303 = arith.constant 12 : i32
    %dma_start3A_304 = arith.constant 12 : i32
    %dma_start3A_305 = arith.constant 0 : i32
    %dma_start3A_306 = arith.constant 0 : i32
    %dma_start3A_307 = tpu.memref_slice %arg11[%dma_start3A_303, %dma_start3A_305, %dma_start3A_306] : memref<16x32x128xf32, #tpu.memory_space<vmem>> -> memref<1x32x128xf32, #tpu.memory_space<vmem>>
    %dma_start3A_308 = tpu.memref_squeeze %dma_start3A_307 : memref<1x32x128xf32, #tpu.memory_space<vmem>> -> memref<32x128xf32, #tpu.memory_space<vmem>>
    %dma_start3A_309 = arith.constant 0 : i32
    %dma_start3A_310 = tpu.memref_slice %arg10[%dma_start3A_302, %dma_start3A_309] : memref<16x32xi32, #tpu.memory_space<vmem>> -> memref<1x32xi32, #tpu.memory_space<vmem>>
    %dma_start3A_311 = tpu.memref_squeeze %dma_start3A_310 : memref<1x32xi32, #tpu.memory_space<vmem>> -> memref<32xi32, #tpu.memory_space<vmem>>
    %dma_start3A_312 = arith.constant 0 : i32
    %dma_start3A_313 = arith.constant 0 : i32
    %dma_start3A_314 = tpu.memref_slice %arg12[%dma_start3A_312, %dma_start3A_313] : memref<2304x128xf32, #tpu.memory_space<vmem_shared>> -> memref<2304x128xf32, #tpu.memory_space<vmem_shared>>
    %dma_start3A_315 = tpu.memref_slice %arg13[%dma_start3A_304] : memref<16x!tpu.dma_semaphore, #tpu.memory_space<semaphore_mem>> -> memref<1x!tpu.dma_semaphore, #tpu.memory_space<semaphore_mem>>
    %dma_start3A_316 = tpu.memref_squeeze %dma_start3A_315 : memref<1x!tpu.dma_semaphore, #tpu.memory_space<semaphore_mem>> -> memref<!tpu.dma_semaphore, #tpu.memory_space<semaphore_mem>>
    tpu.enqueue_indirect_dma source(%dma_start3A_314 : memref<2304x128xf32, #tpu.memory_space<vmem_shared>>) target(%dma_start3A_308 : memref<32x128xf32, #tpu.memory_space<vmem>>) offsets(%dma_start3A_311 : memref<32xi32, #tpu.memory_space<vmem>>) semaphore(%dma_start3A_316 : memref<!tpu.dma_semaphore, #tpu.memory_space<semaphore_mem>>)
    %dma_start3A_317 = arith.constant 13 : i32
    %dma_start3A_318 = arith.constant 13 : i32
    %dma_start3A_319 = arith.constant 13 : i32
    %dma_start3A_320 = arith.constant 0 : i32
    %dma_start3A_321 = arith.constant 0 : i32
    %dma_start3A_322 = tpu.memref_slice %arg11[%dma_start3A_318, %dma_start3A_320, %dma_start3A_321] : memref<16x32x128xf32, #tpu.memory_space<vmem>> -> memref<1x32x128xf32, #tpu.memory_space<vmem>>
    %dma_start3A_323 = tpu.memref_squeeze %dma_start3A_322 : memref<1x32x128xf32, #tpu.memory_space<vmem>> -> memref<32x128xf32, #tpu.memory_space<vmem>>
    %dma_start3A_324 = arith.constant 0 : i32
    %dma_start3A_325 = tpu.memref_slice %arg10[%dma_start3A_317, %dma_start3A_324] : memref<16x32xi32, #tpu.memory_space<vmem>> -> memref<1x32xi32, #tpu.memory_space<vmem>>
    %dma_start3A_326 = tpu.memref_squeeze %dma_start3A_325 : memref<1x32xi32, #tpu.memory_space<vmem>> -> memref<32xi32, #tpu.memory_space<vmem>>
    %dma_start3A_327 = arith.constant 0 : i32
    %dma_start3A_328 = arith.constant 0 : i32
    %dma_start3A_329 = tpu.memref_slice %arg12[%dma_start3A_327, %dma_start3A_328] : memref<2304x128xf32, #tpu.memory_space<vmem_shared>> -> memref<2304x128xf32, #tpu.memory_space<vmem_shared>>
    %dma_start3A_330 = tpu.memref_slice %arg13[%dma_start3A_319] : memref<16x!tpu.dma_semaphore, #tpu.memory_space<semaphore_mem>> -> memref<1x!tpu.dma_semaphore, #tpu.memory_space<semaphore_mem>>
    %dma_start3A_331 = tpu.memref_squeeze %dma_start3A_330 : memref<1x!tpu.dma_semaphore, #tpu.memory_space<semaphore_mem>> -> memref<!tpu.dma_semaphore, #tpu.memory_space<semaphore_mem>>
    tpu.enqueue_indirect_dma source(%dma_start3A_329 : memref<2304x128xf32, #tpu.memory_space<vmem_shared>>) target(%dma_start3A_323 : memref<32x128xf32, #tpu.memory_space<vmem>>) offsets(%dma_start3A_326 : memref<32xi32, #tpu.memory_space<vmem>>) semaphore(%dma_start3A_331 : memref<!tpu.dma_semaphore, #tpu.memory_space<semaphore_mem>>)
    %dma_start3A_332 = arith.constant 14 : i32
    %dma_start3A_333 = arith.constant 14 : i32
    %dma_start3A_334 = arith.constant 14 : i32
    %dma_start3A_335 = arith.constant 0 : i32
    %dma_start3A_336 = arith.constant 0 : i32
    %dma_start3A_337 = tpu.memref_slice %arg11[%dma_start3A_333, %dma_start3A_335, %dma_start3A_336] : memref<16x32x128xf32, #tpu.memory_space<vmem>> -> memref<1x32x128xf32, #tpu.memory_space<vmem>>
    %dma_start3A_338 = tpu.memref_squeeze %dma_start3A_337 : memref<1x32x128xf32, #tpu.memory_space<vmem>> -> memref<32x128xf32, #tpu.memory_space<vmem>>
    %dma_start3A_339 = arith.constant 0 : i32
    %dma_start3A_340 = tpu.memref_slice %arg10[%dma_start3A_332, %dma_start3A_339] : memref<16x32xi32, #tpu.memory_space<vmem>> -> memref<1x32xi32, #tpu.memory_space<vmem>>
    %dma_start3A_341 = tpu.memref_squeeze %dma_start3A_340 : memref<1x32xi32, #tpu.memory_space<vmem>> -> memref<32xi32, #tpu.memory_space<vmem>>
    %dma_start3A_342 = arith.constant 0 : i32
    %dma_start3A_343 = arith.constant 0 : i32
    %dma_start3A_344 = tpu.memref_slice %arg12[%dma_start3A_342, %dma_start3A_343] : memref<2304x128xf32, #tpu.memory_space<vmem_shared>> -> memref<2304x128xf32, #tpu.memory_space<vmem_shared>>
    %dma_start3A_345 = tpu.memref_slice %arg13[%dma_start3A_334] : memref<16x!tpu.dma_semaphore, #tpu.memory_space<semaphore_mem>> -> memref<1x!tpu.dma_semaphore, #tpu.memory_space<semaphore_mem>>
    %dma_start3A_346 = tpu.memref_squeeze %dma_start3A_345 : memref<1x!tpu.dma_semaphore, #tpu.memory_space<semaphore_mem>> -> memref<!tpu.dma_semaphore, #tpu.memory_space<semaphore_mem>>
    tpu.enqueue_indirect_dma source(%dma_start3A_344 : memref<2304x128xf32, #tpu.memory_space<vmem_shared>>) target(%dma_start3A_338 : memref<32x128xf32, #tpu.memory_space<vmem>>) offsets(%dma_start3A_341 : memref<32xi32, #tpu.memory_space<vmem>>) semaphore(%dma_start3A_346 : memref<!tpu.dma_semaphore, #tpu.memory_space<semaphore_mem>>)
    %dma_start3A_347 = arith.constant 15 : i32
    %dma_start3A_348 = arith.constant 15 : i32
    %dma_start3A_349 = arith.constant 15 : i32
    %dma_start3A_350 = arith.constant 0 : i32
    %dma_start3A_351 = arith.constant 0 : i32
    %dma_start3A_352 = tpu.memref_slice %arg11[%dma_start3A_348, %dma_start3A_350, %dma_start3A_351] : memref<16x32x128xf32, #tpu.memory_space<vmem>> -> memref<1x32x128xf32, #tpu.memory_space<vmem>>
    %dma_start3A_353 = tpu.memref_squeeze %dma_start3A_352 : memref<1x32x128xf32, #tpu.memory_space<vmem>> -> memref<32x128xf32, #tpu.memory_space<vmem>>
    %dma_start3A_354 = arith.constant 0 : i32
    %dma_start3A_355 = tpu.memref_slice %arg10[%dma_start3A_347, %dma_start3A_354] : memref<16x32xi32, #tpu.memory_space<vmem>> -> memref<1x32xi32, #tpu.memory_space<vmem>>
    %dma_start3A_356 = tpu.memref_squeeze %dma_start3A_355 : memref<1x32xi32, #tpu.memory_space<vmem>> -> memref<32xi32, #tpu.memory_space<vmem>>
    %dma_start3A_357 = arith.constant 0 : i32
    %dma_start3A_358 = arith.constant 0 : i32
    %dma_start3A_359 = tpu.memref_slice %arg12[%dma_start3A_357, %dma_start3A_358] : memref<2304x128xf32, #tpu.memory_space<vmem_shared>> -> memref<2304x128xf32, #tpu.memory_space<vmem_shared>>
    %dma_start3A_360 = tpu.memref_slice %arg13[%dma_start3A_349] : memref<16x!tpu.dma_semaphore, #tpu.memory_space<semaphore_mem>> -> memref<1x!tpu.dma_semaphore, #tpu.memory_space<semaphore_mem>>
    %dma_start3A_361 = tpu.memref_squeeze %dma_start3A_360 : memref<1x!tpu.dma_semaphore, #tpu.memory_space<semaphore_mem>> -> memref<!tpu.dma_semaphore, #tpu.memory_space<semaphore_mem>>
    tpu.enqueue_indirect_dma source(%dma_start3A_359 : memref<2304x128xf32, #tpu.memory_space<vmem_shared>>) target(%dma_start3A_353 : memref<32x128xf32, #tpu.memory_space<vmem>>) offsets(%dma_start3A_356 : memref<32xi32, #tpu.memory_space<vmem>>) semaphore(%dma_start3A_361 : memref<!tpu.dma_semaphore, #tpu.memory_space<semaphore_mem>>)
    %dma_wait3A_362 = arith.constant 0 : i32
    %dma_wait3A_363 = arith.constant 0 : i32
    %dma_wait3A_364 = arith.constant 0 : i32
    %dma_wait3A_365 = arith.constant 0 : i32
    %dma_wait3A_366 = arith.constant 0 : i32
    %dma_wait3A_367 = tpu.memref_slice %arg11[%dma_wait3A_363, %dma_wait3A_365, %dma_wait3A_366] : memref<16x32x128xf32, #tpu.memory_space<vmem>> -> memref<1x32x128xf32, #tpu.memory_space<vmem>>
    %dma_wait3A_368 = tpu.memref_squeeze %dma_wait3A_367 : memref<1x32x128xf32, #tpu.memory_space<vmem>> -> memref<32x128xf32, #tpu.memory_space<vmem>>
    %dma_wait3A_369 = arith.constant 0 : i32
    %dma_wait3A_370 = tpu.memref_slice %arg10[%dma_wait3A_362, %dma_wait3A_369] : memref<16x32xi32, #tpu.memory_space<vmem>> -> memref<1x32xi32, #tpu.memory_space<vmem>>
    %dma_wait3A_371 = tpu.memref_squeeze %dma_wait3A_370 : memref<1x32xi32, #tpu.memory_space<vmem>> -> memref<32xi32, #tpu.memory_space<vmem>>
    %dma_wait3A_372 = arith.constant 0 : i32
    %dma_wait3A_373 = arith.constant 0 : i32
    %dma_wait3A_374 = tpu.memref_slice %arg5[%dma_wait3A_372, %dma_wait3A_373] : memref<2304x128xf32, #tpu.memory_space<hbm>> -> memref<2304x128xf32, #tpu.memory_space<hbm>>
    %dma_wait3A_375 = tpu.memref_slice %arg13[%dma_wait3A_364] : memref<16x!tpu.dma_semaphore, #tpu.memory_space<semaphore_mem>> -> memref<1x!tpu.dma_semaphore, #tpu.memory_space<semaphore_mem>>
    %dma_wait3A_376 = tpu.memref_squeeze %dma_wait3A_375 : memref<1x!tpu.dma_semaphore, #tpu.memory_space<semaphore_mem>> -> memref<!tpu.dma_semaphore, #tpu.memory_space<semaphore_mem>>
    tpu.wait_indirect_dma semaphore(%dma_wait3A_376 : memref<!tpu.dma_semaphore, #tpu.memory_space<semaphore_mem>>) src(%dma_wait3A_374 : memref<2304x128xf32, #tpu.memory_space<hbm>>) dst(%dma_wait3A_368 : memref<32x128xf32, #tpu.memory_space<vmem>>)
    %add3A_377 = arith.constant 0 : i32
    %add3A_378 = arith.addi %mul3A_2, %add3A_377 : i32
    %dma_start3A_379 = arith.constant 0 : i32
    %dma_start3A_380 = arith.constant 0 : i32
    %dma_start3A_381 = arith.constant 0 : i32
    %dma_start3A_382 = tpu.memref_slice %arg11[%dma_start3A_379, %dma_start3A_380, %dma_start3A_381] : memref<16x32x128xf32, #tpu.memory_space<vmem>> -> memref<1x32x128xf32, #tpu.memory_space<vmem>>
    %dma_start3A_383 = tpu.memref_squeeze %dma_start3A_382 : memref<1x32x128xf32, #tpu.memory_space<vmem>> -> memref<32x128xf32, #tpu.memory_space<vmem>>
    %dma_start3A_384 = arith.constant 0 : i32
    %dma_start3A_385 = tpu.memref_slice %arg6[%add3A_378, %dma_start3A_384] : memref<16384x128xf32, #tpu.memory_space<hbm>> -> memref<32x128xf32, #tpu.memory_space<hbm>>
    %dma_start3A_386 = arith.constant 0 : i32
    %dma_start3A_387 = tpu.memref_slice %arg6[%add3A_378, %dma_start3A_386] : memref<16384x128xf32, #tpu.memory_space<hbm>> -> memref<32x128xf32, #tpu.memory_space<hbm>>
    %dma_start3A_388 = arith.constant 0 : i32
    %dma_start3A_389 = arith.constant 0 : i32
    %dma_start3A_390 = tpu.memref_slice %arg11[%dma_start3A_379, %dma_start3A_388, %dma_start3A_389] : memref<16x32x128xf32, #tpu.memory_space<vmem>> -> memref<1x32x128xf32, #tpu.memory_space<vmem>>
    %dma_start3A_391 = tpu.memref_squeeze %dma_start3A_390 : memref<1x32x128xf32, #tpu.memory_space<vmem>> -> memref<32x128xf32, #tpu.memory_space<vmem>>
    tpu.enqueue_dma source(%dma_start3A_391 : memref<32x128xf32, #tpu.memory_space<vmem>>) target(%dma_start3A_387 : memref<32x128xf32, #tpu.memory_space<hbm>>) target_semaphore(%arg14 : memref<!tpu.dma_semaphore, #tpu.memory_space<semaphore_mem>>)
    %dma_wait3A_392 = arith.constant 1 : i32
    %dma_wait3A_393 = arith.constant 1 : i32
    %dma_wait3A_394 = arith.constant 1 : i32
    %dma_wait3A_395 = arith.constant 0 : i32
    %dma_wait3A_396 = arith.constant 0 : i32
    %dma_wait3A_397 = tpu.memref_slice %arg11[%dma_wait3A_393, %dma_wait3A_395, %dma_wait3A_396] : memref<16x32x128xf32, #tpu.memory_space<vmem>> -> memref<1x32x128xf32, #tpu.memory_space<vmem>>
    %dma_wait3A_398 = tpu.memref_squeeze %dma_wait3A_397 : memref<1x32x128xf32, #tpu.memory_space<vmem>> -> memref<32x128xf32, #tpu.memory_space<vmem>>
    %dma_wait3A_399 = arith.constant 0 : i32
    %dma_wait3A_400 = tpu.memref_slice %arg10[%dma_wait3A_392, %dma_wait3A_399] : memref<16x32xi32, #tpu.memory_space<vmem>> -> memref<1x32xi32, #tpu.memory_space<vmem>>
    %dma_wait3A_401 = tpu.memref_squeeze %dma_wait3A_400 : memref<1x32xi32, #tpu.memory_space<vmem>> -> memref<32xi32, #tpu.memory_space<vmem>>
    %dma_wait3A_402 = arith.constant 0 : i32
    %dma_wait3A_403 = arith.constant 0 : i32
    %dma_wait3A_404 = tpu.memref_slice %arg5[%dma_wait3A_402, %dma_wait3A_403] : memref<2304x128xf32, #tpu.memory_space<hbm>> -> memref<2304x128xf32, #tpu.memory_space<hbm>>
    %dma_wait3A_405 = tpu.memref_slice %arg13[%dma_wait3A_394] : memref<16x!tpu.dma_semaphore, #tpu.memory_space<semaphore_mem>> -> memref<1x!tpu.dma_semaphore, #tpu.memory_space<semaphore_mem>>
    %dma_wait3A_406 = tpu.memref_squeeze %dma_wait3A_405 : memref<1x!tpu.dma_semaphore, #tpu.memory_space<semaphore_mem>> -> memref<!tpu.dma_semaphore, #tpu.memory_space<semaphore_mem>>
    tpu.wait_indirect_dma semaphore(%dma_wait3A_406 : memref<!tpu.dma_semaphore, #tpu.memory_space<semaphore_mem>>) src(%dma_wait3A_404 : memref<2304x128xf32, #tpu.memory_space<hbm>>) dst(%dma_wait3A_398 : memref<32x128xf32, #tpu.memory_space<vmem>>)
    %add3A_407 = arith.constant 32 : i32
    %add3A_408 = arith.addi %mul3A_2, %add3A_407 : i32
    %dma_start3A_409 = arith.constant 1 : i32
    %dma_start3A_410 = arith.constant 0 : i32
    %dma_start3A_411 = arith.constant 0 : i32
    %dma_start3A_412 = tpu.memref_slice %arg11[%dma_start3A_409, %dma_start3A_410, %dma_start3A_411] : memref<16x32x128xf32, #tpu.memory_space<vmem>> -> memref<1x32x128xf32, #tpu.memory_space<vmem>>
    %dma_start3A_413 = tpu.memref_squeeze %dma_start3A_412 : memref<1x32x128xf32, #tpu.memory_space<vmem>> -> memref<32x128xf32, #tpu.memory_space<vmem>>
    %dma_start3A_414 = arith.constant 0 : i32
    %dma_start3A_415 = tpu.memref_slice %arg6[%add3A_408, %dma_start3A_414] : memref<16384x128xf32, #tpu.memory_space<hbm>> -> memref<32x128xf32, #tpu.memory_space<hbm>>
    %dma_start3A_416 = arith.constant 0 : i32
    %dma_start3A_417 = tpu.memref_slice %arg6[%add3A_408, %dma_start3A_416] : memref<16384x128xf32, #tpu.memory_space<hbm>> -> memref<32x128xf32, #tpu.memory_space<hbm>>
    %dma_start3A_418 = arith.constant 0 : i32
    %dma_start3A_419 = arith.constant 0 : i32
    %dma_start3A_420 = tpu.memref_slice %arg11[%dma_start3A_409, %dma_start3A_418, %dma_start3A_419] : memref<16x32x128xf32, #tpu.memory_space<vmem>> -> memref<1x32x128xf32, #tpu.memory_space<vmem>>
    %dma_start3A_421 = tpu.memref_squeeze %dma_start3A_420 : memref<1x32x128xf32, #tpu.memory_space<vmem>> -> memref<32x128xf32, #tpu.memory_space<vmem>>
    tpu.enqueue_dma source(%dma_start3A_421 : memref<32x128xf32, #tpu.memory_space<vmem>>) target(%dma_start3A_417 : memref<32x128xf32, #tpu.memory_space<hbm>>) target_semaphore(%arg14 : memref<!tpu.dma_semaphore, #tpu.memory_space<semaphore_mem>>)
    %dma_wait3A_422 = arith.constant 2 : i32
    %dma_wait3A_423 = arith.constant 2 : i32
    %dma_wait3A_424 = arith.constant 2 : i32
    %dma_wait3A_425 = arith.constant 0 : i32
    %dma_wait3A_426 = arith.constant 0 : i32
    %dma_wait3A_427 = tpu.memref_slice %arg11[%dma_wait3A_423, %dma_wait3A_425, %dma_wait3A_426] : memref<16x32x128xf32, #tpu.memory_space<vmem>> -> memref<1x32x128xf32, #tpu.memory_space<vmem>>
    %dma_wait3A_428 = tpu.memref_squeeze %dma_wait3A_427 : memref<1x32x128xf32, #tpu.memory_space<vmem>> -> memref<32x128xf32, #tpu.memory_space<vmem>>
    %dma_wait3A_429 = arith.constant 0 : i32
    %dma_wait3A_430 = tpu.memref_slice %arg10[%dma_wait3A_422, %dma_wait3A_429] : memref<16x32xi32, #tpu.memory_space<vmem>> -> memref<1x32xi32, #tpu.memory_space<vmem>>
    %dma_wait3A_431 = tpu.memref_squeeze %dma_wait3A_430 : memref<1x32xi32, #tpu.memory_space<vmem>> -> memref<32xi32, #tpu.memory_space<vmem>>
    %dma_wait3A_432 = arith.constant 0 : i32
    %dma_wait3A_433 = arith.constant 0 : i32
    %dma_wait3A_434 = tpu.memref_slice %arg5[%dma_wait3A_432, %dma_wait3A_433] : memref<2304x128xf32, #tpu.memory_space<hbm>> -> memref<2304x128xf32, #tpu.memory_space<hbm>>
    %dma_wait3A_435 = tpu.memref_slice %arg13[%dma_wait3A_424] : memref<16x!tpu.dma_semaphore, #tpu.memory_space<semaphore_mem>> -> memref<1x!tpu.dma_semaphore, #tpu.memory_space<semaphore_mem>>
    %dma_wait3A_436 = tpu.memref_squeeze %dma_wait3A_435 : memref<1x!tpu.dma_semaphore, #tpu.memory_space<semaphore_mem>> -> memref<!tpu.dma_semaphore, #tpu.memory_space<semaphore_mem>>
    tpu.wait_indirect_dma semaphore(%dma_wait3A_436 : memref<!tpu.dma_semaphore, #tpu.memory_space<semaphore_mem>>) src(%dma_wait3A_434 : memref<2304x128xf32, #tpu.memory_space<hbm>>) dst(%dma_wait3A_428 : memref<32x128xf32, #tpu.memory_space<vmem>>)
    %add3A_437 = arith.constant 64 : i32
    %add3A_438 = arith.addi %mul3A_2, %add3A_437 : i32
    %dma_start3A_439 = arith.constant 2 : i32
    %dma_start3A_440 = arith.constant 0 : i32
    %dma_start3A_441 = arith.constant 0 : i32
    %dma_start3A_442 = tpu.memref_slice %arg11[%dma_start3A_439, %dma_start3A_440, %dma_start3A_441] : memref<16x32x128xf32, #tpu.memory_space<vmem>> -> memref<1x32x128xf32, #tpu.memory_space<vmem>>
    %dma_start3A_443 = tpu.memref_squeeze %dma_start3A_442 : memref<1x32x128xf32, #tpu.memory_space<vmem>> -> memref<32x128xf32, #tpu.memory_space<vmem>>
    %dma_start3A_444 = arith.constant 0 : i32
    %dma_start3A_445 = tpu.memref_slice %arg6[%add3A_438, %dma_start3A_444] : memref<16384x128xf32, #tpu.memory_space<hbm>> -> memref<32x128xf32, #tpu.memory_space<hbm>>
    %dma_start3A_446 = arith.constant 0 : i32
    %dma_start3A_447 = tpu.memref_slice %arg6[%add3A_438, %dma_start3A_446] : memref<16384x128xf32, #tpu.memory_space<hbm>> -> memref<32x128xf32, #tpu.memory_space<hbm>>
    %dma_start3A_448 = arith.constant 0 : i32
    %dma_start3A_449 = arith.constant 0 : i32
    %dma_start3A_450 = tpu.memref_slice %arg11[%dma_start3A_439, %dma_start3A_448, %dma_start3A_449] : memref<16x32x128xf32, #tpu.memory_space<vmem>> -> memref<1x32x128xf32, #tpu.memory_space<vmem>>
    %dma_start3A_451 = tpu.memref_squeeze %dma_start3A_450 : memref<1x32x128xf32, #tpu.memory_space<vmem>> -> memref<32x128xf32, #tpu.memory_space<vmem>>
    tpu.enqueue_dma source(%dma_start3A_451 : memref<32x128xf32, #tpu.memory_space<vmem>>) target(%dma_start3A_447 : memref<32x128xf32, #tpu.memory_space<hbm>>) target_semaphore(%arg14 : memref<!tpu.dma_semaphore, #tpu.memory_space<semaphore_mem>>)
    %dma_wait3A_452 = arith.constant 3 : i32
    %dma_wait3A_453 = arith.constant 3 : i32
    %dma_wait3A_454 = arith.constant 3 : i32
    %dma_wait3A_455 = arith.constant 0 : i32
    %dma_wait3A_456 = arith.constant 0 : i32
    %dma_wait3A_457 = tpu.memref_slice %arg11[%dma_wait3A_453, %dma_wait3A_455, %dma_wait3A_456] : memref<16x32x128xf32, #tpu.memory_space<vmem>> -> memref<1x32x128xf32, #tpu.memory_space<vmem>>
    %dma_wait3A_458 = tpu.memref_squeeze %dma_wait3A_457 : memref<1x32x128xf32, #tpu.memory_space<vmem>> -> memref<32x128xf32, #tpu.memory_space<vmem>>
    %dma_wait3A_459 = arith.constant 0 : i32
    %dma_wait3A_460 = tpu.memref_slice %arg10[%dma_wait3A_452, %dma_wait3A_459] : memref<16x32xi32, #tpu.memory_space<vmem>> -> memref<1x32xi32, #tpu.memory_space<vmem>>
    %dma_wait3A_461 = tpu.memref_squeeze %dma_wait3A_460 : memref<1x32xi32, #tpu.memory_space<vmem>> -> memref<32xi32, #tpu.memory_space<vmem>>
    %dma_wait3A_462 = arith.constant 0 : i32
    %dma_wait3A_463 = arith.constant 0 : i32
    %dma_wait3A_464 = tpu.memref_slice %arg5[%dma_wait3A_462, %dma_wait3A_463] : memref<2304x128xf32, #tpu.memory_space<hbm>> -> memref<2304x128xf32, #tpu.memory_space<hbm>>
    %dma_wait3A_465 = tpu.memref_slice %arg13[%dma_wait3A_454] : memref<16x!tpu.dma_semaphore, #tpu.memory_space<semaphore_mem>> -> memref<1x!tpu.dma_semaphore, #tpu.memory_space<semaphore_mem>>
    %dma_wait3A_466 = tpu.memref_squeeze %dma_wait3A_465 : memref<1x!tpu.dma_semaphore, #tpu.memory_space<semaphore_mem>> -> memref<!tpu.dma_semaphore, #tpu.memory_space<semaphore_mem>>
    tpu.wait_indirect_dma semaphore(%dma_wait3A_466 : memref<!tpu.dma_semaphore, #tpu.memory_space<semaphore_mem>>) src(%dma_wait3A_464 : memref<2304x128xf32, #tpu.memory_space<hbm>>) dst(%dma_wait3A_458 : memref<32x128xf32, #tpu.memory_space<vmem>>)
    %add3A_467 = arith.constant 96 : i32
    %add3A_468 = arith.addi %mul3A_2, %add3A_467 : i32
    %dma_start3A_469 = arith.constant 3 : i32
    %dma_start3A_470 = arith.constant 0 : i32
    %dma_start3A_471 = arith.constant 0 : i32
    %dma_start3A_472 = tpu.memref_slice %arg11[%dma_start3A_469, %dma_start3A_470, %dma_start3A_471] : memref<16x32x128xf32, #tpu.memory_space<vmem>> -> memref<1x32x128xf32, #tpu.memory_space<vmem>>
    %dma_start3A_473 = tpu.memref_squeeze %dma_start3A_472 : memref<1x32x128xf32, #tpu.memory_space<vmem>> -> memref<32x128xf32, #tpu.memory_space<vmem>>
    %dma_start3A_474 = arith.constant 0 : i32
    %dma_start3A_475 = tpu.memref_slice %arg6[%add3A_468, %dma_start3A_474] : memref<16384x128xf32, #tpu.memory_space<hbm>> -> memref<32x128xf32, #tpu.memory_space<hbm>>
    %dma_start3A_476 = arith.constant 0 : i32
    %dma_start3A_477 = tpu.memref_slice %arg6[%add3A_468, %dma_start3A_476] : memref<16384x128xf32, #tpu.memory_space<hbm>> -> memref<32x128xf32, #tpu.memory_space<hbm>>
    %dma_start3A_478 = arith.constant 0 : i32
    %dma_start3A_479 = arith.constant 0 : i32
    %dma_start3A_480 = tpu.memref_slice %arg11[%dma_start3A_469, %dma_start3A_478, %dma_start3A_479] : memref<16x32x128xf32, #tpu.memory_space<vmem>> -> memref<1x32x128xf32, #tpu.memory_space<vmem>>
    %dma_start3A_481 = tpu.memref_squeeze %dma_start3A_480 : memref<1x32x128xf32, #tpu.memory_space<vmem>> -> memref<32x128xf32, #tpu.memory_space<vmem>>
    tpu.enqueue_dma source(%dma_start3A_481 : memref<32x128xf32, #tpu.memory_space<vmem>>) target(%dma_start3A_477 : memref<32x128xf32, #tpu.memory_space<hbm>>) target_semaphore(%arg14 : memref<!tpu.dma_semaphore, #tpu.memory_space<semaphore_mem>>)
    %dma_wait3A_482 = arith.constant 4 : i32
    %dma_wait3A_483 = arith.constant 4 : i32
    %dma_wait3A_484 = arith.constant 4 : i32
    %dma_wait3A_485 = arith.constant 0 : i32
    %dma_wait3A_486 = arith.constant 0 : i32
    %dma_wait3A_487 = tpu.memref_slice %arg11[%dma_wait3A_483, %dma_wait3A_485, %dma_wait3A_486] : memref<16x32x128xf32, #tpu.memory_space<vmem>> -> memref<1x32x128xf32, #tpu.memory_space<vmem>>
    %dma_wait3A_488 = tpu.memref_squeeze %dma_wait3A_487 : memref<1x32x128xf32, #tpu.memory_space<vmem>> -> memref<32x128xf32, #tpu.memory_space<vmem>>
    %dma_wait3A_489 = arith.constant 0 : i32
    %dma_wait3A_490 = tpu.memref_slice %arg10[%dma_wait3A_482, %dma_wait3A_489] : memref<16x32xi32, #tpu.memory_space<vmem>> -> memref<1x32xi32, #tpu.memory_space<vmem>>
    %dma_wait3A_491 = tpu.memref_squeeze %dma_wait3A_490 : memref<1x32xi32, #tpu.memory_space<vmem>> -> memref<32xi32, #tpu.memory_space<vmem>>
    %dma_wait3A_492 = arith.constant 0 : i32
    %dma_wait3A_493 = arith.constant 0 : i32
    %dma_wait3A_494 = tpu.memref_slice %arg12[%dma_wait3A_492, %dma_wait3A_493] : memref<2304x128xf32, #tpu.memory_space<vmem_shared>> -> memref<2304x128xf32, #tpu.memory_space<vmem_shared>>
    %dma_wait3A_495 = tpu.memref_slice %arg13[%dma_wait3A_484] : memref<16x!tpu.dma_semaphore, #tpu.memory_space<semaphore_mem>> -> memref<1x!tpu.dma_semaphore, #tpu.memory_space<semaphore_mem>>
    %dma_wait3A_496 = tpu.memref_squeeze %dma_wait3A_495 : memref<1x!tpu.dma_semaphore, #tpu.memory_space<semaphore_mem>> -> memref<!tpu.dma_semaphore, #tpu.memory_space<semaphore_mem>>
    tpu.wait_indirect_dma semaphore(%dma_wait3A_496 : memref<!tpu.dma_semaphore, #tpu.memory_space<semaphore_mem>>) src(%dma_wait3A_494 : memref<2304x128xf32, #tpu.memory_space<vmem_shared>>) dst(%dma_wait3A_488 : memref<32x128xf32, #tpu.memory_space<vmem>>)
    %add3A_497 = arith.constant 128 : i32
    %add3A_498 = arith.addi %mul3A_2, %add3A_497 : i32
    %dma_start3A_499 = arith.constant 4 : i32
    %dma_start3A_500 = arith.constant 0 : i32
    %dma_start3A_501 = arith.constant 0 : i32
    %dma_start3A_502 = tpu.memref_slice %arg11[%dma_start3A_499, %dma_start3A_500, %dma_start3A_501] : memref<16x32x128xf32, #tpu.memory_space<vmem>> -> memref<1x32x128xf32, #tpu.memory_space<vmem>>
    %dma_start3A_503 = tpu.memref_squeeze %dma_start3A_502 : memref<1x32x128xf32, #tpu.memory_space<vmem>> -> memref<32x128xf32, #tpu.memory_space<vmem>>
    %dma_start3A_504 = arith.constant 0 : i32
    %dma_start3A_505 = tpu.memref_slice %arg6[%add3A_498, %dma_start3A_504] : memref<16384x128xf32, #tpu.memory_space<hbm>> -> memref<32x128xf32, #tpu.memory_space<hbm>>
    %dma_start3A_506 = arith.constant 0 : i32
    %dma_start3A_507 = tpu.memref_slice %arg6[%add3A_498, %dma_start3A_506] : memref<16384x128xf32, #tpu.memory_space<hbm>> -> memref<32x128xf32, #tpu.memory_space<hbm>>
    %dma_start3A_508 = arith.constant 0 : i32
    %dma_start3A_509 = arith.constant 0 : i32
    %dma_start3A_510 = tpu.memref_slice %arg11[%dma_start3A_499, %dma_start3A_508, %dma_start3A_509] : memref<16x32x128xf32, #tpu.memory_space<vmem>> -> memref<1x32x128xf32, #tpu.memory_space<vmem>>
    %dma_start3A_511 = tpu.memref_squeeze %dma_start3A_510 : memref<1x32x128xf32, #tpu.memory_space<vmem>> -> memref<32x128xf32, #tpu.memory_space<vmem>>
    tpu.enqueue_dma source(%dma_start3A_511 : memref<32x128xf32, #tpu.memory_space<vmem>>) target(%dma_start3A_507 : memref<32x128xf32, #tpu.memory_space<hbm>>) target_semaphore(%arg14 : memref<!tpu.dma_semaphore, #tpu.memory_space<semaphore_mem>>)
    %dma_wait3A_512 = arith.constant 5 : i32
    %dma_wait3A_513 = arith.constant 5 : i32
    %dma_wait3A_514 = arith.constant 5 : i32
    %dma_wait3A_515 = arith.constant 0 : i32
    %dma_wait3A_516 = arith.constant 0 : i32
    %dma_wait3A_517 = tpu.memref_slice %arg11[%dma_wait3A_513, %dma_wait3A_515, %dma_wait3A_516] : memref<16x32x128xf32, #tpu.memory_space<vmem>> -> memref<1x32x128xf32, #tpu.memory_space<vmem>>
    %dma_wait3A_518 = tpu.memref_squeeze %dma_wait3A_517 : memref<1x32x128xf32, #tpu.memory_space<vmem>> -> memref<32x128xf32, #tpu.memory_space<vmem>>
    %dma_wait3A_519 = arith.constant 0 : i32
    %dma_wait3A_520 = tpu.memref_slice %arg10[%dma_wait3A_512, %dma_wait3A_519] : memref<16x32xi32, #tpu.memory_space<vmem>> -> memref<1x32xi32, #tpu.memory_space<vmem>>
    %dma_wait3A_521 = tpu.memref_squeeze %dma_wait3A_520 : memref<1x32xi32, #tpu.memory_space<vmem>> -> memref<32xi32, #tpu.memory_space<vmem>>
    %dma_wait3A_522 = arith.constant 0 : i32
    %dma_wait3A_523 = arith.constant 0 : i32
    %dma_wait3A_524 = tpu.memref_slice %arg12[%dma_wait3A_522, %dma_wait3A_523] : memref<2304x128xf32, #tpu.memory_space<vmem_shared>> -> memref<2304x128xf32, #tpu.memory_space<vmem_shared>>
    %dma_wait3A_525 = tpu.memref_slice %arg13[%dma_wait3A_514] : memref<16x!tpu.dma_semaphore, #tpu.memory_space<semaphore_mem>> -> memref<1x!tpu.dma_semaphore, #tpu.memory_space<semaphore_mem>>
    %dma_wait3A_526 = tpu.memref_squeeze %dma_wait3A_525 : memref<1x!tpu.dma_semaphore, #tpu.memory_space<semaphore_mem>> -> memref<!tpu.dma_semaphore, #tpu.memory_space<semaphore_mem>>
    tpu.wait_indirect_dma semaphore(%dma_wait3A_526 : memref<!tpu.dma_semaphore, #tpu.memory_space<semaphore_mem>>) src(%dma_wait3A_524 : memref<2304x128xf32, #tpu.memory_space<vmem_shared>>) dst(%dma_wait3A_518 : memref<32x128xf32, #tpu.memory_space<vmem>>)
    %add3A_527 = arith.constant 160 : i32
    %add3A_528 = arith.addi %mul3A_2, %add3A_527 : i32
    %dma_start3A_529 = arith.constant 5 : i32
    %dma_start3A_530 = arith.constant 0 : i32
    %dma_start3A_531 = arith.constant 0 : i32
    %dma_start3A_532 = tpu.memref_slice %arg11[%dma_start3A_529, %dma_start3A_530, %dma_start3A_531] : memref<16x32x128xf32, #tpu.memory_space<vmem>> -> memref<1x32x128xf32, #tpu.memory_space<vmem>>
    %dma_start3A_533 = tpu.memref_squeeze %dma_start3A_532 : memref<1x32x128xf32, #tpu.memory_space<vmem>> -> memref<32x128xf32, #tpu.memory_space<vmem>>
    %dma_start3A_534 = arith.constant 0 : i32
    %dma_start3A_535 = tpu.memref_slice %arg6[%add3A_528, %dma_start3A_534] : memref<16384x128xf32, #tpu.memory_space<hbm>> -> memref<32x128xf32, #tpu.memory_space<hbm>>
    %dma_start3A_536 = arith.constant 0 : i32
    %dma_start3A_537 = tpu.memref_slice %arg6[%add3A_528, %dma_start3A_536] : memref<16384x128xf32, #tpu.memory_space<hbm>> -> memref<32x128xf32, #tpu.memory_space<hbm>>
    %dma_start3A_538 = arith.constant 0 : i32
    %dma_start3A_539 = arith.constant 0 : i32
    %dma_start3A_540 = tpu.memref_slice %arg11[%dma_start3A_529, %dma_start3A_538, %dma_start3A_539] : memref<16x32x128xf32, #tpu.memory_space<vmem>> -> memref<1x32x128xf32, #tpu.memory_space<vmem>>
    %dma_start3A_541 = tpu.memref_squeeze %dma_start3A_540 : memref<1x32x128xf32, #tpu.memory_space<vmem>> -> memref<32x128xf32, #tpu.memory_space<vmem>>
    tpu.enqueue_dma source(%dma_start3A_541 : memref<32x128xf32, #tpu.memory_space<vmem>>) target(%dma_start3A_537 : memref<32x128xf32, #tpu.memory_space<hbm>>) target_semaphore(%arg14 : memref<!tpu.dma_semaphore, #tpu.memory_space<semaphore_mem>>)
    %dma_wait3A_542 = arith.constant 6 : i32
    %dma_wait3A_543 = arith.constant 6 : i32
    %dma_wait3A_544 = arith.constant 6 : i32
    %dma_wait3A_545 = arith.constant 0 : i32
    %dma_wait3A_546 = arith.constant 0 : i32
    %dma_wait3A_547 = tpu.memref_slice %arg11[%dma_wait3A_543, %dma_wait3A_545, %dma_wait3A_546] : memref<16x32x128xf32, #tpu.memory_space<vmem>> -> memref<1x32x128xf32, #tpu.memory_space<vmem>>
    %dma_wait3A_548 = tpu.memref_squeeze %dma_wait3A_547 : memref<1x32x128xf32, #tpu.memory_space<vmem>> -> memref<32x128xf32, #tpu.memory_space<vmem>>
    %dma_wait3A_549 = arith.constant 0 : i32
    %dma_wait3A_550 = tpu.memref_slice %arg10[%dma_wait3A_542, %dma_wait3A_549] : memref<16x32xi32, #tpu.memory_space<vmem>> -> memref<1x32xi32, #tpu.memory_space<vmem>>
    %dma_wait3A_551 = tpu.memref_squeeze %dma_wait3A_550 : memref<1x32xi32, #tpu.memory_space<vmem>> -> memref<32xi32, #tpu.memory_space<vmem>>
    %dma_wait3A_552 = arith.constant 0 : i32
    %dma_wait3A_553 = arith.constant 0 : i32
    %dma_wait3A_554 = tpu.memref_slice %arg12[%dma_wait3A_552, %dma_wait3A_553] : memref<2304x128xf32, #tpu.memory_space<vmem_shared>> -> memref<2304x128xf32, #tpu.memory_space<vmem_shared>>
    %dma_wait3A_555 = tpu.memref_slice %arg13[%dma_wait3A_544] : memref<16x!tpu.dma_semaphore, #tpu.memory_space<semaphore_mem>> -> memref<1x!tpu.dma_semaphore, #tpu.memory_space<semaphore_mem>>
    %dma_wait3A_556 = tpu.memref_squeeze %dma_wait3A_555 : memref<1x!tpu.dma_semaphore, #tpu.memory_space<semaphore_mem>> -> memref<!tpu.dma_semaphore, #tpu.memory_space<semaphore_mem>>
    tpu.wait_indirect_dma semaphore(%dma_wait3A_556 : memref<!tpu.dma_semaphore, #tpu.memory_space<semaphore_mem>>) src(%dma_wait3A_554 : memref<2304x128xf32, #tpu.memory_space<vmem_shared>>) dst(%dma_wait3A_548 : memref<32x128xf32, #tpu.memory_space<vmem>>)
    %add3A_557 = arith.constant 192 : i32
    %add3A_558 = arith.addi %mul3A_2, %add3A_557 : i32
    %dma_start3A_559 = arith.constant 6 : i32
    %dma_start3A_560 = arith.constant 0 : i32
    %dma_start3A_561 = arith.constant 0 : i32
    %dma_start3A_562 = tpu.memref_slice %arg11[%dma_start3A_559, %dma_start3A_560, %dma_start3A_561] : memref<16x32x128xf32, #tpu.memory_space<vmem>> -> memref<1x32x128xf32, #tpu.memory_space<vmem>>
    %dma_start3A_563 = tpu.memref_squeeze %dma_start3A_562 : memref<1x32x128xf32, #tpu.memory_space<vmem>> -> memref<32x128xf32, #tpu.memory_space<vmem>>
    %dma_start3A_564 = arith.constant 0 : i32
    %dma_start3A_565 = tpu.memref_slice %arg6[%add3A_558, %dma_start3A_564] : memref<16384x128xf32, #tpu.memory_space<hbm>> -> memref<32x128xf32, #tpu.memory_space<hbm>>
    %dma_start3A_566 = arith.constant 0 : i32
    %dma_start3A_567 = tpu.memref_slice %arg6[%add3A_558, %dma_start3A_566] : memref<16384x128xf32, #tpu.memory_space<hbm>> -> memref<32x128xf32, #tpu.memory_space<hbm>>
    %dma_start3A_568 = arith.constant 0 : i32
    %dma_start3A_569 = arith.constant 0 : i32
    %dma_start3A_570 = tpu.memref_slice %arg11[%dma_start3A_559, %dma_start3A_568, %dma_start3A_569] : memref<16x32x128xf32, #tpu.memory_space<vmem>> -> memref<1x32x128xf32, #tpu.memory_space<vmem>>
    %dma_start3A_571 = tpu.memref_squeeze %dma_start3A_570 : memref<1x32x128xf32, #tpu.memory_space<vmem>> -> memref<32x128xf32, #tpu.memory_space<vmem>>
    tpu.enqueue_dma source(%dma_start3A_571 : memref<32x128xf32, #tpu.memory_space<vmem>>) target(%dma_start3A_567 : memref<32x128xf32, #tpu.memory_space<hbm>>) target_semaphore(%arg14 : memref<!tpu.dma_semaphore, #tpu.memory_space<semaphore_mem>>)
    %dma_wait3A_572 = arith.constant 7 : i32
    %dma_wait3A_573 = arith.constant 7 : i32
    %dma_wait3A_574 = arith.constant 7 : i32
    %dma_wait3A_575 = arith.constant 0 : i32
    %dma_wait3A_576 = arith.constant 0 : i32
    %dma_wait3A_577 = tpu.memref_slice %arg11[%dma_wait3A_573, %dma_wait3A_575, %dma_wait3A_576] : memref<16x32x128xf32, #tpu.memory_space<vmem>> -> memref<1x32x128xf32, #tpu.memory_space<vmem>>
    %dma_wait3A_578 = tpu.memref_squeeze %dma_wait3A_577 : memref<1x32x128xf32, #tpu.memory_space<vmem>> -> memref<32x128xf32, #tpu.memory_space<vmem>>
    %dma_wait3A_579 = arith.constant 0 : i32
    %dma_wait3A_580 = tpu.memref_slice %arg10[%dma_wait3A_572, %dma_wait3A_579] : memref<16x32xi32, #tpu.memory_space<vmem>> -> memref<1x32xi32, #tpu.memory_space<vmem>>
    %dma_wait3A_581 = tpu.memref_squeeze %dma_wait3A_580 : memref<1x32xi32, #tpu.memory_space<vmem>> -> memref<32xi32, #tpu.memory_space<vmem>>
    %dma_wait3A_582 = arith.constant 0 : i32
    %dma_wait3A_583 = arith.constant 0 : i32
    %dma_wait3A_584 = tpu.memref_slice %arg12[%dma_wait3A_582, %dma_wait3A_583] : memref<2304x128xf32, #tpu.memory_space<vmem_shared>> -> memref<2304x128xf32, #tpu.memory_space<vmem_shared>>
    %dma_wait3A_585 = tpu.memref_slice %arg13[%dma_wait3A_574] : memref<16x!tpu.dma_semaphore, #tpu.memory_space<semaphore_mem>> -> memref<1x!tpu.dma_semaphore, #tpu.memory_space<semaphore_mem>>
    %dma_wait3A_586 = tpu.memref_squeeze %dma_wait3A_585 : memref<1x!tpu.dma_semaphore, #tpu.memory_space<semaphore_mem>> -> memref<!tpu.dma_semaphore, #tpu.memory_space<semaphore_mem>>
    tpu.wait_indirect_dma semaphore(%dma_wait3A_586 : memref<!tpu.dma_semaphore, #tpu.memory_space<semaphore_mem>>) src(%dma_wait3A_584 : memref<2304x128xf32, #tpu.memory_space<vmem_shared>>) dst(%dma_wait3A_578 : memref<32x128xf32, #tpu.memory_space<vmem>>)
    %add3A_587 = arith.constant 224 : i32
    %add3A_588 = arith.addi %mul3A_2, %add3A_587 : i32
    %dma_start3A_589 = arith.constant 7 : i32
    %dma_start3A_590 = arith.constant 0 : i32
    %dma_start3A_591 = arith.constant 0 : i32
    %dma_start3A_592 = tpu.memref_slice %arg11[%dma_start3A_589, %dma_start3A_590, %dma_start3A_591] : memref<16x32x128xf32, #tpu.memory_space<vmem>> -> memref<1x32x128xf32, #tpu.memory_space<vmem>>
    %dma_start3A_593 = tpu.memref_squeeze %dma_start3A_592 : memref<1x32x128xf32, #tpu.memory_space<vmem>> -> memref<32x128xf32, #tpu.memory_space<vmem>>
    %dma_start3A_594 = arith.constant 0 : i32
    %dma_start3A_595 = tpu.memref_slice %arg6[%add3A_588, %dma_start3A_594] : memref<16384x128xf32, #tpu.memory_space<hbm>> -> memref<32x128xf32, #tpu.memory_space<hbm>>
    %dma_start3A_596 = arith.constant 0 : i32
    %dma_start3A_597 = tpu.memref_slice %arg6[%add3A_588, %dma_start3A_596] : memref<16384x128xf32, #tpu.memory_space<hbm>> -> memref<32x128xf32, #tpu.memory_space<hbm>>
    %dma_start3A_598 = arith.constant 0 : i32
    %dma_start3A_599 = arith.constant 0 : i32
    %dma_start3A_600 = tpu.memref_slice %arg11[%dma_start3A_589, %dma_start3A_598, %dma_start3A_599] : memref<16x32x128xf32, #tpu.memory_space<vmem>> -> memref<1x32x128xf32, #tpu.memory_space<vmem>>
    %dma_start3A_601 = tpu.memref_squeeze %dma_start3A_600 : memref<1x32x128xf32, #tpu.memory_space<vmem>> -> memref<32x128xf32, #tpu.memory_space<vmem>>
    tpu.enqueue_dma source(%dma_start3A_601 : memref<32x128xf32, #tpu.memory_space<vmem>>) target(%dma_start3A_597 : memref<32x128xf32, #tpu.memory_space<hbm>>) target_semaphore(%arg14 : memref<!tpu.dma_semaphore, #tpu.memory_space<semaphore_mem>>)
    %dma_wait3A_602 = arith.constant 8 : i32
    %dma_wait3A_603 = arith.constant 8 : i32
    %dma_wait3A_604 = arith.constant 8 : i32
    %dma_wait3A_605 = arith.constant 0 : i32
    %dma_wait3A_606 = arith.constant 0 : i32
    %dma_wait3A_607 = tpu.memref_slice %arg11[%dma_wait3A_603, %dma_wait3A_605, %dma_wait3A_606] : memref<16x32x128xf32, #tpu.memory_space<vmem>> -> memref<1x32x128xf32, #tpu.memory_space<vmem>>
    %dma_wait3A_608 = tpu.memref_squeeze %dma_wait3A_607 : memref<1x32x128xf32, #tpu.memory_space<vmem>> -> memref<32x128xf32, #tpu.memory_space<vmem>>
    %dma_wait3A_609 = arith.constant 0 : i32
    %dma_wait3A_610 = tpu.memref_slice %arg10[%dma_wait3A_602, %dma_wait3A_609] : memref<16x32xi32, #tpu.memory_space<vmem>> -> memref<1x32xi32, #tpu.memory_space<vmem>>
    %dma_wait3A_611 = tpu.memref_squeeze %dma_wait3A_610 : memref<1x32xi32, #tpu.memory_space<vmem>> -> memref<32xi32, #tpu.memory_space<vmem>>
    %dma_wait3A_612 = arith.constant 0 : i32
    %dma_wait3A_613 = arith.constant 0 : i32
    %dma_wait3A_614 = tpu.memref_slice %arg12[%dma_wait3A_612, %dma_wait3A_613] : memref<2304x128xf32, #tpu.memory_space<vmem_shared>> -> memref<2304x128xf32, #tpu.memory_space<vmem_shared>>
    %dma_wait3A_615 = tpu.memref_slice %arg13[%dma_wait3A_604] : memref<16x!tpu.dma_semaphore, #tpu.memory_space<semaphore_mem>> -> memref<1x!tpu.dma_semaphore, #tpu.memory_space<semaphore_mem>>
    %dma_wait3A_616 = tpu.memref_squeeze %dma_wait3A_615 : memref<1x!tpu.dma_semaphore, #tpu.memory_space<semaphore_mem>> -> memref<!tpu.dma_semaphore, #tpu.memory_space<semaphore_mem>>
    tpu.wait_indirect_dma semaphore(%dma_wait3A_616 : memref<!tpu.dma_semaphore, #tpu.memory_space<semaphore_mem>>) src(%dma_wait3A_614 : memref<2304x128xf32, #tpu.memory_space<vmem_shared>>) dst(%dma_wait3A_608 : memref<32x128xf32, #tpu.memory_space<vmem>>)
    %add3A_617 = arith.constant 256 : i32
    %add3A_618 = arith.addi %mul3A_2, %add3A_617 : i32
    %dma_start3A_619 = arith.constant 8 : i32
    %dma_start3A_620 = arith.constant 0 : i32
    %dma_start3A_621 = arith.constant 0 : i32
    %dma_start3A_622 = tpu.memref_slice %arg11[%dma_start3A_619, %dma_start3A_620, %dma_start3A_621] : memref<16x32x128xf32, #tpu.memory_space<vmem>> -> memref<1x32x128xf32, #tpu.memory_space<vmem>>
    %dma_start3A_623 = tpu.memref_squeeze %dma_start3A_622 : memref<1x32x128xf32, #tpu.memory_space<vmem>> -> memref<32x128xf32, #tpu.memory_space<vmem>>
    %dma_start3A_624 = arith.constant 0 : i32
    %dma_start3A_625 = tpu.memref_slice %arg6[%add3A_618, %dma_start3A_624] : memref<16384x128xf32, #tpu.memory_space<hbm>> -> memref<32x128xf32, #tpu.memory_space<hbm>>
    %dma_start3A_626 = arith.constant 0 : i32
    %dma_start3A_627 = tpu.memref_slice %arg6[%add3A_618, %dma_start3A_626] : memref<16384x128xf32, #tpu.memory_space<hbm>> -> memref<32x128xf32, #tpu.memory_space<hbm>>
    %dma_start3A_628 = arith.constant 0 : i32
    %dma_start3A_629 = arith.constant 0 : i32
    %dma_start3A_630 = tpu.memref_slice %arg11[%dma_start3A_619, %dma_start3A_628, %dma_start3A_629] : memref<16x32x128xf32, #tpu.memory_space<vmem>> -> memref<1x32x128xf32, #tpu.memory_space<vmem>>
    %dma_start3A_631 = tpu.memref_squeeze %dma_start3A_630 : memref<1x32x128xf32, #tpu.memory_space<vmem>> -> memref<32x128xf32, #tpu.memory_space<vmem>>
    tpu.enqueue_dma source(%dma_start3A_631 : memref<32x128xf32, #tpu.memory_space<vmem>>) target(%dma_start3A_627 : memref<32x128xf32, #tpu.memory_space<hbm>>) target_semaphore(%arg14 : memref<!tpu.dma_semaphore, #tpu.memory_space<semaphore_mem>>)
    %dma_wait3A_632 = arith.constant 9 : i32
    %dma_wait3A_633 = arith.constant 9 : i32
    %dma_wait3A_634 = arith.constant 9 : i32
    %dma_wait3A_635 = arith.constant 0 : i32
    %dma_wait3A_636 = arith.constant 0 : i32
    %dma_wait3A_637 = tpu.memref_slice %arg11[%dma_wait3A_633, %dma_wait3A_635, %dma_wait3A_636] : memref<16x32x128xf32, #tpu.memory_space<vmem>> -> memref<1x32x128xf32, #tpu.memory_space<vmem>>
    %dma_wait3A_638 = tpu.memref_squeeze %dma_wait3A_637 : memref<1x32x128xf32, #tpu.memory_space<vmem>> -> memref<32x128xf32, #tpu.memory_space<vmem>>
    %dma_wait3A_639 = arith.constant 0 : i32
    %dma_wait3A_640 = tpu.memref_slice %arg10[%dma_wait3A_632, %dma_wait3A_639] : memref<16x32xi32, #tpu.memory_space<vmem>> -> memref<1x32xi32, #tpu.memory_space<vmem>>
    %dma_wait3A_641 = tpu.memref_squeeze %dma_wait3A_640 : memref<1x32xi32, #tpu.memory_space<vmem>> -> memref<32xi32, #tpu.memory_space<vmem>>
    %dma_wait3A_642 = arith.constant 0 : i32
    %dma_wait3A_643 = arith.constant 0 : i32
    %dma_wait3A_644 = tpu.memref_slice %arg12[%dma_wait3A_642, %dma_wait3A_643] : memref<2304x128xf32, #tpu.memory_space<vmem_shared>> -> memref<2304x128xf32, #tpu.memory_space<vmem_shared>>
    %dma_wait3A_645 = tpu.memref_slice %arg13[%dma_wait3A_634] : memref<16x!tpu.dma_semaphore, #tpu.memory_space<semaphore_mem>> -> memref<1x!tpu.dma_semaphore, #tpu.memory_space<semaphore_mem>>
    %dma_wait3A_646 = tpu.memref_squeeze %dma_wait3A_645 : memref<1x!tpu.dma_semaphore, #tpu.memory_space<semaphore_mem>> -> memref<!tpu.dma_semaphore, #tpu.memory_space<semaphore_mem>>
    tpu.wait_indirect_dma semaphore(%dma_wait3A_646 : memref<!tpu.dma_semaphore, #tpu.memory_space<semaphore_mem>>) src(%dma_wait3A_644 : memref<2304x128xf32, #tpu.memory_space<vmem_shared>>) dst(%dma_wait3A_638 : memref<32x128xf32, #tpu.memory_space<vmem>>)
    %add3A_647 = arith.constant 288 : i32
    %add3A_648 = arith.addi %mul3A_2, %add3A_647 : i32
    %dma_start3A_649 = arith.constant 9 : i32
    %dma_start3A_650 = arith.constant 0 : i32
    %dma_start3A_651 = arith.constant 0 : i32
    %dma_start3A_652 = tpu.memref_slice %arg11[%dma_start3A_649, %dma_start3A_650, %dma_start3A_651] : memref<16x32x128xf32, #tpu.memory_space<vmem>> -> memref<1x32x128xf32, #tpu.memory_space<vmem>>
    %dma_start3A_653 = tpu.memref_squeeze %dma_start3A_652 : memref<1x32x128xf32, #tpu.memory_space<vmem>> -> memref<32x128xf32, #tpu.memory_space<vmem>>
    %dma_start3A_654 = arith.constant 0 : i32
    %dma_start3A_655 = tpu.memref_slice %arg6[%add3A_648, %dma_start3A_654] : memref<16384x128xf32, #tpu.memory_space<hbm>> -> memref<32x128xf32, #tpu.memory_space<hbm>>
    %dma_start3A_656 = arith.constant 0 : i32
    %dma_start3A_657 = tpu.memref_slice %arg6[%add3A_648, %dma_start3A_656] : memref<16384x128xf32, #tpu.memory_space<hbm>> -> memref<32x128xf32, #tpu.memory_space<hbm>>
    %dma_start3A_658 = arith.constant 0 : i32
    %dma_start3A_659 = arith.constant 0 : i32
    %dma_start3A_660 = tpu.memref_slice %arg11[%dma_start3A_649, %dma_start3A_658, %dma_start3A_659] : memref<16x32x128xf32, #tpu.memory_space<vmem>> -> memref<1x32x128xf32, #tpu.memory_space<vmem>>
    %dma_start3A_661 = tpu.memref_squeeze %dma_start3A_660 : memref<1x32x128xf32, #tpu.memory_space<vmem>> -> memref<32x128xf32, #tpu.memory_space<vmem>>
    tpu.enqueue_dma source(%dma_start3A_661 : memref<32x128xf32, #tpu.memory_space<vmem>>) target(%dma_start3A_657 : memref<32x128xf32, #tpu.memory_space<hbm>>) target_semaphore(%arg14 : memref<!tpu.dma_semaphore, #tpu.memory_space<semaphore_mem>>)
    %dma_wait3A_662 = arith.constant 10 : i32
    %dma_wait3A_663 = arith.constant 10 : i32
    %dma_wait3A_664 = arith.constant 10 : i32
    %dma_wait3A_665 = arith.constant 0 : i32
    %dma_wait3A_666 = arith.constant 0 : i32
    %dma_wait3A_667 = tpu.memref_slice %arg11[%dma_wait3A_663, %dma_wait3A_665, %dma_wait3A_666] : memref<16x32x128xf32, #tpu.memory_space<vmem>> -> memref<1x32x128xf32, #tpu.memory_space<vmem>>
    %dma_wait3A_668 = tpu.memref_squeeze %dma_wait3A_667 : memref<1x32x128xf32, #tpu.memory_space<vmem>> -> memref<32x128xf32, #tpu.memory_space<vmem>>
    %dma_wait3A_669 = arith.constant 0 : i32
    %dma_wait3A_670 = tpu.memref_slice %arg10[%dma_wait3A_662, %dma_wait3A_669] : memref<16x32xi32, #tpu.memory_space<vmem>> -> memref<1x32xi32, #tpu.memory_space<vmem>>
    %dma_wait3A_671 = tpu.memref_squeeze %dma_wait3A_670 : memref<1x32xi32, #tpu.memory_space<vmem>> -> memref<32xi32, #tpu.memory_space<vmem>>
    %dma_wait3A_672 = arith.constant 0 : i32
    %dma_wait3A_673 = arith.constant 0 : i32
    %dma_wait3A_674 = tpu.memref_slice %arg12[%dma_wait3A_672, %dma_wait3A_673] : memref<2304x128xf32, #tpu.memory_space<vmem_shared>> -> memref<2304x128xf32, #tpu.memory_space<vmem_shared>>
    %dma_wait3A_675 = tpu.memref_slice %arg13[%dma_wait3A_664] : memref<16x!tpu.dma_semaphore, #tpu.memory_space<semaphore_mem>> -> memref<1x!tpu.dma_semaphore, #tpu.memory_space<semaphore_mem>>
    %dma_wait3A_676 = tpu.memref_squeeze %dma_wait3A_675 : memref<1x!tpu.dma_semaphore, #tpu.memory_space<semaphore_mem>> -> memref<!tpu.dma_semaphore, #tpu.memory_space<semaphore_mem>>
    tpu.wait_indirect_dma semaphore(%dma_wait3A_676 : memref<!tpu.dma_semaphore, #tpu.memory_space<semaphore_mem>>) src(%dma_wait3A_674 : memref<2304x128xf32, #tpu.memory_space<vmem_shared>>) dst(%dma_wait3A_668 : memref<32x128xf32, #tpu.memory_space<vmem>>)
    %add3A_677 = arith.constant 320 : i32
    %add3A_678 = arith.addi %mul3A_2, %add3A_677 : i32
    %dma_start3A_679 = arith.constant 10 : i32
    %dma_start3A_680 = arith.constant 0 : i32
    %dma_start3A_681 = arith.constant 0 : i32
    %dma_start3A_682 = tpu.memref_slice %arg11[%dma_start3A_679, %dma_start3A_680, %dma_start3A_681] : memref<16x32x128xf32, #tpu.memory_space<vmem>> -> memref<1x32x128xf32, #tpu.memory_space<vmem>>
    %dma_start3A_683 = tpu.memref_squeeze %dma_start3A_682 : memref<1x32x128xf32, #tpu.memory_space<vmem>> -> memref<32x128xf32, #tpu.memory_space<vmem>>
    %dma_start3A_684 = arith.constant 0 : i32
    %dma_start3A_685 = tpu.memref_slice %arg6[%add3A_678, %dma_start3A_684] : memref<16384x128xf32, #tpu.memory_space<hbm>> -> memref<32x128xf32, #tpu.memory_space<hbm>>
    %dma_start3A_686 = arith.constant 0 : i32
    %dma_start3A_687 = tpu.memref_slice %arg6[%add3A_678, %dma_start3A_686] : memref<16384x128xf32, #tpu.memory_space<hbm>> -> memref<32x128xf32, #tpu.memory_space<hbm>>
    %dma_start3A_688 = arith.constant 0 : i32
    %dma_start3A_689 = arith.constant 0 : i32
    %dma_start3A_690 = tpu.memref_slice %arg11[%dma_start3A_679, %dma_start3A_688, %dma_start3A_689] : memref<16x32x128xf32, #tpu.memory_space<vmem>> -> memref<1x32x128xf32, #tpu.memory_space<vmem>>
    %dma_start3A_691 = tpu.memref_squeeze %dma_start3A_690 : memref<1x32x128xf32, #tpu.memory_space<vmem>> -> memref<32x128xf32, #tpu.memory_space<vmem>>
    tpu.enqueue_dma source(%dma_start3A_691 : memref<32x128xf32, #tpu.memory_space<vmem>>) target(%dma_start3A_687 : memref<32x128xf32, #tpu.memory_space<hbm>>) target_semaphore(%arg14 : memref<!tpu.dma_semaphore, #tpu.memory_space<semaphore_mem>>)
    %dma_wait3A_692 = arith.constant 11 : i32
    %dma_wait3A_693 = arith.constant 11 : i32
    %dma_wait3A_694 = arith.constant 11 : i32
    %dma_wait3A_695 = arith.constant 0 : i32
    %dma_wait3A_696 = arith.constant 0 : i32
    %dma_wait3A_697 = tpu.memref_slice %arg11[%dma_wait3A_693, %dma_wait3A_695, %dma_wait3A_696] : memref<16x32x128xf32, #tpu.memory_space<vmem>> -> memref<1x32x128xf32, #tpu.memory_space<vmem>>
    %dma_wait3A_698 = tpu.memref_squeeze %dma_wait3A_697 : memref<1x32x128xf32, #tpu.memory_space<vmem>> -> memref<32x128xf32, #tpu.memory_space<vmem>>
    %dma_wait3A_699 = arith.constant 0 : i32
    %dma_wait3A_700 = tpu.memref_slice %arg10[%dma_wait3A_692, %dma_wait3A_699] : memref<16x32xi32, #tpu.memory_space<vmem>> -> memref<1x32xi32, #tpu.memory_space<vmem>>
    %dma_wait3A_701 = tpu.memref_squeeze %dma_wait3A_700 : memref<1x32xi32, #tpu.memory_space<vmem>> -> memref<32xi32, #tpu.memory_space<vmem>>
    %dma_wait3A_702 = arith.constant 0 : i32
    %dma_wait3A_703 = arith.constant 0 : i32
    %dma_wait3A_704 = tpu.memref_slice %arg12[%dma_wait3A_702, %dma_wait3A_703] : memref<2304x128xf32, #tpu.memory_space<vmem_shared>> -> memref<2304x128xf32, #tpu.memory_space<vmem_shared>>
    %dma_wait3A_705 = tpu.memref_slice %arg13[%dma_wait3A_694] : memref<16x!tpu.dma_semaphore, #tpu.memory_space<semaphore_mem>> -> memref<1x!tpu.dma_semaphore, #tpu.memory_space<semaphore_mem>>
    %dma_wait3A_706 = tpu.memref_squeeze %dma_wait3A_705 : memref<1x!tpu.dma_semaphore, #tpu.memory_space<semaphore_mem>> -> memref<!tpu.dma_semaphore, #tpu.memory_space<semaphore_mem>>
    tpu.wait_indirect_dma semaphore(%dma_wait3A_706 : memref<!tpu.dma_semaphore, #tpu.memory_space<semaphore_mem>>) src(%dma_wait3A_704 : memref<2304x128xf32, #tpu.memory_space<vmem_shared>>) dst(%dma_wait3A_698 : memref<32x128xf32, #tpu.memory_space<vmem>>)
    %add3A_707 = arith.constant 352 : i32
    %add3A_708 = arith.addi %mul3A_2, %add3A_707 : i32
    %dma_start3A_709 = arith.constant 11 : i32
    %dma_start3A_710 = arith.constant 0 : i32
    %dma_start3A_711 = arith.constant 0 : i32
    %dma_start3A_712 = tpu.memref_slice %arg11[%dma_start3A_709, %dma_start3A_710, %dma_start3A_711] : memref<16x32x128xf32, #tpu.memory_space<vmem>> -> memref<1x32x128xf32, #tpu.memory_space<vmem>>
    %dma_start3A_713 = tpu.memref_squeeze %dma_start3A_712 : memref<1x32x128xf32, #tpu.memory_space<vmem>> -> memref<32x128xf32, #tpu.memory_space<vmem>>
    %dma_start3A_714 = arith.constant 0 : i32
    %dma_start3A_715 = tpu.memref_slice %arg6[%add3A_708, %dma_start3A_714] : memref<16384x128xf32, #tpu.memory_space<hbm>> -> memref<32x128xf32, #tpu.memory_space<hbm>>
    %dma_start3A_716 = arith.constant 0 : i32
    %dma_start3A_717 = tpu.memref_slice %arg6[%add3A_708, %dma_start3A_716] : memref<16384x128xf32, #tpu.memory_space<hbm>> -> memref<32x128xf32, #tpu.memory_space<hbm>>
    %dma_start3A_718 = arith.constant 0 : i32
    %dma_start3A_719 = arith.constant 0 : i32
    %dma_start3A_720 = tpu.memref_slice %arg11[%dma_start3A_709, %dma_start3A_718, %dma_start3A_719] : memref<16x32x128xf32, #tpu.memory_space<vmem>> -> memref<1x32x128xf32, #tpu.memory_space<vmem>>
    %dma_start3A_721 = tpu.memref_squeeze %dma_start3A_720 : memref<1x32x128xf32, #tpu.memory_space<vmem>> -> memref<32x128xf32, #tpu.memory_space<vmem>>
    tpu.enqueue_dma source(%dma_start3A_721 : memref<32x128xf32, #tpu.memory_space<vmem>>) target(%dma_start3A_717 : memref<32x128xf32, #tpu.memory_space<hbm>>) target_semaphore(%arg14 : memref<!tpu.dma_semaphore, #tpu.memory_space<semaphore_mem>>)
    %dma_wait3A_722 = arith.constant 12 : i32
    %dma_wait3A_723 = arith.constant 12 : i32
    %dma_wait3A_724 = arith.constant 12 : i32
    %dma_wait3A_725 = arith.constant 0 : i32
    %dma_wait3A_726 = arith.constant 0 : i32
    %dma_wait3A_727 = tpu.memref_slice %arg11[%dma_wait3A_723, %dma_wait3A_725, %dma_wait3A_726] : memref<16x32x128xf32, #tpu.memory_space<vmem>> -> memref<1x32x128xf32, #tpu.memory_space<vmem>>
    %dma_wait3A_728 = tpu.memref_squeeze %dma_wait3A_727 : memref<1x32x128xf32, #tpu.memory_space<vmem>> -> memref<32x128xf32, #tpu.memory_space<vmem>>
    %dma_wait3A_729 = arith.constant 0 : i32
    %dma_wait3A_730 = tpu.memref_slice %arg10[%dma_wait3A_722, %dma_wait3A_729] : memref<16x32xi32, #tpu.memory_space<vmem>> -> memref<1x32xi32, #tpu.memory_space<vmem>>
    %dma_wait3A_731 = tpu.memref_squeeze %dma_wait3A_730 : memref<1x32xi32, #tpu.memory_space<vmem>> -> memref<32xi32, #tpu.memory_space<vmem>>
    %dma_wait3A_732 = arith.constant 0 : i32
    %dma_wait3A_733 = arith.constant 0 : i32
    %dma_wait3A_734 = tpu.memref_slice %arg12[%dma_wait3A_732, %dma_wait3A_733] : memref<2304x128xf32, #tpu.memory_space<vmem_shared>> -> memref<2304x128xf32, #tpu.memory_space<vmem_shared>>
    %dma_wait3A_735 = tpu.memref_slice %arg13[%dma_wait3A_724] : memref<16x!tpu.dma_semaphore, #tpu.memory_space<semaphore_mem>> -> memref<1x!tpu.dma_semaphore, #tpu.memory_space<semaphore_mem>>
    %dma_wait3A_736 = tpu.memref_squeeze %dma_wait3A_735 : memref<1x!tpu.dma_semaphore, #tpu.memory_space<semaphore_mem>> -> memref<!tpu.dma_semaphore, #tpu.memory_space<semaphore_mem>>
    tpu.wait_indirect_dma semaphore(%dma_wait3A_736 : memref<!tpu.dma_semaphore, #tpu.memory_space<semaphore_mem>>) src(%dma_wait3A_734 : memref<2304x128xf32, #tpu.memory_space<vmem_shared>>) dst(%dma_wait3A_728 : memref<32x128xf32, #tpu.memory_space<vmem>>)
    %add3A_737 = arith.constant 384 : i32
    %add3A_738 = arith.addi %mul3A_2, %add3A_737 : i32
    %dma_start3A_739 = arith.constant 12 : i32
    %dma_start3A_740 = arith.constant 0 : i32
    %dma_start3A_741 = arith.constant 0 : i32
    %dma_start3A_742 = tpu.memref_slice %arg11[%dma_start3A_739, %dma_start3A_740, %dma_start3A_741] : memref<16x32x128xf32, #tpu.memory_space<vmem>> -> memref<1x32x128xf32, #tpu.memory_space<vmem>>
    %dma_start3A_743 = tpu.memref_squeeze %dma_start3A_742 : memref<1x32x128xf32, #tpu.memory_space<vmem>> -> memref<32x128xf32, #tpu.memory_space<vmem>>
    %dma_start3A_744 = arith.constant 0 : i32
    %dma_start3A_745 = tpu.memref_slice %arg6[%add3A_738, %dma_start3A_744] : memref<16384x128xf32, #tpu.memory_space<hbm>> -> memref<32x128xf32, #tpu.memory_space<hbm>>
    %dma_start3A_746 = arith.constant 0 : i32
    %dma_start3A_747 = tpu.memref_slice %arg6[%add3A_738, %dma_start3A_746] : memref<16384x128xf32, #tpu.memory_space<hbm>> -> memref<32x128xf32, #tpu.memory_space<hbm>>
    %dma_start3A_748 = arith.constant 0 : i32
    %dma_start3A_749 = arith.constant 0 : i32
    %dma_start3A_750 = tpu.memref_slice %arg11[%dma_start3A_739, %dma_start3A_748, %dma_start3A_749] : memref<16x32x128xf32, #tpu.memory_space<vmem>> -> memref<1x32x128xf32, #tpu.memory_space<vmem>>
    %dma_start3A_751 = tpu.memref_squeeze %dma_start3A_750 : memref<1x32x128xf32, #tpu.memory_space<vmem>> -> memref<32x128xf32, #tpu.memory_space<vmem>>
    tpu.enqueue_dma source(%dma_start3A_751 : memref<32x128xf32, #tpu.memory_space<vmem>>) target(%dma_start3A_747 : memref<32x128xf32, #tpu.memory_space<hbm>>) target_semaphore(%arg14 : memref<!tpu.dma_semaphore, #tpu.memory_space<semaphore_mem>>)
    %dma_wait3A_752 = arith.constant 13 : i32
    %dma_wait3A_753 = arith.constant 13 : i32
    %dma_wait3A_754 = arith.constant 13 : i32
    %dma_wait3A_755 = arith.constant 0 : i32
    %dma_wait3A_756 = arith.constant 0 : i32
    %dma_wait3A_757 = tpu.memref_slice %arg11[%dma_wait3A_753, %dma_wait3A_755, %dma_wait3A_756] : memref<16x32x128xf32, #tpu.memory_space<vmem>> -> memref<1x32x128xf32, #tpu.memory_space<vmem>>
    %dma_wait3A_758 = tpu.memref_squeeze %dma_wait3A_757 : memref<1x32x128xf32, #tpu.memory_space<vmem>> -> memref<32x128xf32, #tpu.memory_space<vmem>>
    %dma_wait3A_759 = arith.constant 0 : i32
    %dma_wait3A_760 = tpu.memref_slice %arg10[%dma_wait3A_752, %dma_wait3A_759] : memref<16x32xi32, #tpu.memory_space<vmem>> -> memref<1x32xi32, #tpu.memory_space<vmem>>
    %dma_wait3A_761 = tpu.memref_squeeze %dma_wait3A_760 : memref<1x32xi32, #tpu.memory_space<vmem>> -> memref<32xi32, #tpu.memory_space<vmem>>
    %dma_wait3A_762 = arith.constant 0 : i32
    %dma_wait3A_763 = arith.constant 0 : i32
    %dma_wait3A_764 = tpu.memref_slice %arg12[%dma_wait3A_762, %dma_wait3A_763] : memref<2304x128xf32, #tpu.memory_space<vmem_shared>> -> memref<2304x128xf32, #tpu.memory_space<vmem_shared>>
    %dma_wait3A_765 = tpu.memref_slice %arg13[%dma_wait3A_754] : memref<16x!tpu.dma_semaphore, #tpu.memory_space<semaphore_mem>> -> memref<1x!tpu.dma_semaphore, #tpu.memory_space<semaphore_mem>>
    %dma_wait3A_766 = tpu.memref_squeeze %dma_wait3A_765 : memref<1x!tpu.dma_semaphore, #tpu.memory_space<semaphore_mem>> -> memref<!tpu.dma_semaphore, #tpu.memory_space<semaphore_mem>>
    tpu.wait_indirect_dma semaphore(%dma_wait3A_766 : memref<!tpu.dma_semaphore, #tpu.memory_space<semaphore_mem>>) src(%dma_wait3A_764 : memref<2304x128xf32, #tpu.memory_space<vmem_shared>>) dst(%dma_wait3A_758 : memref<32x128xf32, #tpu.memory_space<vmem>>)
    %add3A_767 = arith.constant 416 : i32
    %add3A_768 = arith.addi %mul3A_2, %add3A_767 : i32
    %dma_start3A_769 = arith.constant 13 : i32
    %dma_start3A_770 = arith.constant 0 : i32
    %dma_start3A_771 = arith.constant 0 : i32
    %dma_start3A_772 = tpu.memref_slice %arg11[%dma_start3A_769, %dma_start3A_770, %dma_start3A_771] : memref<16x32x128xf32, #tpu.memory_space<vmem>> -> memref<1x32x128xf32, #tpu.memory_space<vmem>>
    %dma_start3A_773 = tpu.memref_squeeze %dma_start3A_772 : memref<1x32x128xf32, #tpu.memory_space<vmem>> -> memref<32x128xf32, #tpu.memory_space<vmem>>
    %dma_start3A_774 = arith.constant 0 : i32
    %dma_start3A_775 = tpu.memref_slice %arg6[%add3A_768, %dma_start3A_774] : memref<16384x128xf32, #tpu.memory_space<hbm>> -> memref<32x128xf32, #tpu.memory_space<hbm>>
    %dma_start3A_776 = arith.constant 0 : i32
    %dma_start3A_777 = tpu.memref_slice %arg6[%add3A_768, %dma_start3A_776] : memref<16384x128xf32, #tpu.memory_space<hbm>> -> memref<32x128xf32, #tpu.memory_space<hbm>>
    %dma_start3A_778 = arith.constant 0 : i32
    %dma_start3A_779 = arith.constant 0 : i32
    %dma_start3A_780 = tpu.memref_slice %arg11[%dma_start3A_769, %dma_start3A_778, %dma_start3A_779] : memref<16x32x128xf32, #tpu.memory_space<vmem>> -> memref<1x32x128xf32, #tpu.memory_space<vmem>>
    %dma_start3A_781 = tpu.memref_squeeze %dma_start3A_780 : memref<1x32x128xf32, #tpu.memory_space<vmem>> -> memref<32x128xf32, #tpu.memory_space<vmem>>
    tpu.enqueue_dma source(%dma_start3A_781 : memref<32x128xf32, #tpu.memory_space<vmem>>) target(%dma_start3A_777 : memref<32x128xf32, #tpu.memory_space<hbm>>) target_semaphore(%arg14 : memref<!tpu.dma_semaphore, #tpu.memory_space<semaphore_mem>>)
    %dma_wait3A_782 = arith.constant 14 : i32
    %dma_wait3A_783 = arith.constant 14 : i32
    %dma_wait3A_784 = arith.constant 14 : i32
    %dma_wait3A_785 = arith.constant 0 : i32
    %dma_wait3A_786 = arith.constant 0 : i32
    %dma_wait3A_787 = tpu.memref_slice %arg11[%dma_wait3A_783, %dma_wait3A_785, %dma_wait3A_786] : memref<16x32x128xf32, #tpu.memory_space<vmem>> -> memref<1x32x128xf32, #tpu.memory_space<vmem>>
    %dma_wait3A_788 = tpu.memref_squeeze %dma_wait3A_787 : memref<1x32x128xf32, #tpu.memory_space<vmem>> -> memref<32x128xf32, #tpu.memory_space<vmem>>
    %dma_wait3A_789 = arith.constant 0 : i32
    %dma_wait3A_790 = tpu.memref_slice %arg10[%dma_wait3A_782, %dma_wait3A_789] : memref<16x32xi32, #tpu.memory_space<vmem>> -> memref<1x32xi32, #tpu.memory_space<vmem>>
    %dma_wait3A_791 = tpu.memref_squeeze %dma_wait3A_790 : memref<1x32xi32, #tpu.memory_space<vmem>> -> memref<32xi32, #tpu.memory_space<vmem>>
    %dma_wait3A_792 = arith.constant 0 : i32
    %dma_wait3A_793 = arith.constant 0 : i32
    %dma_wait3A_794 = tpu.memref_slice %arg12[%dma_wait3A_792, %dma_wait3A_793] : memref<2304x128xf32, #tpu.memory_space<vmem_shared>> -> memref<2304x128xf32, #tpu.memory_space<vmem_shared>>
    %dma_wait3A_795 = tpu.memref_slice %arg13[%dma_wait3A_784] : memref<16x!tpu.dma_semaphore, #tpu.memory_space<semaphore_mem>> -> memref<1x!tpu.dma_semaphore, #tpu.memory_space<semaphore_mem>>
    %dma_wait3A_796 = tpu.memref_squeeze %dma_wait3A_795 : memref<1x!tpu.dma_semaphore, #tpu.memory_space<semaphore_mem>> -> memref<!tpu.dma_semaphore, #tpu.memory_space<semaphore_mem>>
    tpu.wait_indirect_dma semaphore(%dma_wait3A_796 : memref<!tpu.dma_semaphore, #tpu.memory_space<semaphore_mem>>) src(%dma_wait3A_794 : memref<2304x128xf32, #tpu.memory_space<vmem_shared>>) dst(%dma_wait3A_788 : memref<32x128xf32, #tpu.memory_space<vmem>>)
    %add3A_797 = arith.constant 448 : i32
    %add3A_798 = arith.addi %mul3A_2, %add3A_797 : i32
    %dma_start3A_799 = arith.constant 14 : i32
    %dma_start3A_800 = arith.constant 0 : i32
    %dma_start3A_801 = arith.constant 0 : i32
    %dma_start3A_802 = tpu.memref_slice %arg11[%dma_start3A_799, %dma_start3A_800, %dma_start3A_801] : memref<16x32x128xf32, #tpu.memory_space<vmem>> -> memref<1x32x128xf32, #tpu.memory_space<vmem>>
    %dma_start3A_803 = tpu.memref_squeeze %dma_start3A_802 : memref<1x32x128xf32, #tpu.memory_space<vmem>> -> memref<32x128xf32, #tpu.memory_space<vmem>>
    %dma_start3A_804 = arith.constant 0 : i32
    %dma_start3A_805 = tpu.memref_slice %arg6[%add3A_798, %dma_start3A_804] : memref<16384x128xf32, #tpu.memory_space<hbm>> -> memref<32x128xf32, #tpu.memory_space<hbm>>
    %dma_start3A_806 = arith.constant 0 : i32
    %dma_start3A_807 = tpu.memref_slice %arg6[%add3A_798, %dma_start3A_806] : memref<16384x128xf32, #tpu.memory_space<hbm>> -> memref<32x128xf32, #tpu.memory_space<hbm>>
    %dma_start3A_808 = arith.constant 0 : i32
    %dma_start3A_809 = arith.constant 0 : i32
    %dma_start3A_810 = tpu.memref_slice %arg11[%dma_start3A_799, %dma_start3A_808, %dma_start3A_809] : memref<16x32x128xf32, #tpu.memory_space<vmem>> -> memref<1x32x128xf32, #tpu.memory_space<vmem>>
    %dma_start3A_811 = tpu.memref_squeeze %dma_start3A_810 : memref<1x32x128xf32, #tpu.memory_space<vmem>> -> memref<32x128xf32, #tpu.memory_space<vmem>>
    tpu.enqueue_dma source(%dma_start3A_811 : memref<32x128xf32, #tpu.memory_space<vmem>>) target(%dma_start3A_807 : memref<32x128xf32, #tpu.memory_space<hbm>>) target_semaphore(%arg14 : memref<!tpu.dma_semaphore, #tpu.memory_space<semaphore_mem>>)
    %dma_wait3A_812 = arith.constant 15 : i32
    %dma_wait3A_813 = arith.constant 15 : i32
    %dma_wait3A_814 = arith.constant 15 : i32
    %dma_wait3A_815 = arith.constant 0 : i32
    %dma_wait3A_816 = arith.constant 0 : i32
    %dma_wait3A_817 = tpu.memref_slice %arg11[%dma_wait3A_813, %dma_wait3A_815, %dma_wait3A_816] : memref<16x32x128xf32, #tpu.memory_space<vmem>> -> memref<1x32x128xf32, #tpu.memory_space<vmem>>
    %dma_wait3A_818 = tpu.memref_squeeze %dma_wait3A_817 : memref<1x32x128xf32, #tpu.memory_space<vmem>> -> memref<32x128xf32, #tpu.memory_space<vmem>>
    %dma_wait3A_819 = arith.constant 0 : i32
    %dma_wait3A_820 = tpu.memref_slice %arg10[%dma_wait3A_812, %dma_wait3A_819] : memref<16x32xi32, #tpu.memory_space<vmem>> -> memref<1x32xi32, #tpu.memory_space<vmem>>
    %dma_wait3A_821 = tpu.memref_squeeze %dma_wait3A_820 : memref<1x32xi32, #tpu.memory_space<vmem>> -> memref<32xi32, #tpu.memory_space<vmem>>
    %dma_wait3A_822 = arith.constant 0 : i32
    %dma_wait3A_823 = arith.constant 0 : i32
    %dma_wait3A_824 = tpu.memref_slice %arg12[%dma_wait3A_822, %dma_wait3A_823] : memref<2304x128xf32, #tpu.memory_space<vmem_shared>> -> memref<2304x128xf32, #tpu.memory_space<vmem_shared>>
    %dma_wait3A_825 = tpu.memref_slice %arg13[%dma_wait3A_814] : memref<16x!tpu.dma_semaphore, #tpu.memory_space<semaphore_mem>> -> memref<1x!tpu.dma_semaphore, #tpu.memory_space<semaphore_mem>>
    %dma_wait3A_826 = tpu.memref_squeeze %dma_wait3A_825 : memref<1x!tpu.dma_semaphore, #tpu.memory_space<semaphore_mem>> -> memref<!tpu.dma_semaphore, #tpu.memory_space<semaphore_mem>>
    tpu.wait_indirect_dma semaphore(%dma_wait3A_826 : memref<!tpu.dma_semaphore, #tpu.memory_space<semaphore_mem>>) src(%dma_wait3A_824 : memref<2304x128xf32, #tpu.memory_space<vmem_shared>>) dst(%dma_wait3A_818 : memref<32x128xf32, #tpu.memory_space<vmem>>)
    %add3A_827 = arith.constant 480 : i32
    %add3A_828 = arith.addi %mul3A_2, %add3A_827 : i32
    %dma_start3A_829 = arith.constant 15 : i32
    %dma_start3A_830 = arith.constant 0 : i32
    %dma_start3A_831 = arith.constant 0 : i32
    %dma_start3A_832 = tpu.memref_slice %arg11[%dma_start3A_829, %dma_start3A_830, %dma_start3A_831] : memref<16x32x128xf32, #tpu.memory_space<vmem>> -> memref<1x32x128xf32, #tpu.memory_space<vmem>>
    %dma_start3A_833 = tpu.memref_squeeze %dma_start3A_832 : memref<1x32x128xf32, #tpu.memory_space<vmem>> -> memref<32x128xf32, #tpu.memory_space<vmem>>
    %dma_start3A_834 = arith.constant 0 : i32
    %dma_start3A_835 = tpu.memref_slice %arg6[%add3A_828, %dma_start3A_834] : memref<16384x128xf32, #tpu.memory_space<hbm>> -> memref<32x128xf32, #tpu.memory_space<hbm>>
    %dma_start3A_836 = arith.constant 0 : i32
    %dma_start3A_837 = tpu.memref_slice %arg6[%add3A_828, %dma_start3A_836] : memref<16384x128xf32, #tpu.memory_space<hbm>> -> memref<32x128xf32, #tpu.memory_space<hbm>>
    %dma_start3A_838 = arith.constant 0 : i32
    %dma_start3A_839 = arith.constant 0 : i32
    %dma_start3A_840 = tpu.memref_slice %arg11[%dma_start3A_829, %dma_start3A_838, %dma_start3A_839] : memref<16x32x128xf32, #tpu.memory_space<vmem>> -> memref<1x32x128xf32, #tpu.memory_space<vmem>>
    %dma_start3A_841 = tpu.memref_squeeze %dma_start3A_840 : memref<1x32x128xf32, #tpu.memory_space<vmem>> -> memref<32x128xf32, #tpu.memory_space<vmem>>
    tpu.enqueue_dma source(%dma_start3A_841 : memref<32x128xf32, #tpu.memory_space<vmem>>) target(%dma_start3A_837 : memref<32x128xf32, #tpu.memory_space<hbm>>) target_semaphore(%arg14 : memref<!tpu.dma_semaphore, #tpu.memory_space<semaphore_mem>>)
    %dma_wait3A_842 = arith.constant 0 : i32
    %dma_wait3A_843 = arith.constant 0 : i32
    %dma_wait3A_844 = arith.constant 0 : i32
    %dma_wait3A_845 = tpu.memref_slice %arg11[%dma_wait3A_842, %dma_wait3A_843, %dma_wait3A_844] : memref<16x32x128xf32, #tpu.memory_space<vmem>> -> memref<1x32x128xf32, #tpu.memory_space<vmem>>
    %dma_wait3A_846 = tpu.memref_squeeze %dma_wait3A_845 : memref<1x32x128xf32, #tpu.memory_space<vmem>> -> memref<32x128xf32, #tpu.memory_space<vmem>>
    %dma_wait3A_847 = arith.constant 0 : i32
    %dma_wait3A_848 = tpu.memref_slice %arg6[%add3A_378, %dma_wait3A_847] : memref<16384x128xf32, #tpu.memory_space<hbm>> -> memref<32x128xf32, #tpu.memory_space<hbm>>
    %dma_wait3A_849 = arith.constant 0 : i32
    %dma_wait3A_850 = tpu.memref_slice %arg6[%add3A_378, %dma_wait3A_849] : memref<16384x128xf32, #tpu.memory_space<hbm>> -> memref<32x128xf32, #tpu.memory_space<hbm>>
    %dma_wait3A_851 = arith.constant 0 : i32
    %dma_wait3A_852 = arith.constant 0 : i32
    %dma_wait3A_853 = tpu.memref_slice %arg11[%dma_wait3A_842, %dma_wait3A_851, %dma_wait3A_852] : memref<16x32x128xf32, #tpu.memory_space<vmem>> -> memref<1x32x128xf32, #tpu.memory_space<vmem>>
    %dma_wait3A_854 = tpu.memref_squeeze %dma_wait3A_853 : memref<1x32x128xf32, #tpu.memory_space<vmem>> -> memref<32x128xf32, #tpu.memory_space<vmem>>
    tpu.wait_dma2 semaphore(%arg14 : memref<!tpu.dma_semaphore, #tpu.memory_space<semaphore_mem>>) src(%dma_wait3A_854 : memref<32x128xf32, #tpu.memory_space<vmem>>) dst(%dma_wait3A_850 : memref<32x128xf32, #tpu.memory_space<hbm>>)
    %dma_wait3A_855 = arith.constant 1 : i32
    %dma_wait3A_856 = arith.constant 0 : i32
    %dma_wait3A_857 = arith.constant 0 : i32
    %dma_wait3A_858 = tpu.memref_slice %arg11[%dma_wait3A_855, %dma_wait3A_856, %dma_wait3A_857] : memref<16x32x128xf32, #tpu.memory_space<vmem>> -> memref<1x32x128xf32, #tpu.memory_space<vmem>>
    %dma_wait3A_859 = tpu.memref_squeeze %dma_wait3A_858 : memref<1x32x128xf32, #tpu.memory_space<vmem>> -> memref<32x128xf32, #tpu.memory_space<vmem>>
    %dma_wait3A_860 = arith.constant 0 : i32
    %dma_wait3A_861 = tpu.memref_slice %arg6[%add3A_408, %dma_wait3A_860] : memref<16384x128xf32, #tpu.memory_space<hbm>> -> memref<32x128xf32, #tpu.memory_space<hbm>>
    %dma_wait3A_862 = arith.constant 0 : i32
    %dma_wait3A_863 = tpu.memref_slice %arg6[%add3A_408, %dma_wait3A_862] : memref<16384x128xf32, #tpu.memory_space<hbm>> -> memref<32x128xf32, #tpu.memory_space<hbm>>
    %dma_wait3A_864 = arith.constant 0 : i32
    %dma_wait3A_865 = arith.constant 0 : i32
    %dma_wait3A_866 = tpu.memref_slice %arg11[%dma_wait3A_855, %dma_wait3A_864, %dma_wait3A_865] : memref<16x32x128xf32, #tpu.memory_space<vmem>> -> memref<1x32x128xf32, #tpu.memory_space<vmem>>
    %dma_wait3A_867 = tpu.memref_squeeze %dma_wait3A_866 : memref<1x32x128xf32, #tpu.memory_space<vmem>> -> memref<32x128xf32, #tpu.memory_space<vmem>>
    tpu.wait_dma2 semaphore(%arg14 : memref<!tpu.dma_semaphore, #tpu.memory_space<semaphore_mem>>) src(%dma_wait3A_867 : memref<32x128xf32, #tpu.memory_space<vmem>>) dst(%dma_wait3A_863 : memref<32x128xf32, #tpu.memory_space<hbm>>)
    %dma_wait3A_868 = arith.constant 2 : i32
    %dma_wait3A_869 = arith.constant 0 : i32
    %dma_wait3A_870 = arith.constant 0 : i32
    %dma_wait3A_871 = tpu.memref_slice %arg11[%dma_wait3A_868, %dma_wait3A_869, %dma_wait3A_870] : memref<16x32x128xf32, #tpu.memory_space<vmem>> -> memref<1x32x128xf32, #tpu.memory_space<vmem>>
    %dma_wait3A_872 = tpu.memref_squeeze %dma_wait3A_871 : memref<1x32x128xf32, #tpu.memory_space<vmem>> -> memref<32x128xf32, #tpu.memory_space<vmem>>
    %dma_wait3A_873 = arith.constant 0 : i32
    %dma_wait3A_874 = tpu.memref_slice %arg6[%add3A_438, %dma_wait3A_873] : memref<16384x128xf32, #tpu.memory_space<hbm>> -> memref<32x128xf32, #tpu.memory_space<hbm>>
    %dma_wait3A_875 = arith.constant 0 : i32
    %dma_wait3A_876 = tpu.memref_slice %arg6[%add3A_438, %dma_wait3A_875] : memref<16384x128xf32, #tpu.memory_space<hbm>> -> memref<32x128xf32, #tpu.memory_space<hbm>>
    %dma_wait3A_877 = arith.constant 0 : i32
    %dma_wait3A_878 = arith.constant 0 : i32
    %dma_wait3A_879 = tpu.memref_slice %arg11[%dma_wait3A_868, %dma_wait3A_877, %dma_wait3A_878] : memref<16x32x128xf32, #tpu.memory_space<vmem>> -> memref<1x32x128xf32, #tpu.memory_space<vmem>>
    %dma_wait3A_880 = tpu.memref_squeeze %dma_wait3A_879 : memref<1x32x128xf32, #tpu.memory_space<vmem>> -> memref<32x128xf32, #tpu.memory_space<vmem>>
    tpu.wait_dma2 semaphore(%arg14 : memref<!tpu.dma_semaphore, #tpu.memory_space<semaphore_mem>>) src(%dma_wait3A_880 : memref<32x128xf32, #tpu.memory_space<vmem>>) dst(%dma_wait3A_876 : memref<32x128xf32, #tpu.memory_space<hbm>>)
    %dma_wait3A_881 = arith.constant 3 : i32
    %dma_wait3A_882 = arith.constant 0 : i32
    %dma_wait3A_883 = arith.constant 0 : i32
    %dma_wait3A_884 = tpu.memref_slice %arg11[%dma_wait3A_881, %dma_wait3A_882, %dma_wait3A_883] : memref<16x32x128xf32, #tpu.memory_space<vmem>> -> memref<1x32x128xf32, #tpu.memory_space<vmem>>
    %dma_wait3A_885 = tpu.memref_squeeze %dma_wait3A_884 : memref<1x32x128xf32, #tpu.memory_space<vmem>> -> memref<32x128xf32, #tpu.memory_space<vmem>>
    %dma_wait3A_886 = arith.constant 0 : i32
    %dma_wait3A_887 = tpu.memref_slice %arg6[%add3A_468, %dma_wait3A_886] : memref<16384x128xf32, #tpu.memory_space<hbm>> -> memref<32x128xf32, #tpu.memory_space<hbm>>
    %dma_wait3A_888 = arith.constant 0 : i32
    %dma_wait3A_889 = tpu.memref_slice %arg6[%add3A_468, %dma_wait3A_888] : memref<16384x128xf32, #tpu.memory_space<hbm>> -> memref<32x128xf32, #tpu.memory_space<hbm>>
    %dma_wait3A_890 = arith.constant 0 : i32
    %dma_wait3A_891 = arith.constant 0 : i32
    %dma_wait3A_892 = tpu.memref_slice %arg11[%dma_wait3A_881, %dma_wait3A_890, %dma_wait3A_891] : memref<16x32x128xf32, #tpu.memory_space<vmem>> -> memref<1x32x128xf32, #tpu.memory_space<vmem>>
    %dma_wait3A_893 = tpu.memref_squeeze %dma_wait3A_892 : memref<1x32x128xf32, #tpu.memory_space<vmem>> -> memref<32x128xf32, #tpu.memory_space<vmem>>
    tpu.wait_dma2 semaphore(%arg14 : memref<!tpu.dma_semaphore, #tpu.memory_space<semaphore_mem>>) src(%dma_wait3A_893 : memref<32x128xf32, #tpu.memory_space<vmem>>) dst(%dma_wait3A_889 : memref<32x128xf32, #tpu.memory_space<hbm>>)
    %dma_wait3A_894 = arith.constant 4 : i32
    %dma_wait3A_895 = arith.constant 0 : i32
    %dma_wait3A_896 = arith.constant 0 : i32
    %dma_wait3A_897 = tpu.memref_slice %arg11[%dma_wait3A_894, %dma_wait3A_895, %dma_wait3A_896] : memref<16x32x128xf32, #tpu.memory_space<vmem>> -> memref<1x32x128xf32, #tpu.memory_space<vmem>>
    %dma_wait3A_898 = tpu.memref_squeeze %dma_wait3A_897 : memref<1x32x128xf32, #tpu.memory_space<vmem>> -> memref<32x128xf32, #tpu.memory_space<vmem>>
    %dma_wait3A_899 = arith.constant 0 : i32
    %dma_wait3A_900 = tpu.memref_slice %arg6[%add3A_498, %dma_wait3A_899] : memref<16384x128xf32, #tpu.memory_space<hbm>> -> memref<32x128xf32, #tpu.memory_space<hbm>>
    %dma_wait3A_901 = arith.constant 0 : i32
    %dma_wait3A_902 = tpu.memref_slice %arg6[%add3A_498, %dma_wait3A_901] : memref<16384x128xf32, #tpu.memory_space<hbm>> -> memref<32x128xf32, #tpu.memory_space<hbm>>
    %dma_wait3A_903 = arith.constant 0 : i32
    %dma_wait3A_904 = arith.constant 0 : i32
    %dma_wait3A_905 = tpu.memref_slice %arg11[%dma_wait3A_894, %dma_wait3A_903, %dma_wait3A_904] : memref<16x32x128xf32, #tpu.memory_space<vmem>> -> memref<1x32x128xf32, #tpu.memory_space<vmem>>
    %dma_wait3A_906 = tpu.memref_squeeze %dma_wait3A_905 : memref<1x32x128xf32, #tpu.memory_space<vmem>> -> memref<32x128xf32, #tpu.memory_space<vmem>>
    tpu.wait_dma2 semaphore(%arg14 : memref<!tpu.dma_semaphore, #tpu.memory_space<semaphore_mem>>) src(%dma_wait3A_906 : memref<32x128xf32, #tpu.memory_space<vmem>>) dst(%dma_wait3A_902 : memref<32x128xf32, #tpu.memory_space<hbm>>)
    %dma_wait3A_907 = arith.constant 5 : i32
    %dma_wait3A_908 = arith.constant 0 : i32
    %dma_wait3A_909 = arith.constant 0 : i32
    %dma_wait3A_910 = tpu.memref_slice %arg11[%dma_wait3A_907, %dma_wait3A_908, %dma_wait3A_909] : memref<16x32x128xf32, #tpu.memory_space<vmem>> -> memref<1x32x128xf32, #tpu.memory_space<vmem>>
    %dma_wait3A_911 = tpu.memref_squeeze %dma_wait3A_910 : memref<1x32x128xf32, #tpu.memory_space<vmem>> -> memref<32x128xf32, #tpu.memory_space<vmem>>
    %dma_wait3A_912 = arith.constant 0 : i32
    %dma_wait3A_913 = tpu.memref_slice %arg6[%add3A_528, %dma_wait3A_912] : memref<16384x128xf32, #tpu.memory_space<hbm>> -> memref<32x128xf32, #tpu.memory_space<hbm>>
    %dma_wait3A_914 = arith.constant 0 : i32
    %dma_wait3A_915 = tpu.memref_slice %arg6[%add3A_528, %dma_wait3A_914] : memref<16384x128xf32, #tpu.memory_space<hbm>> -> memref<32x128xf32, #tpu.memory_space<hbm>>
    %dma_wait3A_916 = arith.constant 0 : i32
    %dma_wait3A_917 = arith.constant 0 : i32
    %dma_wait3A_918 = tpu.memref_slice %arg11[%dma_wait3A_907, %dma_wait3A_916, %dma_wait3A_917] : memref<16x32x128xf32, #tpu.memory_space<vmem>> -> memref<1x32x128xf32, #tpu.memory_space<vmem>>
    %dma_wait3A_919 = tpu.memref_squeeze %dma_wait3A_918 : memref<1x32x128xf32, #tpu.memory_space<vmem>> -> memref<32x128xf32, #tpu.memory_space<vmem>>
    tpu.wait_dma2 semaphore(%arg14 : memref<!tpu.dma_semaphore, #tpu.memory_space<semaphore_mem>>) src(%dma_wait3A_919 : memref<32x128xf32, #tpu.memory_space<vmem>>) dst(%dma_wait3A_915 : memref<32x128xf32, #tpu.memory_space<hbm>>)
    %dma_wait3A_920 = arith.constant 6 : i32
    %dma_wait3A_921 = arith.constant 0 : i32
    %dma_wait3A_922 = arith.constant 0 : i32
    %dma_wait3A_923 = tpu.memref_slice %arg11[%dma_wait3A_920, %dma_wait3A_921, %dma_wait3A_922] : memref<16x32x128xf32, #tpu.memory_space<vmem>> -> memref<1x32x128xf32, #tpu.memory_space<vmem>>
    %dma_wait3A_924 = tpu.memref_squeeze %dma_wait3A_923 : memref<1x32x128xf32, #tpu.memory_space<vmem>> -> memref<32x128xf32, #tpu.memory_space<vmem>>
    %dma_wait3A_925 = arith.constant 0 : i32
    %dma_wait3A_926 = tpu.memref_slice %arg6[%add3A_558, %dma_wait3A_925] : memref<16384x128xf32, #tpu.memory_space<hbm>> -> memref<32x128xf32, #tpu.memory_space<hbm>>
    %dma_wait3A_927 = arith.constant 0 : i32
    %dma_wait3A_928 = tpu.memref_slice %arg6[%add3A_558, %dma_wait3A_927] : memref<16384x128xf32, #tpu.memory_space<hbm>> -> memref<32x128xf32, #tpu.memory_space<hbm>>
    %dma_wait3A_929 = arith.constant 0 : i32
    %dma_wait3A_930 = arith.constant 0 : i32
    %dma_wait3A_931 = tpu.memref_slice %arg11[%dma_wait3A_920, %dma_wait3A_929, %dma_wait3A_930] : memref<16x32x128xf32, #tpu.memory_space<vmem>> -> memref<1x32x128xf32, #tpu.memory_space<vmem>>
    %dma_wait3A_932 = tpu.memref_squeeze %dma_wait3A_931 : memref<1x32x128xf32, #tpu.memory_space<vmem>> -> memref<32x128xf32, #tpu.memory_space<vmem>>
    tpu.wait_dma2 semaphore(%arg14 : memref<!tpu.dma_semaphore, #tpu.memory_space<semaphore_mem>>) src(%dma_wait3A_932 : memref<32x128xf32, #tpu.memory_space<vmem>>) dst(%dma_wait3A_928 : memref<32x128xf32, #tpu.memory_space<hbm>>)
    %dma_wait3A_933 = arith.constant 7 : i32
    %dma_wait3A_934 = arith.constant 0 : i32
    %dma_wait3A_935 = arith.constant 0 : i32
    %dma_wait3A_936 = tpu.memref_slice %arg11[%dma_wait3A_933, %dma_wait3A_934, %dma_wait3A_935] : memref<16x32x128xf32, #tpu.memory_space<vmem>> -> memref<1x32x128xf32, #tpu.memory_space<vmem>>
    %dma_wait3A_937 = tpu.memref_squeeze %dma_wait3A_936 : memref<1x32x128xf32, #tpu.memory_space<vmem>> -> memref<32x128xf32, #tpu.memory_space<vmem>>
    %dma_wait3A_938 = arith.constant 0 : i32
    %dma_wait3A_939 = tpu.memref_slice %arg6[%add3A_588, %dma_wait3A_938] : memref<16384x128xf32, #tpu.memory_space<hbm>> -> memref<32x128xf32, #tpu.memory_space<hbm>>
    %dma_wait3A_940 = arith.constant 0 : i32
    %dma_wait3A_941 = tpu.memref_slice %arg6[%add3A_588, %dma_wait3A_940] : memref<16384x128xf32, #tpu.memory_space<hbm>> -> memref<32x128xf32, #tpu.memory_space<hbm>>
    %dma_wait3A_942 = arith.constant 0 : i32
    %dma_wait3A_943 = arith.constant 0 : i32
    %dma_wait3A_944 = tpu.memref_slice %arg11[%dma_wait3A_933, %dma_wait3A_942, %dma_wait3A_943] : memref<16x32x128xf32, #tpu.memory_space<vmem>> -> memref<1x32x128xf32, #tpu.memory_space<vmem>>
    %dma_wait3A_945 = tpu.memref_squeeze %dma_wait3A_944 : memref<1x32x128xf32, #tpu.memory_space<vmem>> -> memref<32x128xf32, #tpu.memory_space<vmem>>
    tpu.wait_dma2 semaphore(%arg14 : memref<!tpu.dma_semaphore, #tpu.memory_space<semaphore_mem>>) src(%dma_wait3A_945 : memref<32x128xf32, #tpu.memory_space<vmem>>) dst(%dma_wait3A_941 : memref<32x128xf32, #tpu.memory_space<hbm>>)
    %dma_wait3A_946 = arith.constant 8 : i32
    %dma_wait3A_947 = arith.constant 0 : i32
    %dma_wait3A_948 = arith.constant 0 : i32
    %dma_wait3A_949 = tpu.memref_slice %arg11[%dma_wait3A_946, %dma_wait3A_947, %dma_wait3A_948] : memref<16x32x128xf32, #tpu.memory_space<vmem>> -> memref<1x32x128xf32, #tpu.memory_space<vmem>>
    %dma_wait3A_950 = tpu.memref_squeeze %dma_wait3A_949 : memref<1x32x128xf32, #tpu.memory_space<vmem>> -> memref<32x128xf32, #tpu.memory_space<vmem>>
    %dma_wait3A_951 = arith.constant 0 : i32
    %dma_wait3A_952 = tpu.memref_slice %arg6[%add3A_618, %dma_wait3A_951] : memref<16384x128xf32, #tpu.memory_space<hbm>> -> memref<32x128xf32, #tpu.memory_space<hbm>>
    %dma_wait3A_953 = arith.constant 0 : i32
    %dma_wait3A_954 = tpu.memref_slice %arg6[%add3A_618, %dma_wait3A_953] : memref<16384x128xf32, #tpu.memory_space<hbm>> -> memref<32x128xf32, #tpu.memory_space<hbm>>
    %dma_wait3A_955 = arith.constant 0 : i32
    %dma_wait3A_956 = arith.constant 0 : i32
    %dma_wait3A_957 = tpu.memref_slice %arg11[%dma_wait3A_946, %dma_wait3A_955, %dma_wait3A_956] : memref<16x32x128xf32, #tpu.memory_space<vmem>> -> memref<1x32x128xf32, #tpu.memory_space<vmem>>
    %dma_wait3A_958 = tpu.memref_squeeze %dma_wait3A_957 : memref<1x32x128xf32, #tpu.memory_space<vmem>> -> memref<32x128xf32, #tpu.memory_space<vmem>>
    tpu.wait_dma2 semaphore(%arg14 : memref<!tpu.dma_semaphore, #tpu.memory_space<semaphore_mem>>) src(%dma_wait3A_958 : memref<32x128xf32, #tpu.memory_space<vmem>>) dst(%dma_wait3A_954 : memref<32x128xf32, #tpu.memory_space<hbm>>)
    %dma_wait3A_959 = arith.constant 9 : i32
    %dma_wait3A_960 = arith.constant 0 : i32
    %dma_wait3A_961 = arith.constant 0 : i32
    %dma_wait3A_962 = tpu.memref_slice %arg11[%dma_wait3A_959, %dma_wait3A_960, %dma_wait3A_961] : memref<16x32x128xf32, #tpu.memory_space<vmem>> -> memref<1x32x128xf32, #tpu.memory_space<vmem>>
    %dma_wait3A_963 = tpu.memref_squeeze %dma_wait3A_962 : memref<1x32x128xf32, #tpu.memory_space<vmem>> -> memref<32x128xf32, #tpu.memory_space<vmem>>
    %dma_wait3A_964 = arith.constant 0 : i32
    %dma_wait3A_965 = tpu.memref_slice %arg6[%add3A_648, %dma_wait3A_964] : memref<16384x128xf32, #tpu.memory_space<hbm>> -> memref<32x128xf32, #tpu.memory_space<hbm>>
    %dma_wait3A_966 = arith.constant 0 : i32
    %dma_wait3A_967 = tpu.memref_slice %arg6[%add3A_648, %dma_wait3A_966] : memref<16384x128xf32, #tpu.memory_space<hbm>> -> memref<32x128xf32, #tpu.memory_space<hbm>>
    %dma_wait3A_968 = arith.constant 0 : i32
    %dma_wait3A_969 = arith.constant 0 : i32
    %dma_wait3A_970 = tpu.memref_slice %arg11[%dma_wait3A_959, %dma_wait3A_968, %dma_wait3A_969] : memref<16x32x128xf32, #tpu.memory_space<vmem>> -> memref<1x32x128xf32, #tpu.memory_space<vmem>>
    %dma_wait3A_971 = tpu.memref_squeeze %dma_wait3A_970 : memref<1x32x128xf32, #tpu.memory_space<vmem>> -> memref<32x128xf32, #tpu.memory_space<vmem>>
    tpu.wait_dma2 semaphore(%arg14 : memref<!tpu.dma_semaphore, #tpu.memory_space<semaphore_mem>>) src(%dma_wait3A_971 : memref<32x128xf32, #tpu.memory_space<vmem>>) dst(%dma_wait3A_967 : memref<32x128xf32, #tpu.memory_space<hbm>>)
    %dma_wait3A_972 = arith.constant 10 : i32
    %dma_wait3A_973 = arith.constant 0 : i32
    %dma_wait3A_974 = arith.constant 0 : i32
    %dma_wait3A_975 = tpu.memref_slice %arg11[%dma_wait3A_972, %dma_wait3A_973, %dma_wait3A_974] : memref<16x32x128xf32, #tpu.memory_space<vmem>> -> memref<1x32x128xf32, #tpu.memory_space<vmem>>
    %dma_wait3A_976 = tpu.memref_squeeze %dma_wait3A_975 : memref<1x32x128xf32, #tpu.memory_space<vmem>> -> memref<32x128xf32, #tpu.memory_space<vmem>>
    %dma_wait3A_977 = arith.constant 0 : i32
    %dma_wait3A_978 = tpu.memref_slice %arg6[%add3A_678, %dma_wait3A_977] : memref<16384x128xf32, #tpu.memory_space<hbm>> -> memref<32x128xf32, #tpu.memory_space<hbm>>
    %dma_wait3A_979 = arith.constant 0 : i32
    %dma_wait3A_980 = tpu.memref_slice %arg6[%add3A_678, %dma_wait3A_979] : memref<16384x128xf32, #tpu.memory_space<hbm>> -> memref<32x128xf32, #tpu.memory_space<hbm>>
    %dma_wait3A_981 = arith.constant 0 : i32
    %dma_wait3A_982 = arith.constant 0 : i32
    %dma_wait3A_983 = tpu.memref_slice %arg11[%dma_wait3A_972, %dma_wait3A_981, %dma_wait3A_982] : memref<16x32x128xf32, #tpu.memory_space<vmem>> -> memref<1x32x128xf32, #tpu.memory_space<vmem>>
    %dma_wait3A_984 = tpu.memref_squeeze %dma_wait3A_983 : memref<1x32x128xf32, #tpu.memory_space<vmem>> -> memref<32x128xf32, #tpu.memory_space<vmem>>
    tpu.wait_dma2 semaphore(%arg14 : memref<!tpu.dma_semaphore, #tpu.memory_space<semaphore_mem>>) src(%dma_wait3A_984 : memref<32x128xf32, #tpu.memory_space<vmem>>) dst(%dma_wait3A_980 : memref<32x128xf32, #tpu.memory_space<hbm>>)
    %dma_wait3A_985 = arith.constant 11 : i32
    %dma_wait3A_986 = arith.constant 0 : i32
    %dma_wait3A_987 = arith.constant 0 : i32
    %dma_wait3A_988 = tpu.memref_slice %arg11[%dma_wait3A_985, %dma_wait3A_986, %dma_wait3A_987] : memref<16x32x128xf32, #tpu.memory_space<vmem>> -> memref<1x32x128xf32, #tpu.memory_space<vmem>>
    %dma_wait3A_989 = tpu.memref_squeeze %dma_wait3A_988 : memref<1x32x128xf32, #tpu.memory_space<vmem>> -> memref<32x128xf32, #tpu.memory_space<vmem>>
    %dma_wait3A_990 = arith.constant 0 : i32
    %dma_wait3A_991 = tpu.memref_slice %arg6[%add3A_708, %dma_wait3A_990] : memref<16384x128xf32, #tpu.memory_space<hbm>> -> memref<32x128xf32, #tpu.memory_space<hbm>>
    %dma_wait3A_992 = arith.constant 0 : i32
    %dma_wait3A_993 = tpu.memref_slice %arg6[%add3A_708, %dma_wait3A_992] : memref<16384x128xf32, #tpu.memory_space<hbm>> -> memref<32x128xf32, #tpu.memory_space<hbm>>
    %dma_wait3A_994 = arith.constant 0 : i32
    %dma_wait3A_995 = arith.constant 0 : i32
    %dma_wait3A_996 = tpu.memref_slice %arg11[%dma_wait3A_985, %dma_wait3A_994, %dma_wait3A_995] : memref<16x32x128xf32, #tpu.memory_space<vmem>> -> memref<1x32x128xf32, #tpu.memory_space<vmem>>
    %dma_wait3A_997 = tpu.memref_squeeze %dma_wait3A_996 : memref<1x32x128xf32, #tpu.memory_space<vmem>> -> memref<32x128xf32, #tpu.memory_space<vmem>>
    tpu.wait_dma2 semaphore(%arg14 : memref<!tpu.dma_semaphore, #tpu.memory_space<semaphore_mem>>) src(%dma_wait3A_997 : memref<32x128xf32, #tpu.memory_space<vmem>>) dst(%dma_wait3A_993 : memref<32x128xf32, #tpu.memory_space<hbm>>)
    %dma_wait3A_998 = arith.constant 12 : i32
    %dma_wait3A_999 = arith.constant 0 : i32
    %dma_wait3A_1000 = arith.constant 0 : i32
    %dma_wait3A_1001 = tpu.memref_slice %arg11[%dma_wait3A_998, %dma_wait3A_999, %dma_wait3A_1000] : memref<16x32x128xf32, #tpu.memory_space<vmem>> -> memref<1x32x128xf32, #tpu.memory_space<vmem>>
    %dma_wait3A_1002 = tpu.memref_squeeze %dma_wait3A_1001 : memref<1x32x128xf32, #tpu.memory_space<vmem>> -> memref<32x128xf32, #tpu.memory_space<vmem>>
    %dma_wait3A_1003 = arith.constant 0 : i32
    %dma_wait3A_1004 = tpu.memref_slice %arg6[%add3A_738, %dma_wait3A_1003] : memref<16384x128xf32, #tpu.memory_space<hbm>> -> memref<32x128xf32, #tpu.memory_space<hbm>>
    %dma_wait3A_1005 = arith.constant 0 : i32
    %dma_wait3A_1006 = tpu.memref_slice %arg6[%add3A_738, %dma_wait3A_1005] : memref<16384x128xf32, #tpu.memory_space<hbm>> -> memref<32x128xf32, #tpu.memory_space<hbm>>
    %dma_wait3A_1007 = arith.constant 0 : i32
    %dma_wait3A_1008 = arith.constant 0 : i32
    %dma_wait3A_1009 = tpu.memref_slice %arg11[%dma_wait3A_998, %dma_wait3A_1007, %dma_wait3A_1008] : memref<16x32x128xf32, #tpu.memory_space<vmem>> -> memref<1x32x128xf32, #tpu.memory_space<vmem>>
    %dma_wait3A_1010 = tpu.memref_squeeze %dma_wait3A_1009 : memref<1x32x128xf32, #tpu.memory_space<vmem>> -> memref<32x128xf32, #tpu.memory_space<vmem>>
    tpu.wait_dma2 semaphore(%arg14 : memref<!tpu.dma_semaphore, #tpu.memory_space<semaphore_mem>>) src(%dma_wait3A_1010 : memref<32x128xf32, #tpu.memory_space<vmem>>) dst(%dma_wait3A_1006 : memref<32x128xf32, #tpu.memory_space<hbm>>)
    %dma_wait3A_1011 = arith.constant 13 : i32
    %dma_wait3A_1012 = arith.constant 0 : i32
    %dma_wait3A_1013 = arith.constant 0 : i32
    %dma_wait3A_1014 = tpu.memref_slice %arg11[%dma_wait3A_1011, %dma_wait3A_1012, %dma_wait3A_1013] : memref<16x32x128xf32, #tpu.memory_space<vmem>> -> memref<1x32x128xf32, #tpu.memory_space<vmem>>
    %dma_wait3A_1015 = tpu.memref_squeeze %dma_wait3A_1014 : memref<1x32x128xf32, #tpu.memory_space<vmem>> -> memref<32x128xf32, #tpu.memory_space<vmem>>
    %dma_wait3A_1016 = arith.constant 0 : i32
    %dma_wait3A_1017 = tpu.memref_slice %arg6[%add3A_768, %dma_wait3A_1016] : memref<16384x128xf32, #tpu.memory_space<hbm>> -> memref<32x128xf32, #tpu.memory_space<hbm>>
    %dma_wait3A_1018 = arith.constant 0 : i32
    %dma_wait3A_1019 = tpu.memref_slice %arg6[%add3A_768, %dma_wait3A_1018] : memref<16384x128xf32, #tpu.memory_space<hbm>> -> memref<32x128xf32, #tpu.memory_space<hbm>>
    %dma_wait3A_1020 = arith.constant 0 : i32
    %dma_wait3A_1021 = arith.constant 0 : i32
    %dma_wait3A_1022 = tpu.memref_slice %arg11[%dma_wait3A_1011, %dma_wait3A_1020, %dma_wait3A_1021] : memref<16x32x128xf32, #tpu.memory_space<vmem>> -> memref<1x32x128xf32, #tpu.memory_space<vmem>>
    %dma_wait3A_1023 = tpu.memref_squeeze %dma_wait3A_1022 : memref<1x32x128xf32, #tpu.memory_space<vmem>> -> memref<32x128xf32, #tpu.memory_space<vmem>>
    tpu.wait_dma2 semaphore(%arg14 : memref<!tpu.dma_semaphore, #tpu.memory_space<semaphore_mem>>) src(%dma_wait3A_1023 : memref<32x128xf32, #tpu.memory_space<vmem>>) dst(%dma_wait3A_1019 : memref<32x128xf32, #tpu.memory_space<hbm>>)
    %dma_wait3A_1024 = arith.constant 14 : i32
    %dma_wait3A_1025 = arith.constant 0 : i32
    %dma_wait3A_1026 = arith.constant 0 : i32
    %dma_wait3A_1027 = tpu.memref_slice %arg11[%dma_wait3A_1024, %dma_wait3A_1025, %dma_wait3A_1026] : memref<16x32x128xf32, #tpu.memory_space<vmem>> -> memref<1x32x128xf32, #tpu.memory_space<vmem>>
    %dma_wait3A_1028 = tpu.memref_squeeze %dma_wait3A_1027 : memref<1x32x128xf32, #tpu.memory_space<vmem>> -> memref<32x128xf32, #tpu.memory_space<vmem>>
    %dma_wait3A_1029 = arith.constant 0 : i32
    %dma_wait3A_1030 = tpu.memref_slice %arg6[%add3A_798, %dma_wait3A_1029] : memref<16384x128xf32, #tpu.memory_space<hbm>> -> memref<32x128xf32, #tpu.memory_space<hbm>>
    %dma_wait3A_1031 = arith.constant 0 : i32
    %dma_wait3A_1032 = tpu.memref_slice %arg6[%add3A_798, %dma_wait3A_1031] : memref<16384x128xf32, #tpu.memory_space<hbm>> -> memref<32x128xf32, #tpu.memory_space<hbm>>
    %dma_wait3A_1033 = arith.constant 0 : i32
    %dma_wait3A_1034 = arith.constant 0 : i32
    %dma_wait3A_1035 = tpu.memref_slice %arg11[%dma_wait3A_1024, %dma_wait3A_1033, %dma_wait3A_1034] : memref<16x32x128xf32, #tpu.memory_space<vmem>> -> memref<1x32x128xf32, #tpu.memory_space<vmem>>
    %dma_wait3A_1036 = tpu.memref_squeeze %dma_wait3A_1035 : memref<1x32x128xf32, #tpu.memory_space<vmem>> -> memref<32x128xf32, #tpu.memory_space<vmem>>
    tpu.wait_dma2 semaphore(%arg14 : memref<!tpu.dma_semaphore, #tpu.memory_space<semaphore_mem>>) src(%dma_wait3A_1036 : memref<32x128xf32, #tpu.memory_space<vmem>>) dst(%dma_wait3A_1032 : memref<32x128xf32, #tpu.memory_space<hbm>>)
    %dma_wait3A_1037 = arith.constant 15 : i32
    %dma_wait3A_1038 = arith.constant 0 : i32
    %dma_wait3A_1039 = arith.constant 0 : i32
    %dma_wait3A_1040 = tpu.memref_slice %arg11[%dma_wait3A_1037, %dma_wait3A_1038, %dma_wait3A_1039] : memref<16x32x128xf32, #tpu.memory_space<vmem>> -> memref<1x32x128xf32, #tpu.memory_space<vmem>>
    %dma_wait3A_1041 = tpu.memref_squeeze %dma_wait3A_1040 : memref<1x32x128xf32, #tpu.memory_space<vmem>> -> memref<32x128xf32, #tpu.memory_space<vmem>>
    %dma_wait3A_1042 = arith.constant 0 : i32
    %dma_wait3A_1043 = tpu.memref_slice %arg6[%add3A_828, %dma_wait3A_1042] : memref<16384x128xf32, #tpu.memory_space<hbm>> -> memref<32x128xf32, #tpu.memory_space<hbm>>
    %dma_wait3A_1044 = arith.constant 0 : i32
    %dma_wait3A_1045 = tpu.memref_slice %arg6[%add3A_828, %dma_wait3A_1044] : memref<16384x128xf32, #tpu.memory_space<hbm>> -> memref<32x128xf32, #tpu.memory_space<hbm>>
    %dma_wait3A_1046 = arith.constant 0 : i32
    %dma_wait3A_1047 = arith.constant 0 : i32
    %dma_wait3A_1048 = tpu.memref_slice %arg11[%dma_wait3A_1037, %dma_wait3A_1046, %dma_wait3A_1047] : memref<16x32x128xf32, #tpu.memory_space<vmem>> -> memref<1x32x128xf32, #tpu.memory_space<vmem>>
    %dma_wait3A_1049 = tpu.memref_squeeze %dma_wait3A_1048 : memref<1x32x128xf32, #tpu.memory_space<vmem>> -> memref<32x128xf32, #tpu.memory_space<vmem>>
    tpu.wait_dma2 semaphore(%arg14 : memref<!tpu.dma_semaphore, #tpu.memory_space<semaphore_mem>>) src(%dma_wait3A_1049 : memref<32x128xf32, #tpu.memory_space<vmem>>) dst(%dma_wait3A_1045 : memref<32x128xf32, #tpu.memory_space<hbm>>)
    return
  }
}

module attributes {stable_mosaic.version = 14 : i64} {
  func.func @_fold_body(%arg0: memref<16x128xf32, #tpu.memory_space<vmem>>, %arg1: memref<9x128xf32, #tpu.memory_space<vmem>>, %arg2: memref<16x128xf32, #tpu.memory_space<vmem>>, %arg3: memref<128x384xf32, #tpu.memory_space<vmem>>, %arg4: memref<1x128xf32, #tpu.memory_space<vmem>>, %arg5: memref<2304x128xf32, #tpu.memory_space<vmem>>) attributes {dimension_semantics = [], scalar_prefetch = 0 : i64, scratch_operands = 0 : i64, tpu.core_type = #tpu.core_type<tc>} {
    %get3A = arith.constant 0 : index
    %get3A_0 = arith.constant 0 : index
    %get3A_1 = vector.load %arg0[%get3A, %get3A_0] : memref<16x128xf32, #tpu.memory_space<vmem>>, vector<16x128xf32>
    %get3A_2 = arith.constant 0 : index
    %get3A_3 = arith.constant 0 : index
    %get3A_4 = vector.load %arg3[%get3A_2, %get3A_3] : memref<128x384xf32, #tpu.memory_space<vmem>>, vector<128x128xf32>
    %dot_general3A = arith.constant dense<0.000000e+00> : vector<16x128xf32>
    %dot_general3A_5 = tpu.matmul %get3A_1, %get3A_4, %dot_general3A {dimension_numbers = #tpu.dot_dimension_numbers<[1], [1], [0], [0], [0, 0, 1, 0], [], []>, transpose_lhs_hint = false} : vector<16x128xf32>, vector<128x128xf32>, vector<16x128xf32> -> vector<16x128xf32>
    %get3A_6 = arith.constant 0 : index
    %get3A_7 = arith.constant 0 : index
    %get3A_8 = vector.load %arg1[%get3A_6, %get3A_7] : memref<9x128xf32, #tpu.memory_space<vmem>>, vector<9x128xf32>
    %get3A_9 = arith.constant 0 : index
    %get3A_10 = arith.constant 128 : index
    %get3A_11 = vector.load %arg3[%get3A_9, %get3A_10] : memref<128x384xf32, #tpu.memory_space<vmem>>, vector<128x128xf32>
    %dot_general3A_12 = arith.constant dense<0.000000e+00> : vector<9x128xf32>
    %dot_general3A_13 = tpu.matmul %get3A_8, %get3A_11, %dot_general3A_12 {dimension_numbers = #tpu.dot_dimension_numbers<[1], [1], [0], [0], [0, 0, 1, 0], [], []>, transpose_lhs_hint = false} : vector<9x128xf32>, vector<128x128xf32>, vector<9x128xf32> -> vector<9x128xf32>
    %get3A_14 = arith.constant 0 : index
    %get3A_15 = arith.constant 0 : index
    %get3A_16 = vector.load %arg2[%get3A_14, %get3A_15] : memref<16x128xf32, #tpu.memory_space<vmem>>, vector<16x128xf32>
    %get3A_17 = arith.constant 0 : index
    %get3A_18 = arith.constant 256 : index
    %get3A_19 = vector.load %arg3[%get3A_17, %get3A_18] : memref<128x384xf32, #tpu.memory_space<vmem>>, vector<128x128xf32>
    %dot_general3A_20 = arith.constant dense<0.000000e+00> : vector<16x128xf32>
    %dot_general3A_21 = tpu.matmul %get3A_16, %get3A_19, %dot_general3A_20 {dimension_numbers = #tpu.dot_dimension_numbers<[1], [1], [0], [0], [0, 0, 1, 0], [], []>, transpose_lhs_hint = false} : vector<16x128xf32>, vector<128x128xf32>, vector<16x128xf32> -> vector<16x128xf32>
    %get3A_22 = arith.constant 0 : index
    %get3A_23 = arith.constant 0 : index
    %get3A_24 = vector.load %arg4[%get3A_22, %get3A_23] : memref<1x128xf32, #tpu.memory_space<vmem>>, vector<1x128xf32>
    %add3A = vector.broadcast %get3A_24 : vector<1x128xf32> to vector<16x128xf32>
    %add3A_25 = arith.addf %dot_general3A_21, %add3A : vector<16x128xf32>
    %reshape3A = vector.shape_cast %dot_general3A_5 : vector<16x128xf32> to vector<16x1x1x128xf32>
    %reshape3A_26 = vector.shape_cast %dot_general3A_13 : vector<9x128xf32> to vector<1x9x1x128xf32>
    %add3A_27 = vector.broadcast %reshape3A : vector<16x1x1x128xf32> to vector<16x9x1x128xf32>
    %add3A_28 = vector.broadcast %reshape3A_26 : vector<1x9x1x128xf32> to vector<16x9x1x128xf32>
    %add3A_29 = arith.addf %add3A_27, %add3A_28 : vector<16x9x1x128xf32>
    %reshape3A_30 = vector.shape_cast %add3A_25 : vector<16x128xf32> to vector<1x1x16x128xf32>
    %add3A_31 = vector.broadcast %add3A_29 : vector<16x9x1x128xf32> to vector<16x9x16x128xf32>
    %add3A_32 = vector.broadcast %reshape3A_30 : vector<1x1x16x128xf32> to vector<16x9x16x128xf32>
    %add3A_33 = arith.addf %add3A_31, %add3A_32 : vector<16x9x16x128xf32>
    %reshape3A_34 = vector.shape_cast %add3A_33 : vector<16x9x16x128xf32> to vector<2304x128xf32>
    %swap3A = arith.constant 0 : index
    %swap3A_35 = arith.constant 0 : index
    %swap3A_36 = vector.load %arg5[%swap3A, %swap3A_35] : memref<2304x128xf32, #tpu.memory_space<vmem>>, vector<2304x128xf32>
    tpu.vector_store %arg5[%swap3A, %swap3A_35], %reshape3A_34 {strides = array<i32>} : memref<2304x128xf32, #tpu.memory_space<vmem>>, vector<2304x128xf32>,
    return
  }
}

</mosaic_0001>

<sc_bundles>
// kernel: kernel.4.cloned.1.call-start
scs
__scs_entry_jumppad:
0x0: {  	(pc) =	sbr.rel $0x88, $3  }
0x1: {  	(tag) =	ssettag $0x0;
	lr =	simm.s32 $0x1  }
0x2: {  	[smem:$0x3F99] =	sst lr;
	_ =	strace $0xD0000000  }
0x3: {  	_ = 	snop  }
0x4: {  	_ = 	snop  }
0x5: {  	_ = 	snop  }
0x6: {  	_ = 	snop  }
0x7: {  	_ = 	snop  }
__scs_overlays_trampoline_lowered:
0x8: {  	[smem:$0x3FA8] =	sst s0  }
0x9: {  	[smem:$0x3FA9] =	sst s1  }
0xa: {  	[smem:$0x3FAA] =	sst s2  }
0xb: {  	[smem:$0x3FAB] =	sst s3  }
0xc: {  	[smem:$0x3FAC] =	sst s4  }
0xd: {  	[smem:$0x3FAD] =	sst s5  }
0xe: {  	[smem:$0x3FAE] =	sst s6  }
0xf: {  	[smem:$0x3FAF] =	sst s7  }
0x10: {  	[smem:$0x3FB0] =	sst s8  }
0x11: {  	[smem:$0x3FB1] =	sst s9;
	s0 =	simm.s32 @!p0 $0x0  }
0x12: {  	s1 =	sld [smem:$0x3F97];
	s0 =	simm.s32 @p0 $0x1  }
0x13: {  	[smem:$0x3FB2] =	sst s0;
	s0 =	simm.s32 @!p1 $0x0  }
0x14: {  	s2 =	sld [smem:$0x3F96];
	s0 =	simm.s32 @p1 $0x1  }
0x15: {  	[smem:$0x3FB3] =	sst s0;
	s0 =	simm.s32 @!p2 $0x0  }
0x16: {  	s3 =	sld [smem:$0x3FDB];
	s0 =	simm.s32 @p2 $0x1  }
0x17: {  	s4 =	simm.s32 $0x1BF5;
	[smem:$0x3FB5] =	sst s0  }
0x18: {  	s0 =	sld [smem:$0x3F98];
	_ =	swait.ge [sflag:s4], $0x0  }
0x19: {  	s7 =	sld [smem:$0x3F99]  }
0x1a: {  	s8 =	sadd.s32 $0xFFFFE003, lr  }
0x1b: {  	s9 =	sadd.s32 $0xFFFFFEF7, lr;
	s5 =	simm.s32 $0xFFFFFFFF;
	p2 =	slt.u32 s8, $0xFFFFF086  }
0x1c: {  	p1 =	slt.u32 s9, $0xF7A;
	s5 =	simm.s32 @!p2 $0x0  }
0x1d: {  	s5 =	simm.s32 @p1 $0x1;
	p0 =	seq.s32 s7, s2  }
0x1e: {  	s7 =	smul.u32 @!p0 $0xF7A, s2;
	p2 =	seq.s32 @!p0 s5, $0x0  }
0x1f: {  	s9 =	smul.u32 $0xF7A, s1;
	s8 =	simm.s32 @!p0 $0x1BF5;
	p2 =	por !p2, p0  }
0x20: {  	[sflag:s8] =	ssyncset.s32 @!p0 $0xFFFFF086;
	s6 =	sadd.s32 @!p0 s3, s7;
	s7 =	simm.s32 @!p0 $0x108  }
0x21: {  	s3 =	sadd.s32 s3, s9;
	s6 =	sadd.s32 @!p0 $0x88, s6;
	s7 =	simm.s32 @p2 $0x1082  }
0x22: {  	[simem:s7], [sflag:s8] =	dma.local @!p0 [hbm:s6], $0xF7A  }
0x23: {  	s9 =	sor.u32 $0xD0000000, s2;
	s6 =	simm.s32 $0x108;
	_ =	swait.ge @!p0 [sflag:s8], $0x0  }
0x24: {  	s3 =	sadd.s32 $0x88, s3;
	s6 =	simm.s32 @!p1 $0x1082;
	[sflag:s4] =	ssyncset.s32 $0xFFFFF086  }
0x25: {  	[simem:s6], [sflag:s4] =	dma.local [hbm:s3], $0xF7A  }
0x26: {  	[smem:$0x3F99] =	sst s1;
	(tag) =	ssettag s2;
	_ =	strace s9  }
0x27: {  	s1 =	sld [smem:$0x3FA9]  }
0x28: {  	s2 =	sld [smem:$0x3FAA]  }
0x29: {  	s4 =	sld [smem:$0x3FAC]  }
0x2a: {  	p0 =	seq.s32 s5, $0x0;
	s5 =	sld [smem:$0x3FAD]  }
0x2b: {  	s6 =	sld [smem:$0x3FAE]  }
0x2c: {  	s7 =	sld [smem:$0x3FAF]  }
0x2d: {  	s3 =	simm.s32 $0x108;
	s8 =	sld [smem:$0x3FB0]  }
0x2e: {  	s3 =	simm.s32 @!p0 $0x1082;
	s9 =	sld [smem:$0x3FB1]  }
0x2f: {  	lr =	sadd.s32 s0, s3;
	s0 =	sld [smem:$0x3FA8]  }
0x30: {  	s3 =	sld [smem:$0x3FAB]  }
0x31: {  	[smem:$0x3FB4] =	sst s10  }
0x32: {  	s10 =	sld [smem:$0x3FB2];
	_ =	sdelay $0x3  }
0x33: {  	p0 =	seq.s32 s10, $0x1;
	s10 =	sld [smem:$0x3FB4];
	_ =	sdelay $0x3  }
0x34: {  	[smem:$0x3FB4] =	sst s10  }
0x35: {  	s10 =	sld [smem:$0x3FB3];
	_ =	sdelay $0x3  }
0x36: {  	p1 =	seq.s32 s10, $0x1;
	s10 =	sld [smem:$0x3FB4];
	_ =	sdelay $0x3  }
0x37: {  	[smem:$0x3FB4] =	sst s10  }
0x38: {  	s10 =	sld [smem:$0x3FB5]  }
0x39: {  	_ = 	snop;
	(pc) =	sbr.ind lr, $3  }
0x3a: {  	_ = 	snop  }
0x3b: {  	_ = 	snop  }
0x3c: {  	p2 =	seq.s32 s10, $0x1;
	s10 =	sld [smem:$0x3FB4]  }
0x3d: {  	_ =	shalt  }
0x3e: {  	_ =	shalt  }
0x3f: {  	_ =	shalt  }
0x40: {  	_ =	shalt  }
0x41: {  	_ =	shalt  }
0x42: {  	_ =	shalt  }
0x43: {  	_ =	shalt  }
0x44: {  	_ =	shalt  }
0x45: {  	_ =	shalt  }
0x46: {  	_ =	shalt  }
0x47: {  	_ =	shalt  }
0x48: {  	_ =	shalt  }
0x49: {  	_ =	shalt  }
0x4a: {  	_ =	shalt  }
0x4b: {  	_ =	shalt  }
0x4c: {  	_ =	shalt  }
0x4d: {  	_ =	shalt  }
0x4e: {  	_ =	shalt  }
0x4f: {  	_ =	shalt  }
0x50: {  	_ =	shalt  }
0x51: {  	_ =	shalt  }
0x52: {  	_ =	shalt  }
0x53: {  	_ =	shalt  }
0x54: {  	_ =	shalt  }
0x55: {  	_ =	shalt  }
0x56: {  	_ =	shalt  }
0x57: {  	_ =	shalt  }
0x58: {  	_ =	shalt  }
0x59: {  	_ =	shalt  }
0x5a: {  	_ =	shalt  }
0x5b: {  	_ =	shalt  }
0x5c: {  	_ =	shalt  }
0x5d: {  	_ =	shalt  }
0x5e: {  	_ =	shalt  }
0x5f: {  	_ =	shalt  }
0x60: {  	_ =	shalt  }
0x61: {  	_ =	shalt  }
0x62: {  	_ =	shalt  }
0x63: {  	_ =	shalt  }
0x64: {  	_ =	shalt  }
0x65: {  	_ =	shalt  }
0x66: {  	_ =	shalt  }
0x67: {  	_ =	shalt  }
0x68: {  	_ =	shalt  }
0x69: {  	_ =	shalt  }
0x6a: {  	_ =	shalt  }
0x6b: {  	_ =	shalt  }
0x6c: {  	_ =	shalt  }
0x6d: {  	_ =	shalt  }
0x6e: {  	_ =	shalt  }
0x6f: {  	_ =	shalt  }
0x70: {  	_ =	shalt  }
0x71: {  	_ =	shalt  }
0x72: {  	_ =	shalt  }
0x73: {  	_ =	shalt  }
0x74: {  	_ =	shalt  }
0x75: {  	_ =	shalt  }
0x76: {  	_ =	shalt  }
0x77: {  	_ =	shalt  }
0x78: {  	_ =	shalt  }
0x79: {  	_ =	shalt  }
0x7a: {  	_ =	shalt  }
0x7b: {  	_ =	shalt  }
0x7c: {  	_ =	shalt  }
0x7d: {  	_ =	shalt  }
0x7e: {  	_ =	shalt  }
0x7f: {  	_ =	shalt  }
0x80: {  	_ =	shalt  }
0x81: {  	_ =	shalt  }
0x82: {  	_ =	shalt  }
0x83: {  	_ =	shalt  }
0x84: {  	_ =	shalt  }
0x85: {  	_ =	shalt  }
0x86: {  	_ =	shalt  }
0x87: {  	_ =	shalt  }
.Lfunc_end0:
.L_simem_size_0:
called_computation_lowered:
.L_overlay_start_0:
0x88: {  	s2 =	sld [smem:$0x3FD9]  }
0x89: {  	s3 =	sld [smem:$0x3FFE];
	_ =	sdelay $0x1  }
0x8a: {  	s1 =	srdreg.scid  }
0x8b: {  	s0 =	sand.u32 $0x1, s1  }
0x8c: {  	s17 =	sshll.u32 s0, $0xA;
	s2 =	sadd.s32 s3, s2  }
0x8d: {  	s2 =	sadd.s32 s2, s17  }
0x8e: {  	[smem:$0x3FC0] =	sst s2  }
0x8f: {  	_ = 	snop  }
0x90: {  	s2 =	sld [smem:$0x3FC9]  }
0x91: {  	s18 =	sld [smem:$0x3FC8]  }
0x92: {  	s4 =	sld [smem:$0x3FC7]  }
0x93: {  	s5 =	sld [smem:$0x3FD0];
	(tm) =	ssettm $0x1  }
0x94: {  	s6 =	sld [smem:$0x3FFB];
	_ =	sdelay $0x3  }
0x95: {  	_ =	strace s6  }
0x96: {  	s6 =	sld [smem:$0x3FFC];
	_ =	sdelay $0x3  }
0x97: {  	_ =	strace s6  }
0x98: {  	s6 =	sld [smem:$0x3FFD];
	_ =	sdelay $0x3  }
0x99: {  	_ =	strace s6  }
0x9a: {  	_ =	strace $0x8FFFFFFF  }
0x9b: {  	s19 =	sld [smem:$0x3FDB];
	_ =	sdelay $0x1  }
0x9c: {  	s7 =	simm.s32 $_scs_section_size  }
0x9d: {  	s8 =	simm.s32 $_size__tile_overlayer_lowered;
	s9 =	simm.s32 $_tile_overlayer_lowered  }
0x9e: {  	s22 =	simm.s32 $0x1BFF;
	s21 =	sshll.u32 s9, $0x1;
	s6 =	sadd.s32 s7, s19  }
0x9f: {  	s10 =	simm.s32 $0x0;
	s20 =	sshll.u32 s8, $0x1;
	s8 =	sadd.s32 s21, s6  }
0xa0: {  	[timem:s10], [sflag:s22] =	dma.local [hbm:s8], s20  }
0xa1: {  	_ =	swait.ge [sflag:s22], s20  }
0xa2: {  	s7 =	ssub.s32 $0x0, s20;
	[sflag:s22] =	ssyncset.done $0x0  }
0xa3: {  	[sflag:s22] =	ssyncadd.s32 s7;
	_ =	sdelay $0x1  }
0xa4: {  	s23 =	simm.s32 $0x1B8B  }
0xa5: {  	_ =	swait.ge [sflag:s23], $0x1  }
0xa6: {  	[sflag:s23] =	ssyncset.done $0x0  }
0xa7: {  	s25 =	simm.s32 $0x1B8E;
	s24 =	sld [smem:$0x3FFE];
	[sflag:s23] =	ssyncadd.s32 $0xFFFFFFFF  }
0xa8: {  	s26 =	simm.s32 $execute0_lowered;
	[smem:$0x3FD2] =	sst s25  }
0xa9: {  	s8 =	sshll.u32 s26, $0x1;
	_ =	strace $0x80000046;
	[dreg:$0x1] =	wrdreg $0xFFFFFFFF  }
0xaa: {  	s28 =	simm.s32 $_size_execute0_lowered;
	s6 =	sadd.s32 s6, s8;
	[dreg:$0x0] =	wrdreg $0x0  }
0xab: {  	s8 =	sshll.u32 s28, $0x1;
	[dreg:$0x2] =	wrdreg s6  }
0xac: {  	[dreg:$0x3] =	wrdreg s8  }
0xad: {  	[dreg:$0x4] =	wrdreg $0xC0  }
0xae: {  	_ =	task [dreg:s10], $0x5FFFF  }
0xaf: {  	[dreg:$0x1] =	wrdreg $0xFFFFFFFF  }
0xb0: {  	[dreg:$0x0] =	wrdreg $0x60  }
0xb1: {  	[dreg:$0x2] =	wrdreg s2  }
0xb2: {  	[dreg:$0x3] =	wrdreg s18  }
0xb3: {  	[dreg:$0x4] =	wrdreg s4  }
0xb4: {  	[dreg:$0x5] =	wrdreg s24  }
0xb5: {  	[dreg:$0x6] =	wrdreg s5  }
0xb6: {  	[dreg:$0x7] =	wrdreg $0x10E000  }
0xb7: {  	[dreg:$0x8] =	wrdreg $0x9  }
0xb8: {  	_ =	task.clear_ibuf [dreg:s10], $0x9FFFF;
	_ =	strace $0x90000046  }
0xb9: {  	s29 =	simm.s32 $0x9;
	_ =	strace $0x80000048  }
0xba: {  	_ =	swait.ge [sflag:s29], $0x1  }
0xbb: {  	[sflag:s29] =	ssyncadd.s32 $0xFFFFFFFF  }
0xbc: {  	_ =	strace $0x90000048  }
0xbd: {  	_ =	sfence  }
0xbe: {  	s30 =	sld [smem:$0x0];
	_ =	sdelay $0x2  }
0xbf: {  	s31 =	sshll.u32 s1, $0xD;
	s1 =	sshrl.u32 s1, $0x2  }
0xc0: {  	s3 =	sand.u32 $0x4000, s31;
	s1 =	sadd.s32 s1, s30  }
0xc1: {  	s0 =	sor.u32 s3, s0;
	s1 =	sshll.u32 s1, $0x11  }
0xc2: {  	s0 =	sor.u32 s1, s0  }
0xc3: {  	s0 =	sadd.s32 $0x8F2B, s0  }
0xc4: {  	[sflag:s0] =	ssyncadd.remote.s32 $0x1  }
0xc5: {  	_ =	sfence.sel $0xFFFF  }
0xc6: {  	[dreg:$0x0] =	wrdreg $0xFFFFFFFF;
	(pc) =	sbr.abs _section_cstart, $3  }
0xc7: {  	[dreg:$0x1] =	wrdreg $0xFFFFFFFF  }
0xc8: {  	_ =	task.clear_ibuf [dreg:s10], $0x2FFFF;
	_ =	strace $0x9FFFFFFF  }
0xc9: {  	(tm) =	ssettm $0x7FFFFFFF  }
tec
execute0_lowered:
.L_overlay_start_1:
0x0: {  	(tag) =	ssettag $0x1  }
0x1: {  	s0 =	rddreg [dreg:$0x0]  }
0x2: {  	s2 =	rddreg [dreg:$0x1]  }
0x3: {  	s5 =	rddreg [dreg:$0x2]  }
0x4: {  	s4 =	rddreg [dreg:$0x3]  }
0x5: {  	s6 =	rddreg [dreg:$0x4]  }
0x6: {  	s1 =	rddreg [dreg:$0x5];
	s3 =	simm.s32 $0x0;
	s7 =	srdreg.scid  }
0x7: {  	s11 =	stileid.u32;
	[smem:$0x7FF] =	sst s3  }
0x8: {  	s7 =	sand.u32 $0x1, s7;
	s8 =	smul.u32 $0x900, s11;
	s4 =	sadd.s32 $0x1000, s4  }
0x9: {  	s9 =	sshll.u32 s11, $0xA;
	s22 =	sshll.u32 s11, $0x6;
	_ =	strace $0x80000047  }
0xa: {  	s10 =	sshll.u32 s7, $0x9;
	s23 =	sor.u32 $0x1C12, s22;
	s22 =	smul.u32 $0x12000, s11  }
0xb: {  	s11 =	simm.s32 $0x600;
	s9 =	sor.u32 s10, s9;
	[dreg:$0x8] =	wrdreg s23  }
0xc: {  	s8 =	sadd.s32 s4, s8;
	[dreg:$0x1e] =	wrdreg s11;
	s24 =	sshrl.u32 s9, $0x3  }
0xd: {  	[dreg:$0x7] =	wrdreg s8;
	s0 =	sadd.s32 s0, s24  }
0xe: {  	s25 =	sadd.s32 s2, s24;
	[dreg:$0x9] =	wrdreg s0  }
0xf: {  	s26 =	sshll.u32 s9, $0x4;
	s8 =	sadd.s32 s5, s24;
	[dreg:$0xa] =	wrdreg s25  }
0x10: {  	s9 =	sadd.s32 s6, s26;
	[dreg:$0xb] =	wrdreg s8  }
0x11: {  	s2 =	sshrl.u32 s22, $0x2;
	s22 =	simm.s32 $0xB80;
	[smem:$0x7EF] =	sst s9  }
0x12: {  	s10 =	sadd.s32 $0x200, s9;
	[smem:$0x7F9] =	sst s22  }
0x13: {  	s12 =	sadd.s32 $0x400, s9;
	[dreg:$0xc] =	wrdreg s10  }
0x14: {  	s13 =	sadd.s32 $0x600, s9;
	[dreg:$0xd] =	wrdreg s12  }
0x15: {  	s14 =	sadd.s32 $0x800, s9;
	[dreg:$0xe] =	wrdreg s13  }
0x16: {  	s15 =	sadd.s32 $0xA00, s9;
	[dreg:$0xf] =	wrdreg s14  }
0x17: {  	s16 =	sadd.s32 $0xC00, s9;
	[dreg:$0x10] =	wrdreg s15  }
0x18: {  	s17 =	sadd.s32 $0xE00, s9;
	[dreg:$0x11] =	wrdreg s16  }
0x19: {  	s18 =	sadd.s32 $0x1000, s9;
	[dreg:$0x12] =	wrdreg s17  }
0x1a: {  	s19 =	sadd.s32 $0x1200, s9;
	[dreg:$0x13] =	wrdreg s18  }
0x1b: {  	s20 =	sadd.s32 $0x1400, s9;
	[dreg:$0x14] =	wrdreg s19  }
0x1c: {  	s21 =	sadd.s32 $0x1600, s9;
	[dreg:$0x15] =	wrdreg s20  }
0x1d: {  	s23 =	sadd.s32 $0x1800, s9;
	[dreg:$0x16] =	wrdreg s21  }
0x1e: {  	s24 =	sadd.s32 $0x1A00, s9;
	[dreg:$0x17] =	wrdreg s23  }
0x1f: {  	s25 =	sadd.s32 $0x1C00, s9;
	[dreg:$0x18] =	wrdreg s24  }
0x20: {  	s26 =	sadd.s32 $0x1E00, s9;
	[dreg:$0x19] =	wrdreg s25  }
0x21: {  	s2 =	sadd.s32 s2, s1;
	s9 =	simm.s32 $0x200;
	[dreg:$0x1a] =	wrdreg s26  }
0x22: {  	s5 =	ssub.s32 $0x2, s7;
	s7 =	sshrl.u32 s2, $0x3;
	[dreg:$0x1c] =	wrdreg s9  }
0x23: {  	s10 =	simm.s32 $0x400;
	[dreg:$0x1b] =	wrdreg s7  }
0x24: {  	s12 =	simm.s32 $0x680;
	[dreg:$0x1d] =	wrdreg s10  }
0x25: {  	s13 =	simm.s32 $0x700;
	[dreg:$0x1f] =	wrdreg s12  }
0x26: {  	s14 =	simm.s32 $0x780;
	[smem:$0x7F0] =	sst s13  }
0x27: {  	s15 =	simm.s32 $0x800;
	[smem:$0x7F1] =	sst s14  }
0x28: {  	s28 =	simm.s32 $0x4E00;
	s16 =	simm.s32 $0x880;
	[smem:$0x7F2] =	sst s15  }
0x29: {  	s29 =	simm.s32 $0x7E00;
	s17 =	simm.s32 $0x900;
	[smem:$0x7F3] =	sst s16  }
0x2a: {  	s30 =	simm.s32 $0x8E00;
	s18 =	simm.s32 $0x980;
	[smem:$0x7F4] =	sst s17  }
0x2b: {  	s31 =	simm.s32 $0x9E00;
	s19 =	simm.s32 $0xA00;
	[smem:$0x7F5] =	sst s18  }
0x2c: {  	s11 =	simm.s32 $0xCE00;
	s20 =	simm.s32 $0xA80;
	[smem:$0x7F6] =	sst s19  }
0x2d: {  	s8 =	sshrl.u32 s5, $0x1;
	s21 =	simm.s32 $0xB00;
	[smem:$0x7F7] =	sst s20  }
0x2e: {  	s2 =	ssub.s32 s5, s8;
	s23 =	simm.s32 $0xC00;
	[smem:$0x7F8] =	sst s21  }
0x2f: {  	s8 =	simm.s32 $0x2;
	s24 =	simm.s32 $0xC80;
	[smem:$0x7FA] =	sst s23  }
0x30: {  	s9 =	simm.s32 $0x3;
	s25 =	simm.s32 $0xD00;
	[smem:$0x7FB] =	sst s24  }
0x31: {  	s26 =	simm.s32 $0xD80;
	s6 =	smax.u32 s2, $0x1;
	[smem:$0x7FC] =	sst s25  }
0x32: {  	s7 =	simm.s32 $0x1;
	s10 =	simm.s32 $0x20;
	[smem:$0x7FD] =	sst s26  }
0x33: {  	s16 =	simm.s32 $0xD;
	s17 =	simm.s32 $0xE;
	s18 =	simm.s32 $0xF  }
0x34: {  	s19 =	simm.s32 $0x10;
	s20 =	simm.s32 $0x11;
	s25 =	simm.s32 $0x2E00  }
0x35: {  	s26 =	simm.s32 $0x3E00;
	s15 =	simm.s32 $0x6E00;
	s2 =	simm.s32 $0xBE00  }
0x36: {  	s12 =	simm.s32 $0xDE00;
	s13 =	simm.s32 $0xEE00;
	s14 =	simm.s32 $0xFE00  }
.LBB2_1:
0x37: {  	s21 =	rddreg [dreg:$0x7]  }
0x38: {  	s22 =	rddreg [dreg:$0x8]  }
0x39: {  	s23 =	rddreg [dreg:$0x1b]  }
0x3a: {  	[spmem:s23], [sflag:s22] =	dma.local [hbm:s21], $0x900  }
0x3b: {  	s21 =	rddreg [dreg:$0x9]  }
0x3c: {  	s5 =	rddreg [dreg:$0xa]  }
0x3d: {  	s22 =	rddreg [dreg:$0x1c]  }
0x3e: {  	[tilespmem:s3], [sflag:$0x1] =	stream.linear.gather [hbm4b:s21+s3], $0x200, $0x38;
	[tilespmem:$0x15600] =	vst v63  }
0x3f: {  	s23 =	rddreg [dreg:$0xb]  }
0x40: {  	[tilespmem:s22], [sflag:$0x2] =	stream.linear.gather [hbm4b:s5+s3], $0x200, $0x38;
	[tilespmem:$0x15600] =	vst v63  }
0x41: {  	s24 =	rddreg [dreg:$0x1d]  }
0x42: {  	[tilespmem:s24], [sflag:$0x3] =	stream.linear.gather [hbm4b:s23+s3], $0x200, $0x38;
	[tilespmem:$0x15600] =	vst v63  }
0x43: {  	_ =	swait.ge [sflag:s7], $0x200  }
0x44: {  	[sflag:s7] =	ssyncset.done $0x0  }
0x45: {  	[sflag:s7] =	ssyncadd.s32 $0xFFFFFE00  }
0x46: {  	_ =	swait.ge [sflag:s8], $0x200  }
0x47: {  	[sflag:s8] =	ssyncset.done $0x0  }
0x48: {  	[sflag:s8] =	ssyncadd.s32 $0xFFFFFE00  }
0x49: {  	_ =	swait.ge [sflag:s9], $0x200  }
0x4a: {  	[sflag:s9] =	ssyncset.done $0x0  }
0x4b: {  	[sflag:s9] =	ssyncadd.s32 $0xFFFFFE00  }
0x4c: {  	v0 =	vld [tilespmem:$0x0]  }
0x4d: {  	v1 =	vld [tilespmem:$0x200]  }
0x4e: {  	v2 =	vld [tilespmem:$0x400]  }
0x4f: {  	v3 =	vld [tilespmem:$0x10]  }
0x50: {  	v4 =	vld [tilespmem:$0x210]  }
0x51: {  	v5 =	vld [tilespmem:$0x410]  }
0x52: {  	v6 =	vld [tilespmem:$0x20]  }
0x53: {  	v7 =	vld [tilespmem:$0x220]  }
0x54: {  	v8 =	vld [tilespmem:$0x420]  }
0x55: {  	v9 =	vld [tilespmem:$0x30]  }
0x56: {  	v10 =	vld [tilespmem:$0x230]  }
0x57: {  	v11 =	vld [tilespmem:$0x430]  }
0x58: {  	v12 =	vld [tilespmem:$0x40]  }
0x59: {  	v13 =	vld [tilespmem:$0x240]  }
0x5a: {  	v14 =	vld [tilespmem:$0x440]  }
0x5b: {  	v15 =	vld [tilespmem:$0x50]  }
0x5c: {  	v16 =	vld [tilespmem:$0x250]  }
0x5d: {  	v17 =	vld [tilespmem:$0x450]  }
0x5e: {  	v18 =	vld [tilespmem:$0x60]  }
0x5f: {  	v19 =	vld [tilespmem:$0x260]  }
0x60: {  	v20 =	vld [tilespmem:$0x460]  }
0x61: {  	v21 =	vld [tilespmem:$0x70]  }
0x62: {  	v22 =	vld [tilespmem:$0x270]  }
0x63: {  	v23 =	vld [tilespmem:$0x470]  }
0x64: {  	v24 =	vld [tilespmem:$0x80]  }
0x65: {  	v25 =	vld [tilespmem:$0x280]  }
0x66: {  	v26 =	vld [tilespmem:$0x480]  }
0x67: {  	v27 =	vld [tilespmem:$0x90]  }
0x68: {  	v28 =	vld [tilespmem:$0x290]  }
0x69: {  	v29 =	vld [tilespmem:$0x490]  }
0x6a: {  	v30 =	vld [tilespmem:$0xA0]  }
0x6b: {  	v31 =	vld [tilespmem:$0x2A0]  }
0x6c: {  	v32 =	vld [tilespmem:$0x4A0]  }
0x6d: {  	v33 =	vld [tilespmem:$0xB0]  }
0x6e: {  	v34 =	vld [tilespmem:$0x2B0]  }
0x6f: {  	v35 =	vld [tilespmem:$0x4B0]  }
0x70: {  	v36 =	vld [tilespmem:$0xC0]  }
0x71: {  	v37 =	vld [tilespmem:$0x2C0]  }
0x72: {  	v38 =	vld [tilespmem:$0x4C0]  }
0x73: {  	v39 =	vld [tilespmem:$0xD0]  }
0x74: {  	v40 =	vld [tilespmem:$0x2D0]  }
0x75: {  	v41 =	vld [tilespmem:$0x4D0]  }
0x76: {  	v42 =	vld [tilespmem:$0xE0]  }
0x77: {  	v43 =	vld [tilespmem:$0x2E0]  }
0x78: {  	v44 =	vld [tilespmem:$0x4E0]  }
0x79: {  	v45 =	vld [tilespmem:$0xF0]  }
0x7a: {  	v46 =	vld [tilespmem:$0x2F0]  }
0x7b: {  	v47 =	vld [tilespmem:$0x4F0]  }
0x7c: {  	v48 =	vld [tilespmem:$0x100]  }
0x7d: {  	v49 =	vld [tilespmem:$0x300]  }
0x7e: {  	v50 =	vld [tilespmem:$0x500]  }
0x7f: {  	v51 =	vld [tilespmem:$0x110]  }
0x80: {  	v52 =	vld [tilespmem:$0x310]  }
0x81: {  	v53 =	vld [tilespmem:$0x510]  }
0x82: {  	v54 =	vld [tilespmem:$0x120]  }
0x83: {  	v55 =	vld [tilespmem:$0x320]  }
0x84: {  	v56 =	vld [tilespmem:$0x520]  }
0x85: {  	v57 =	vld [tilespmem:$0x130];
	v0 =	vmul.u32 $0x90, v0;
	v1 =	vshll.u32 v1, $0x4  }
0x86: {  	v3 =	vmul.u32 $0x90, v3;
	v59 =	vshll.u32 v4, $0x4;
	v4 =	vld [tilespmem:$0x330];
	v60 =	vmul.u32 $0x90, v6  }
0x87: {  	v61 =	vshll.u32 v7, $0x4;
	v62 =	vmul.u32 $0x90, v9;
	v7 =	vld [tilespmem:$0x140];
	v63 =	vshll.u32 v10, $0x4  }
0x88: {  	v58 =	vmul.u32 $0x90, v12;
	v10 =	vld [tilespmem:$0x340];
	v21 =	vmul.u32 $0x90, v21;
	v22 =	vshll.u32 v22, $0x4  }
0x89: {  	v0 =	vadd.s32 v0, v1;
	v1 =	vadd.s32 v3, v59;
	v3 =	vld [tilespmem:$0x530];
	v59 =	vshll.u32 v13, $0x4  }
0x8a: {  	v13 =	vadd.s32 v21, v22;
	v21 =	vld [tilespmem:$0x560];
	v0 =	vadd.s32 v2, v0;
	v1 =	vadd.s32 v5, v1  }
0x8b: {  	v22 =	vld [tilespmem:$0x570];
	v2 =	vadd.s32 v60, v61;
	v5 =	vadd.s32 v62, v63;
	v6 =	vadd.s32 v58, v59  }
0x8c: {  	v60 =	vmul.u32 $0x90, v15;
	v61 =	vshll.u32 v16, $0x4;
	v62 =	vmul.u32 $0x90, v18;
	v16 =	vld [tilespmem:$0x550]  }
0x8d: {  	v63 =	vshll.u32 v19, $0x4;
	v58 =	vmul.u32 $0x90, v24;
	v18 =	vld [tilespmem:$0x360];
	v13 =	vadd.s32 v23, v13  }
0x8e: {  	v59 =	vshll.u32 v25, $0x4;
	v23 =	vld [tilespmem:$0x170];
	v2 =	vadd.s32 v8, v2;
	v5 =	vadd.s32 v11, v5  }
0x8f: {  	v25 =	vld [tilespmem:$0x180];
	v6 =	vadd.s32 v14, v6;
	v9 =	vadd.s32 v60, v61;
	v12 =	vadd.s32 v62, v63  }
0x90: {  	v24 =	vld [tilespmem:$0x580];
	v60 =	vmul.u32 $0x90, v27;
	v15 =	vadd.s32 v58, v59;
	v61 =	vshll.u32 v28, $0x4  }
0x91: {  	v19 =	vld [tilespmem:$0x190];
	v62 =	vmul.u32 $0x90, v30;
	v28 =	vshll.u32 v31, $0x4;
	v30 =	vmul.u32 $0x90, v33  }
0x92: {  	v8 =	vld [tilespmem:$0x540];
	[tilespmem:$0x600] =	vst v0;
	v31 =	vshll.u32 v34, $0x4;
	v34 =	vshll.u32 v37, $0x4;
	v58 =	vmul.u32 $0x90, v42  }
0x93: {  	v11 =	vld [tilespmem:$0x150];
	[tilespmem:$0x610] =	vst v1;
	v59 =	vshll.u32 v43, $0x4;
	v42 =	vshll.u32 v52, $0x4;
	v43 =	vmul.u32 $0x90, v54  }
0x94: {  	v14 =	vld [tilespmem:$0x350];
	[tilespmem:$0x790] =	vst v13;
	v4 =	vshll.u32 v4, $0x4;
	v7 =	vmul.u32 $0x90, v7;
	v52 =	vshll.u32 v10, $0x4  }
0x95: {  	[tilespmem:$0x680] =	vst v2;
	v54 =	vld [tilespmem:$0x1C0];
	v9 =	vadd.s32 v17, v9;
	v12 =	vadd.s32 v20, v12;
	v63 =	vadd.s32 v26, v15  }
0x96: {  	[tilespmem:$0x690] =	vst v5;
	v17 =	vld [tilespmem:$0x160];
	v27 =	vadd.s32 v60, v61;
	v33 =	vadd.s32 v30, v31;
	v60 =	vmul.u32 $0x90, v45  }
0x97: {  	v20 =	vld [tilespmem:$0x370];
	[tilespmem:$0x780] =	vst v12;
	v12 =	vadd.s32 v58, v59;
	v61 =	vshll.u32 v46, $0x4;
	v45 =	vshll.u32 v55, $0x4  }
0x98: {  	[tilespmem:$0x700] =	vst v6;
	v26 =	vld [tilespmem:$0x380];
	v46 =	vmul.u32 $0x90, v57;
	v55 =	vadd.s32 v7, v52;
	v1 =	vadd.s32 v29, v27  }
0x99: {  	[tilespmem:$0x710] =	vst v9;
	v31 =	vld [tilespmem:$0x5A0];
	v29 =	vadd.s32 v62, v28;
	v5 =	vadd.s32 v35, v33;
	v62 =	vmul.u32 $0x90, v48  }
0x9a: {  	[tilespmem:$0x800] =	vst v63;
	v58 =	vld [tilespmem:$0x3C0];
	v63 =	vadd.s32 v44, v12;
	v48 =	vadd.s32 v43, v45;
	v2 =	vadd.s32 v32, v29  }
0x9b: {  	v28 =	vld [tilespmem:$0x390];
	v32 =	vmul.u32 $0x90, v36;
	v36 =	vmul.u32 $0x90, v39;
	v39 =	vshll.u32 v40, $0x4;
	[tilespmem:$0x810] =	vst v1  }
0x9c: {  	v27 =	vld [tilespmem:$0x1A0];
	v35 =	vadd.s32 v60, v61;
	[tilespmem:$0x890] =	vst v5;
	v4 =	vadd.s32 v46, v4;
	v1 =	vadd.s32 v8, v55  }
0x9d: {  	v45 =	vld [tilespmem:$0x3F0];
	[tilespmem:$0x980] =	vst v63;
	v60 =	vshll.u32 v18, $0x4;
	v37 =	vadd.s32 v32, v34;
	v40 =	vadd.s32 v36, v39  }
0x9e: {  	v29 =	vld [tilespmem:$0x590];
	[tilespmem:$0x880] =	vst v2;
	v36 =	vshll.u32 v49, $0x4;
	v39 =	vmul.u32 $0x90, v51;
	v51 =	vadd.s32 v3, v4  }
0x9f: {  	v61 =	vld [tilespmem:$0x5C0];
	[tilespmem:$0xB00] =	vst v1;
	v57 =	vmul.u32 $0x90, v17;
	v18 =	vshll.u32 v20, $0x4;
	v20 =	vmul.u32 $0x90, v25  }
0xa0: {  	v63 =	vld [tilespmem:$0x1D0];
	v25 =	vshll.u32 v26, $0x4;
	v26 =	vmul.u32 $0x90, v19;
	v6 =	vadd.s32 v38, v37;
	[tilespmem:$0xA90] =	vst v51  }
0xa1: {  	v49 =	vld [tilespmem:$0x3B0];
	v9 =	vadd.s32 v41, v40;
	v37 =	vadd.s32 v47, v35;
	v38 =	vadd.s32 v62, v36;
	[tilespmem:$0x900] =	vst v6  }
0xa2: {  	v40 =	vld [tilespmem:$0x3A0];
	v62 =	vmul.u32 $0x90, v23;
	v41 =	vadd.s32 v50, v38;
	v44 =	vadd.s32 v39, v42;
	[tilespmem:$0x910] =	vst v9  }
0xa3: {  	v47 =	vld [tilespmem:$0x1B0];
	v6 =	vadd.s32 v56, v48;
	[tilespmem:$0x990] =	vst v37;
	v56 =	vshll.u32 v14, $0x4;
	v3 =	vadd.s32 v57, v60  }
0xa4: {  	v35 =	vld [tilespmem:$0x1E0];
	v33 =	vadd.s32 v20, v25;
	v34 =	vshll.u32 v28, $0x4;
	v37 =	vmul.u32 $0x90, v27;
	[tilespmem:$0xA00] =	vst v41  }
0xa5: {  	v50 =	vld [tilespmem:$0x5B0];
	v60 =	vshll.u32 v45, $0x4;
	v5 =	vadd.s32 v53, v44;
	v53 =	vmul.u32 $0x90, v11;
	[tilespmem:$0xA80] =	vst v6  }
0xa6: {  	v38 =	vld [tilespmem:$0x3E0];
	v3 =	vadd.s32 v21, v3;
	v23 =	vadd.s32 v62, v18;
	v1 =	vadd.s32 v24, v33;
	[tilespmem:$0xA10] =	vst v5  }
0xa7: {  	v36 =	vadd.s32 v26, v34;
	v41 =	vld [tilespmem:$0x1F0];
	v44 =	vmul.u32 $0x90, v54;
	[tilespmem:$0xB80] =	vst v3;
	v59 =	vadd.s32 v53, v56  }
0xa8: {  	v48 =	vld [tilespmem:$0x5E0];
	v0 =	vadd.s32 v22, v23;
	[tilespmem:$0xC00] =	vst v1;
	v43 =	vshll.u32 v49, $0x4;
	v2 =	vadd.s32 v16, v59  }
0xa9: {  	v21 =	vld [tilespmem:$0x3D0];
	[tilespmem:$0xB90] =	vst v0;
	v39 =	vshll.u32 v40, $0x4;
	v40 =	vmul.u32 $0x90, v47;
	v47 =	vshll.u32 v58, $0x4  }
0xaa: {  	v51 =	vld [tilespmem:$0x5F0];
	v54 =	vmul.u32 $0x90, v35;
	[tilespmem:$0xB10] =	vst v2;
	v2 =	vadd.s32 v29, v36;
	v42 =	vadd.s32 v37, v39  }
0xab: {  	v30 =	vld [tilespmem:$0x5D0];
	v49 =	vadd.s32 v44, v47;
	v56 =	vshll.u32 v38, $0x4;
	v0 =	vadd.s32 v31, v42;
	[tilespmem:$0xC10] =	vst v2  }
0xac: {  	v46 =	vadd.s32 v40, v43;
	v52 =	vadd.s32 v61, v49;
	v57 =	vmul.u32 $0x90, v41;
	[tilespmem:$0xC80] =	vst v0  }
0xad: {  	v59 =	vadd.s32 v54, v56;
	v1 =	vadd.s32 v50, v46;
	v50 =	vmul.u32 $0x90, v63;
	[tilespmem:$0xD00] =	vst v52  }
0xae: {  	v53 =	vshll.u32 v21, $0x4;
	v61 =	vadd.s32 v48, v59;
	[tilespmem:$0xC90] =	vst v1;
	v62 =	vadd.s32 v57, v60  }
0xaf: {  	[tilespmem:$0xD80] =	vst v61;
	v55 =	vadd.s32 v50, v53;
	v63 =	vadd.s32 v51, v62  }
0xb0: {  	s0 =	rddreg [dreg:$0x1e];
	v58 =	vadd.s32 v30, v55;
	[tilespmem:$0xD90] =	vst v63  }
0xb1: {  	s23 =	simm.s32 $0xE00;
	s5 =	rddreg [dreg:$0x1f];
	[tilespmem:$0xD10] =	vst v58  }
0xb2: {  	[tilespmem:s23], [sflag:$0x1] =	stream.indirect.gather [hbm4b:s4+s10], $0x80, s0, s10, $0xb8;
	[tilespmem:$0x15600] =	vst v63  }
0xb3: {  	s24 =	simm.s32 $0x1E00;
	s0 =	sld [smem:$0x7F0]  }
0xb4: {  	[tilespmem:s24], [sflag:$0x2] =	stream.indirect.gather [hbm4b:s4+s10], $0x80, s5, s10, $0xb8;
	[tilespmem:$0x15600] =	vst v63  }
0xb5: {  	s5 =	sld [smem:$0x7F1]  }
0xb6: {  	[tilespmem:s25], [sflag:$0x3] =	stream.indirect.gather [hbm4b:s4+s10], $0x80, s0, s10, $0xb8;
	[tilespmem:$0x15600] =	vst v63  }
0xb7: {  	_ = 	snop  }
0xb8: {  	[tilespmem:s26], [sflag:$0x4] =	stream.indirect.gather [hbm4b:s4+s10], $0x80, s5, s10, $0xb8;
	[tilespmem:$0x15600] =	vst v63  }
0xb9: {  	s5 =	simm.s32 $0x12  }
0xba: {  	_ =	swait.ge [sflag:s5], $0x900  }
0xbb: {  	[sflag:s5] =	ssyncset.done $0x0  }
0xbc: {  	[sflag:s5] =	ssyncadd.s32 $0xFFFFF700  }
0xbd: {  	[bflag:$0x0] =	sbarrier.arrive $0xFFFF  }
0xbe: {  	s22 =	sld [smem:$0x7F2];
	_ =	sdelay $0x1  }
0xbf: {  	s0 =	sld [smem:$0x7F3]  }
0xc0: {  	[tilespmem:s28], [sflag:$0x5] =	stream.indirect.gather [spmem:s1], $0x80, s22, s10, $0xb8;
	[tilespmem:$0x15600] =	vst v63  }
0xc1: {  	s5 =	simm.s32 $0x5E00;
	s21 =	sld [smem:$0x7F4]  }
0xc2: {  	[tilespmem:s5], [sflag:$0x6] =	stream.indirect.gather [spmem:s1], $0x80, s0, s10, $0xb8;
	[tilespmem:$0x15600] =	vst v63  }
0xc3: {  	s0 =	sld [smem:$0x7F5]  }
0xc4: {  	[tilespmem:s15], [sflag:$0x7] =	stream.indirect.gather [spmem:s1], $0x80, s21, s10, $0xb8;
	[tilespmem:$0x15600] =	vst v63  }
0xc5: {  	s21 =	sld [smem:$0x7F6]  }
0xc6: {  	[tilespmem:s29], [sflag:$0x8] =	stream.indirect.gather [spmem:s1], $0x80, s0, s10, $0xb8;
	[tilespmem:$0x15600] =	vst v63  }
0xc7: {  	s0 =	sld [smem:$0x7F7]  }
0xc8: {  	[tilespmem:s30], [sflag:$0x9] =	stream.indirect.gather [spmem:s1], $0x80, s21, s10, $0xb8;
	[tilespmem:$0x15600] =	vst v63  }
0xc9: {  	s21 =	sld [smem:$0x7F8]  }
0xca: {  	[tilespmem:s31], [sflag:$0xA] =	stream.indirect.gather [spmem:s1], $0x80, s0, s10, $0xb8;
	[tilespmem:$0x15600] =	vst v63  }
0xcb: {  	s22 =	sld [smem:$0x7F9];
	s0 =	simm.s32 $0xAE00  }
0xcc: {  	[tilespmem:s0], [sflag:$0xB] =	stream.indirect.gather [spmem:s1], $0x80, s21, s10, $0xb8;
	[tilespmem:$0x15600] =	vst v63  }
0xcd: {  	s21 =	sld [smem:$0x7FA]  }
0xce: {  	[tilespmem:s2], [sflag:$0xC] =	stream.indirect.gather [spmem:s1], $0x80, s22, s10, $0xb8;
	[tilespmem:$0x15600] =	vst v63  }
0xcf: {  	s22 =	sld [smem:$0x7FB]  }
0xd0: {  	[tilespmem:s11], [sflag:$0xD] =	stream.indirect.gather [spmem:s1], $0x80, s21, s10, $0xb8;
	[tilespmem:$0x15600] =	vst v63  }
0xd1: {  	s21 =	sld [smem:$0x7FC]  }
0xd2: {  	[tilespmem:s12], [sflag:$0xE] =	stream.indirect.gather [spmem:s1], $0x80, s22, s10, $0xb8;
	[tilespmem:$0x15600] =	vst v63  }
0xd3: {  	s22 =	sld [smem:$0x7FD]  }
0xd4: {  	[tilespmem:s13], [sflag:$0xF] =	stream.indirect.gather [spmem:s1], $0x80, s21, s10, $0xb8;
	[tilespmem:$0x15600] =	vst v63  }
0xd5: {  	_ = 	snop  }
0xd6: {  	[tilespmem:s14], [sflag:$0x10] =	stream.indirect.gather [spmem:s1], $0x80, s22, s10, $0xb8;
	[tilespmem:$0x15600] =	vst v63  }
0xd7: {  	_ =	swait.ge [sflag:s7], $0x1000  }
0xd8: {  	s22 =	sld [smem:$0x7EF]  }
0xd9: {  	[sflag:s7] =	ssyncset.done $0x0  }
0xda: {  	[sflag:s7] =	ssyncadd.s32 $0xFFFFF000  }
0xdb: {  	[hbm4b:s22+s3] =	stream.linear.scatter [tilespmem:s23], [sflag:$0x11], $0x1000, $0x38;
	[tilespmem:$0x15600] =	vst v63  }
0xdc: {  	_ =	swait.ge [sflag:s8], $0x1000  }
0xdd: {  	[sflag:s8] =	ssyncset.done $0x0  }
0xde: {  	s23 =	rddreg [dreg:$0xc];
	[sflag:s8] =	ssyncadd.s32 $0xFFFFF000  }
0xdf: {  	[hbm4b:s23+s3] =	stream.linear.scatter [tilespmem:s24], [sflag:$0x11], $0x1000, $0x38;
	[tilespmem:$0x15600] =	vst v63  }
0xe0: {  	_ =	swait.ge [sflag:s9], $0x1000  }
0xe1: {  	[sflag:s9] =	ssyncset.done $0x0  }
0xe2: {  	s23 =	simm.s32 $0x4;
	s22 =	rddreg [dreg:$0xd];
	[sflag:s9] =	ssyncadd.s32 $0xFFFFF000  }
0xe3: {  	[hbm4b:s22+s3] =	stream.linear.scatter [tilespmem:s25], [sflag:$0x11], $0x1000, $0x38;
	[tilespmem:$0x15600] =	vst v63  }
0xe4: {  	_ =	swait.ge [sflag:s23], $0x1000  }
0xe5: {  	[sflag:s23] =	ssyncset.done $0x0  }
0xe6: {  	s24 =	rddreg [dreg:$0xe];
	[sflag:s23] =	ssyncadd.s32 $0xFFFFF000;
	s23 =	simm.s32 $0x5  }
0xe7: {  	[hbm4b:s24+s3] =	stream.linear.scatter [tilespmem:s26], [sflag:$0x11], $0x1000, $0x38;
	[tilespmem:$0x15600] =	vst v63  }
0xe8: {  	_ =	swait.ge [sflag:s23], $0x1000  }
0xe9: {  	[sflag:s23] =	ssyncset.done $0x0  }
0xea: {  	s24 =	rddreg [dreg:$0xf];
	[sflag:s23] =	ssyncadd.s32 $0xFFFFF000;
	s23 =	simm.s32 $0x6  }
0xeb: {  	[hbm4b:s24+s3] =	stream.linear.scatter [tilespmem:s28], [sflag:$0x11], $0x1000, $0x38;
	[tilespmem:$0x15600] =	vst v63  }
0xec: {  	_ =	swait.ge [sflag:s23], $0x1000  }
0xed: {  	[sflag:s23] =	ssyncset.done $0x0  }
0xee: {  	s21 =	simm.s32 $0x7;
	s24 =	rddreg [dreg:$0x10];
	[sflag:s23] =	ssyncadd.s32 $0xFFFFF000  }
0xef: {  	[hbm4b:s24+s3] =	stream.linear.scatter [tilespmem:s5], [sflag:$0x11], $0x1000, $0x38;
	[tilespmem:$0x15600] =	vst v63  }
0xf0: {  	_ =	swait.ge [sflag:s21], $0x1000  }
0xf1: {  	[sflag:s21] =	ssyncset.done $0x0  }
0xf2: {  	s23 =	simm.s32 $0x8;
	s22 =	rddreg [dreg:$0x11];
	[sflag:s21] =	ssyncadd.s32 $0xFFFFF000  }
0xf3: {  	[hbm4b:s22+s3] =	stream.linear.scatter [tilespmem:s15], [sflag:$0x11], $0x1000, $0x38;
	[tilespmem:$0x15600] =	vst v63  }
0xf4: {  	_ =	swait.ge [sflag:s23], $0x1000  }
0xf5: {  	[sflag:s23] =	ssyncset.done $0x0  }
0xf6: {  	s21 =	simm.s32 $0x9;
	s24 =	rddreg [dreg:$0x12];
	[sflag:s23] =	ssyncadd.s32 $0xFFFFF000  }
0xf7: {  	[hbm4b:s24+s3] =	stream.linear.scatter [tilespmem:s29], [sflag:$0x11], $0x1000, $0x38;
	[tilespmem:$0x15600] =	vst v63  }
0xf8: {  	_ =	swait.ge [sflag:s21], $0x1000  }
0xf9: {  	[sflag:s21] =	ssyncset.done $0x0  }
0xfa: {  	s23 =	simm.s32 $0xA;
	s22 =	rddreg [dreg:$0x13];
	[sflag:s21] =	ssyncadd.s32 $0xFFFFF000  }
0xfb: {  	[hbm4b:s22+s3] =	stream.linear.scatter [tilespmem:s30], [sflag:$0x11], $0x1000, $0x38;
	[tilespmem:$0x15600] =	vst v63  }
0xfc: {  	_ =	swait.ge [sflag:s23], $0x1000  }
0xfd: {  	[sflag:s23] =	ssyncset.done $0x0  }
0xfe: {  	s21 =	simm.s32 $0xB;
	s24 =	rddreg [dreg:$0x14];
	[sflag:s23] =	ssyncadd.s32 $0xFFFFF000  }
0xff: {  	[hbm4b:s24+s3] =	stream.linear.scatter [tilespmem:s31], [sflag:$0x11], $0x1000, $0x38;
	[tilespmem:$0x15600] =	vst v63  }
0x100: {  	_ =	swait.ge [sflag:s21], $0x1000  }
0x101: {  	[sflag:s21] =	ssyncset.done $0x0  }
0x102: {  	s23 =	simm.s32 $0xC;
	s22 =	rddreg [dreg:$0x15];
	[sflag:s21] =	ssyncadd.s32 $0xFFFFF000  }
0x103: {  	[hbm4b:s22+s3] =	stream.linear.scatter [tilespmem:s0], [sflag:$0x11], $0x1000, $0x38;
	[tilespmem:$0x15600] =	vst v63  }
0x104: {  	_ =	swait.ge [sflag:s23], $0x1000  }
0x105: {  	[sflag:s23] =	ssyncset.done $0x0  }
0x106: {  	s24 =	rddreg [dreg:$0x16];
	[sflag:s23] =	ssyncadd.s32 $0xFFFFF000  }
0x107: {  	[hbm4b:s24+s3] =	stream.linear.scatter [tilespmem:s2], [sflag:$0x11], $0x1000, $0x38;
	[tilespmem:$0x15600] =	vst v63  }
0x108: {  	_ =	swait.ge [sflag:s16], $0x1000  }
0x109: {  	[sflag:s16] =	ssyncset.done $0x0  }
0x10a: {  	s5 =	rddreg [dreg:$0x17];
	[sflag:s16] =	ssyncadd.s32 $0xFFFFF000  }
0x10b: {  	[hbm4b:s5+s3] =	stream.linear.scatter [tilespmem:s11], [sflag:$0x11], $0x1000, $0x38;
	[tilespmem:$0x15600] =	vst v63  }
0x10c: {  	_ =	swait.ge [sflag:s17], $0x1000  }
0x10d: {  	[sflag:s17] =	ssyncset.done $0x0  }
0x10e: {  	s22 =	rddreg [dreg:$0x18];
	[sflag:s17] =	ssyncadd.s32 $0xFFFFF000  }
0x10f: {  	[hbm4b:s22+s3] =	stream.linear.scatter [tilespmem:s12], [sflag:$0x11], $0x1000, $0x38;
	[tilespmem:$0x15600] =	vst v63  }
0x110: {  	_ =	swait.ge [sflag:s18], $0x1000  }
0x111: {  	[sflag:s18] =	ssyncset.done $0x0  }
0x112: {  	s23 =	rddreg [dreg:$0x19];
	[sflag:s18] =	ssyncadd.s32 $0xFFFFF000  }
0x113: {  	[hbm4b:s23+s3] =	stream.linear.scatter [tilespmem:s13], [sflag:$0x11], $0x1000, $0x38;
	[tilespmem:$0x15600] =	vst v63  }
0x114: {  	_ =	swait.ge [sflag:s19], $0x1000  }
0x115: {  	[sflag:s19] =	ssyncset.done $0x0  }
0x116: {  	s24 =	rddreg [dreg:$0x1a];
	[sflag:s19] =	ssyncadd.s32 $0xFFFFF000  }
0x117: {  	[hbm4b:s24+s3] =	stream.linear.scatter [tilespmem:s14], [sflag:$0x11], $0x1000, $0x38;
	[tilespmem:$0x15600] =	vst v63  }
0x118: {  	_ =	swait.ge [sflag:s20], $0x1000  }
0x119: {  	[sflag:s20] =	ssyncset.done $0x0  }
0x11a: {  	[sflag:s20] =	ssyncadd.s32 $0xFFFFF000  }
0x11b: {  	_ =	swait.ge [sflag:s20], $0x1000  }
0x11c: {  	[sflag:s20] =	ssyncset.done $0x0  }
0x11d: {  	[sflag:s20] =	ssyncadd.s32 $0xFFFFF000  }
0x11e: {  	_ =	swait.ge [sflag:s20], $0x1000  }
0x11f: {  	[sflag:s20] =	ssyncset.done $0x0  }
0x120: {  	[sflag:s20] =	ssyncadd.s32 $0xFFFFF000  }
0x121: {  	_ =	swait.ge [sflag:s20], $0x1000  }
0x122: {  	[sflag:s20] =	ssyncset.done $0x0  }
0x123: {  	[sflag:s20] =	ssyncadd.s32 $0xFFFFF000  }
0x124: {  	_ =	swait.ge [sflag:s20], $0x1000  }
0x125: {  	[sflag:s20] =	ssyncset.done $0x0  }
0x126: {  	[sflag:s20] =	ssyncadd.s32 $0xFFFFF000  }
0x127: {  	_ =	swait.ge [sflag:s20], $0x1000  }
0x128: {  	[sflag:s20] =	ssyncset.done $0x0  }
0x129: {  	[sflag:s20] =	ssyncadd.s32 $0xFFFFF000  }
0x12a: {  	_ =	swait.ge [sflag:s20], $0x1000  }
0x12b: {  	[sflag:s20] =	ssyncset.done $0x0  }
0x12c: {  	[sflag:s20] =	ssyncadd.s32 $0xFFFFF000  }
0x12d: {  	_ =	swait.ge [sflag:s20], $0x1000  }
0x12e: {  	[sflag:s20] =	ssyncset.done $0x0  }
0x12f: {  	[sflag:s20] =	ssyncadd.s32 $0xFFFFF000  }
0x130: {  	_ =	swait.ge [sflag:s20], $0x1000  }
0x131: {  	[sflag:s20] =	ssyncset.done $0x0  }
0x132: {  	[sflag:s20] =	ssyncadd.s32 $0xFFFFF000  }
0x133: {  	_ =	swait.ge [sflag:s20], $0x1000  }
0x134: {  	[sflag:s20] =	ssyncset.done $0x0  }
0x135: {  	[sflag:s20] =	ssyncadd.s32 $0xFFFFF000  }
0x136: {  	_ =	swait.ge [sflag:s20], $0x1000  }
0x137: {  	[sflag:s20] =	ssyncset.done $0x0  }
0x138: {  	[sflag:s20] =	ssyncadd.s32 $0xFFFFF000  }
0x139: {  	_ =	swait.ge [sflag:s20], $0x1000  }
0x13a: {  	[sflag:s20] =	ssyncset.done $0x0  }
0x13b: {  	[sflag:s20] =	ssyncadd.s32 $0xFFFFF000  }
0x13c: {  	_ =	swait.ge [sflag:s20], $0x1000  }
0x13d: {  	[sflag:s20] =	ssyncset.done $0x0  }
0x13e: {  	[sflag:s20] =	ssyncadd.s32 $0xFFFFF000  }
0x13f: {  	_ =	swait.ge [sflag:s20], $0x1000  }
0x140: {  	[sflag:s20] =	ssyncset.done $0x0  }
0x141: {  	[sflag:s20] =	ssyncadd.s32 $0xFFFFF000  }
0x142: {  	p0 =	sne.s32 s6, $0x1;
	_ =	swait.ge [sflag:s20], $0x1000  }
.Ltmp0:
0x143: {  	[sflag:s20] =	ssyncset.done $0x0;
	(pc) =	sbr.rel @p0 .LBB2_1-.Ltmp0, $4  }
0x144: {  	[sflag:s20] =	ssyncadd.s32 $0xFFFFF000  }
0x145: {  	_ =	swait.ge [sflag:s20], $0x1000  }
0x146: {  	[sflag:s20] =	ssyncset.done $0x0  }
0x147: {  	s6 =	sadd.s32 $0xFFFFFFFF, s6;
	[sflag:s20] =	ssyncadd.s32 $0xFFFFF000  }
0x148: {  	_ =	sfence.sel $0x180000  }
0x149: {  	[bflag:$0x0] =	sbarrier.arrive $0xFFFF  }
0x14a: {  	_ =	strace $0x90000047  }
0x14b: {  	s0 =	stileid.u32;
	[bflag:$0x2] =	sbarrier.arrive $0xFFFF  }
0x14c: {  	p0 =	sne.s32 s0, $0x0;
	s0 =	rddreg [dreg:$0x6]  }
0x14d: {  	s0 =	sadd.s32 @!p0 $0x100000, s0  }
0x14e: {  	[sflag:s0] =	ssyncadd.tile.s32 @!p0 $0x1;
	_ =	shalt  }
.Lfunc_end2:
_tile_overlayer_lowered:
.L_overlay_start_2:
0x14f: {  	(tag) =	ssettag $0x2  }
0x150: {  	s0 =	rddreg [dreg:$0x0];
	s2 =	stileid.u32  }
0x151: {  	s1 =	rddreg [dreg:$0x1];
	p0 =	sne.s32 s2, $0x0  }
0x152: {  	s3 =	rddreg [dreg:$0x2];
	[bflag:$0x3] =	sbarrier.arrive $0xFFFF;
	s2 =	simm.s32 @!p0 $0x1C13  }
0x153: {  	[timem:s3], [sflag:s2] =	dma.local @!p0 [hbm:s0], s1  }
0x154: {  	s0 =	simm.s32 @!p0 $0x13  }
0x155: {  	_ =	swait.ge @!p0 [sflag:s0], s1  }
0x156: {  	s1 =	ssub.s32 @!p0 $0x0, s1;
	[sflag:s0] =	ssyncset.done @!p0 $0x0  }
0x157: {  	[sflag:s0] =	ssyncadd.s32 @!p0 s1  }
0x158: {  	[bflag:$0x3] =	sbarrier.arrive $0xFFFF  }
0x159: {  	_ =	shalt  }

</sc_bundles>
